<compile_context>
chip_gen: v7x
topology: tpu7x:2x2x1
jax: 0.10.2.dev20260603
libtpu: 0.0.44.dev20260713+nightly
codegen_flags: <defaults>
</compile_context>

<pallas_src>
import functools

import jax
import jax.numpy as jnp
from jax import lax
from jax.experimental import pallas as pl
from jax.experimental.pallas import tpu as pltpu
from jax.experimental.pallas import tpu_sc as plsc

MAXDEG = 8
DIM = 256
PF = 4
NROWS = 300
NPAD = 304
ROW_BLK = 8


def _idiv(a, n):
    return lax.div(a, jnp.full((16,), n, jnp.int32))


def _sc_gather_tile(edge_index, z_degree):
    info = plsc.get_sparse_core_info()
    nc = info.num_cores
    mesh = plsc.VectorSubcoreMesh(core_axis_name="c", subcore_axis_name="s")

    @functools.partial(
        pl.kernel,
        mesh=mesh,
        compiler_params=pltpu.CompilerParams(needs_layout_passes=False),
        out_type=jax.ShapeDtypeStruct((NPAD, DIM), jnp.float32),
        scratch_types=[
            pltpu.VMEM((48,), jnp.int32),
            pltpu.VMEM((32,), jnp.int32),
            pltpu.VMEM((128,), jnp.int32),
            pltpu.VMEM((128,), jnp.int32),
            pltpu.VMEM((48,), jnp.int32),
            pltpu.VMEM((128, DIM), jnp.float32),
            pltpu.VMEM((128, DIM), jnp.float32),
            pltpu.VMEM((48, DIM), jnp.float32),
            pltpu.SemaphoreType.DMA,
        ],
    )
    def sc_k(edge_hbm, z_hbm, out_hbm, src_v, deg_v, ia_v, ib_v, ic_v,
             ra_v, rb_v, rc_v, sem):
        wid = lax.axis_index("s") * nc + lax.axis_index("c")

        @pl.when(wid == 0)
        def _():
            pltpu.sync_copy(edge_hbm.at[0], src_v)
            zero16 = jnp.zeros((16,), jnp.int32)
            deg_v[pl.ds(0, 16)] = zero16
            deg_v[pl.ds(16, 16)] = zero16
            one16 = jnp.ones((16,), jnp.int32)
            for e in range(3):
                plsc.addupdate_scatter(deg_v, [src_v[pl.ds(e * 16, 16)]], one16)
            for ch in range(2):
                d = deg_v[pl.ds(ch * 16, 16)]
                d = jnp.maximum(jnp.minimum(d, MAXDEG) - 1, 0)
                deg_v[pl.ds(ch * 16, 16)] = d
            idx_bufs = ((ia_v, 0), (ib_v, 128), (ic_v, 256))
            for buf, base in idx_bufs:
                for ch in range(buf.shape[0] // 16):
                    r = lax.iota(jnp.int32, 16) + (base + ch * 16)
                    wh = _idiv(r, 20)
                    p1 = _idiv(r - wh * 20, 4)
                    j = (wh - _idiv(wh, 5) * 5) * 5 + p1
                    buf[pl.ds(ch * 16, 16)] = plsc.load_gather(deg_v, [j])
            cps = [
                pltpu.async_copy(z_hbm.at[ia_v], ra_v, sem),
                pltpu.async_copy(z_hbm.at[ib_v], rb_v, sem),
                pltpu.async_copy(z_hbm.at[ic_v], rc_v, sem),
            ]
            for cp in cps:
                cp.wait()
            pltpu.sync_copy(ra_v, out_hbm.at[pl.ds(0, 128)])
            pltpu.sync_copy(rb_v, out_hbm.at[pl.ds(128, 128)])
            pltpu.sync_copy(rc_v, out_hbm.at[pl.ds(256, 48)])

    return sc_k(edge_index, z_degree)


def _tc_broadcast(tile2, b, f):
    nchunk = (b * f) // ROW_BLK
    window = 8

    def body(t_hbm, o_hbm, t_v, insem, osem):
        fills = [pltpu.async_copy(t_hbm, t_v.at[k], insem)
                 for k in range(ROW_BLK)]
        for c in fills:
            c.wait()
        cps = []
        for i in range(nchunk):
            cps.append(pltpu.async_copy(
                t_v, o_hbm.at[pl.ds(i * ROW_BLK, ROW_BLK)], osem))
            if i >= window:
                cps[i - window].wait()
        for c in cps[-window:]:
            c.wait()

    return pl.pallas_call(
        body,
        in_specs=[pl.BlockSpec(memory_space=pltpu.MemorySpace.HBM)],
        out_specs=pl.BlockSpec(memory_space=pltpu.MemorySpace.HBM),
        out_shape=jax.ShapeDtypeStruct((b * f, 15, 5120), jnp.float32),
        scratch_shapes=[
            pltpu.VMEM((ROW_BLK, 15, 5120), jnp.float32),
            pltpu.SemaphoreType.DMA,
            pltpu.SemaphoreType.DMA,
        ],
    )(tile2)


def kernel(x, z_degree, edge_index):
    b, _, F, J, Wc = x.shape
    f = F // PF
    rows = _sc_gather_tile(edge_index, z_degree)
    tile = rows[:NROWS].reshape(15, 5120)
    flat = _tc_broadcast(tile, b, f)
    return flat.reshape(b, f, 15, 5120)

# --- scband reference (transcript-rebuilt; emitter-appended) ---
"""Pipeline reference for scband-centrality-encoder-55327768708484 (READ-ONLY COPY).

The authoritative reference and input builder live on the scoring server;
editing this copy changes nothing except your own understanding.
"""

import jax, jax.numpy as jnp
import numpy as np

MAX_DEGREE = 8
DIM = 256
P1 = 5   # patch_height
P2 = 1   # patch_width
PF = 4   # frame_patch_size
N_NODE = 25

_EDGES = [[4, 5], [5, 6], [6, 7], [7, 21], [7, 22], [8, 9], [9, 10], [10, 11], [11, 23], [11, 24], [12, 13], [13, 14], [14, 15], [16, 17], [17, 18], [18, 19], [0, 1], [1, 20], [20, 2], [2, 3], [0, 12], [0, 16], [20, 4], [20, 8]]


def _edge_index():
    undir = []
    for u, v in _EDGES:
        undir.append([u, v])
        undir.append([v, u])
    return jnp.asarray(np.array(undir, dtype=np.int32).T)  # [2, 2*len(edges)]


def setup_inputs(seed: int = 0) -> dict:
    key = jax.random.key(seed)
    k1, k2 = jax.random.split(key)
    x = jax.random.normal(k1, (16, 3, 128, 25, 3), dtype=jnp.float32)
    z_degree = jax.random.normal(k2, (MAX_DEGREE, DIM), dtype=jnp.float32)
    return {"x": x, "z_degree": z_degree, "edge_index": _edge_index()}


def reference(x, z_degree, edge_index):
    b, _, F, J, Wc = x.shape
    # degree of each node from source indices (scatter-add / bincount)
    deg = jnp.bincount(edge_index[0], length=N_NODE)
    deg = jnp.minimum(deg, MAX_DEGREE)
    # embedding lookup: gather rows of z_degree by (deg - 1)
    central_embed = jnp.take(z_degree, deg - 1, axis=0)  # [25, DIM]
    ee = central_embed.T[None, :, None, :, None]  # [1, DIM, 1, 25, 1]
    ee = jnp.broadcast_to(ee, (b, DIM, F, J, Wc))
    # rearrange 'b c (f pf) (h p1) (w p2) -> b f (w h) (p1 p2 pf c)'
    f = F // PF
    h = J // P1
    w = Wc // P2
    t = ee.reshape(b, DIM, f, PF, h, P1, w, P2)
    t = jnp.transpose(t, (0, 2, 6, 4, 5, 7, 3, 1))  # b f w h p1 p2 pf c
    out = t.reshape(b, f, w * h, P1 * P2 * PF * DIM)
    return out

if __name__ == "__main__":
    import jax
    _d = setup_inputs()
    print(jax.jit(kernel)(*tuple(_d.values())))

</pallas_src>

<mosaic_0001>
#map = affine_map<(d0, d1) -> (0, 0)>
module attributes {stable_mosaic.version = 14 : i64} {
  func.func @sc_k(%arg0: i32, %arg1: i32, %arg2: memref<2x48xi32, #tpu.memory_space<hbm>>, %arg3: memref<8x256xf32, #tpu.memory_space<hbm>>, %arg4: memref<304x256xf32, #tpu.memory_space<hbm>>, %arg5: memref<48xi32, #tpu.memory_space<vmem>>, %arg6: memref<32xi32, #tpu.memory_space<vmem>>, %arg7: memref<128xi32, #tpu.memory_space<vmem>>, %arg8: memref<128xi32, #tpu.memory_space<vmem>>, %arg9: memref<48xi32, #tpu.memory_space<vmem>>, %arg10: memref<128x256xf32, #tpu.memory_space<vmem>>, %arg11: memref<128x256xf32, #tpu.memory_space<vmem>>, %arg12: memref<48x256xf32, #tpu.memory_space<vmem>>, %arg13: memref<!tpu.dma_semaphore, #tpu.memory_space<semaphore_mem>>) attributes {dimension_semantics = [#tpu.dimension_semantics<core_parallel>, #tpu.dimension_semantics<subcore_parallel>], iteration_bounds = array<i64: 2, 16>, scalar_prefetch = 0 : i64, scratch_operands = 9 : i64, tpu.core_type = #tpu.core_type<sc_vector_subcore>, window_params = [{transform_indices = #map}, {transform_indices = #map}, {transform_indices = #map}]} {
    %mul3A = arith.constant 2 : i32
    %mul3A_0 = arith.muli %arg1, %mul3A : i32
    %add3A = arith.addi %mul3A_0, %arg0 : i32
    %eq3A = arith.constant 0 : i32
    %eq3A_1 = arith.cmpi eq, %add3A, %eq3A : i32
    %convert_element_type3A = arith.extui %eq3A_1 : i1 to i32
    %cond3A = arith.constant 0 : i32
    %cond3A_2 = arith.cmpi ne, %convert_element_type3A, %cond3A : i32
    scf.if %cond3A_2 {
      %run_scoped3A = arith.constant 0 : i32
      "tpu.region"() ({
        %run_scoped3A_582 = tpu.sem_alloc : memref<!tpu.dma_semaphore, #tpu.memory_space<semaphore_mem>>
        %dma_start3A_583 = arith.constant 0 : i32
        %dma_start3A_584 = tpu.memref_slice %arg2[%run_scoped3A, %dma_start3A_583] : memref<2x48xi32, #tpu.memory_space<hbm>> -> memref<1x48xi32, #tpu.memory_space<hbm>>
        %dma_start3A_585 = tpu.memref_squeeze %dma_start3A_584 : memref<1x48xi32, #tpu.memory_space<hbm>> -> memref<48xi32, #tpu.memory_space<hbm>>
        %dma_start3A_586 = arith.constant 0 : i32
        %dma_start3A_587 = tpu.memref_slice %arg2[%run_scoped3A, %dma_start3A_586] : memref<2x48xi32, #tpu.memory_space<hbm>> -> memref<1x48xi32, #tpu.memory_space<hbm>>
        %dma_start3A_588 = tpu.memref_squeeze %dma_start3A_587 : memref<1x48xi32, #tpu.memory_space<hbm>> -> memref<48xi32, #tpu.memory_space<hbm>>
        tpu.enqueue_dma source(%dma_start3A_588 : memref<48xi32, #tpu.memory_space<hbm>>) target(%arg5 : memref<48xi32, #tpu.memory_space<vmem>>) target_semaphore(%run_scoped3A_582 : memref<!tpu.dma_semaphore, #tpu.memory_space<semaphore_mem>>)
        %dma_wait3A_589 = arith.constant 0 : i32
        %dma_wait3A_590 = tpu.memref_slice %arg2[%run_scoped3A, %dma_wait3A_589] : memref<2x48xi32, #tpu.memory_space<hbm>> -> memref<1x48xi32, #tpu.memory_space<hbm>>
        %dma_wait3A_591 = tpu.memref_squeeze %dma_wait3A_590 : memref<1x48xi32, #tpu.memory_space<hbm>> -> memref<48xi32, #tpu.memory_space<hbm>>
        %dma_wait3A_592 = arith.constant 0 : i32
        %dma_wait3A_593 = tpu.memref_slice %arg2[%run_scoped3A, %dma_wait3A_592] : memref<2x48xi32, #tpu.memory_space<hbm>> -> memref<1x48xi32, #tpu.memory_space<hbm>>
        %dma_wait3A_594 = tpu.memref_squeeze %dma_wait3A_593 : memref<1x48xi32, #tpu.memory_space<hbm>> -> memref<48xi32, #tpu.memory_space<hbm>>
        tpu.wait_dma2 semaphore(%run_scoped3A_582 : memref<!tpu.dma_semaphore, #tpu.memory_space<semaphore_mem>>) src(%dma_wait3A_594 : memref<48xi32, #tpu.memory_space<hbm>>) dst(%arg5 : memref<48xi32, #tpu.memory_space<vmem>>)
        tpu.yield
      }) : () -> ()
      %broadcast_in_dim3A = arith.constant 0 : i32
      %broadcast_in_dim3A_3 = vector.broadcast %broadcast_in_dim3A : i32 to vector<16xi32>
      %swap3A = arith.constant 0 : index
      %swap3A_4 = tpu.vector_load %arg6[%swap3A] {strides = array<i32>} : memref<32xi32, #tpu.memory_space<vmem>>, vector<16xi32>,
      tpu.vector_store %arg6[%swap3A], %broadcast_in_dim3A_3 {strides = array<i32>} : memref<32xi32, #tpu.memory_space<vmem>>, vector<16xi32>,
      %swap3A_5 = arith.constant 16 : index
      %swap3A_6 = tpu.vector_load %arg6[%swap3A_5] {strides = array<i32>} : memref<32xi32, #tpu.memory_space<vmem>>, vector<16xi32>,
      tpu.vector_store %arg6[%swap3A_5], %broadcast_in_dim3A_3 {strides = array<i32>} : memref<32xi32, #tpu.memory_space<vmem>>, vector<16xi32>,
      %broadcast_in_dim3A_7 = arith.constant 1 : i32
      %broadcast_in_dim3A_8 = vector.broadcast %broadcast_in_dim3A_7 : i32 to vector<16xi32>
      %get3A = arith.constant 0 : index
      %get3A_9 = tpu.vector_load %arg5[%get3A] {strides = array<i32>} : memref<48xi32, #tpu.memory_space<vmem>>, vector<16xi32>,
      tpu.vector_store_idx %arg6[%get3A_9], %broadcast_in_dim3A_8 {add = true} : memref<32xi32, #tpu.memory_space<vmem>>[vector<16xi32>], vector<16xi32>,
      %get3A_10 = arith.constant 16 : index
      %get3A_11 = tpu.vector_load %arg5[%get3A_10] {strides = array<i32>} : memref<48xi32, #tpu.memory_space<vmem>>, vector<16xi32>,
      tpu.vector_store_idx %arg6[%get3A_11], %broadcast_in_dim3A_8 {add = true} : memref<32xi32, #tpu.memory_space<vmem>>[vector<16xi32>], vector<16xi32>,
      %get3A_12 = arith.constant 32 : index
      %get3A_13 = tpu.vector_load %arg5[%get3A_12] {strides = array<i32>} : memref<48xi32, #tpu.memory_space<vmem>>, vector<16xi32>,
      tpu.vector_store_idx %arg6[%get3A_13], %broadcast_in_dim3A_8 {add = true} : memref<32xi32, #tpu.memory_space<vmem>>[vector<16xi32>], vector<16xi32>,
      %get3A_14 = arith.constant 0 : index
      %get3A_15 = tpu.vector_load %arg6[%get3A_14] {strides = array<i32>} : memref<32xi32, #tpu.memory_space<vmem>>, vector<16xi32>,
      %min3A = arith.constant 8 : i32
      %min3A_16 = vector.broadcast %min3A : i32 to vector<16xi32>
      %min3A_17 = arith.minsi %get3A_15, %min3A_16 : vector<16xi32>
      %sub3A = arith.constant 1 : i32
      %sub3A_18 = vector.broadcast %sub3A : i32 to vector<16xi32>
      %sub3A_19 = arith.subi %min3A_17, %sub3A_18 : vector<16xi32>
      %max3A = arith.constant 0 : i32
      %max3A_20 = vector.broadcast %max3A : i32 to vector<16xi32>
      %max3A_21 = arith.maxsi %sub3A_19, %max3A_20 : vector<16xi32>
      %swap3A_22 = arith.constant 0 : index
      %swap3A_23 = tpu.vector_load %arg6[%swap3A_22] {strides = array<i32>} : memref<32xi32, #tpu.memory_space<vmem>>, vector<16xi32>,
      tpu.vector_store %arg6[%swap3A_22], %max3A_21 {strides = array<i32>} : memref<32xi32, #tpu.memory_space<vmem>>, vector<16xi32>,
      %get3A_24 = arith.constant 16 : index
      %get3A_25 = tpu.vector_load %arg6[%get3A_24] {strides = array<i32>} : memref<32xi32, #tpu.memory_space<vmem>>, vector<16xi32>,
      %min3A_26 = arith.constant 8 : i32
      %min3A_27 = vector.broadcast %min3A_26 : i32 to vector<16xi32>
      %min3A_28 = arith.minsi %get3A_25, %min3A_27 : vector<16xi32>
      %sub3A_29 = arith.constant 1 : i32
      %sub3A_30 = vector.broadcast %sub3A_29 : i32 to vector<16xi32>
      %sub3A_31 = arith.subi %min3A_28, %sub3A_30 : vector<16xi32>
      %max3A_32 = arith.constant 0 : i32
      %max3A_33 = vector.broadcast %max3A_32 : i32 to vector<16xi32>
      %max3A_34 = arith.maxsi %sub3A_31, %max3A_33 : vector<16xi32>
      %swap3A_35 = arith.constant 16 : index
      %swap3A_36 = tpu.vector_load %arg6[%swap3A_35] {strides = array<i32>} : memref<32xi32, #tpu.memory_space<vmem>>, vector<16xi32>,
      tpu.vector_store %arg6[%swap3A_35], %max3A_34 {strides = array<i32>} : memref<32xi32, #tpu.memory_space<vmem>>, vector<16xi32>,
      %iota3A = tpu.iota {dimensions = array<i32: 0>} : vector<16xi32>
      %add3A_37 = arith.constant 0 : i32
      %add3A_38 = vector.broadcast %add3A_37 : i32 to vector<16xi32>
      %add3A_39 = arith.addi %iota3A, %add3A_38 : vector<16xi32>
      %broadcast_in_dim3A_40 = arith.constant 20 : i32
      %broadcast_in_dim3A_41 = vector.broadcast %broadcast_in_dim3A_40 : i32 to vector<16xi32>
      %div3A = arith.divsi %add3A_39, %broadcast_in_dim3A_41 : vector<16xi32>
      %mul3A_42 = arith.constant 20 : i32
      %mul3A_43 = vector.broadcast %mul3A_42 : i32 to vector<16xi32>
      %mul3A_44 = arith.muli %div3A, %mul3A_43 : vector<16xi32>
      %sub3A_45 = arith.subi %add3A_39, %mul3A_44 : vector<16xi32>
      %broadcast_in_dim3A_46 = arith.constant 4 : i32
      %broadcast_in_dim3A_47 = vector.broadcast %broadcast_in_dim3A_46 : i32 to vector<16xi32>
      %div3A_48 = arith.divsi %sub3A_45, %broadcast_in_dim3A_47 : vector<16xi32>
      %broadcast_in_dim3A_49 = arith.constant 5 : i32
      %broadcast_in_dim3A_50 = vector.broadcast %broadcast_in_dim3A_49 : i32 to vector<16xi32>
      %div3A_51 = arith.divsi %div3A, %broadcast_in_dim3A_50 : vector<16xi32>
      %mul3A_52 = arith.constant 5 : i32
      %mul3A_53 = vector.broadcast %mul3A_52 : i32 to vector<16xi32>
      %mul3A_54 = arith.muli %div3A_51, %mul3A_53 : vector<16xi32>
      %sub3A_55 = arith.subi %div3A, %mul3A_54 : vector<16xi32>
      %mul3A_56 = arith.constant 5 : i32
      %mul3A_57 = vector.broadcast %mul3A_56 : i32 to vector<16xi32>
      %mul3A_58 = arith.muli %sub3A_55, %mul3A_57 : vector<16xi32>
      %add3A_59 = arith.addi %mul3A_58, %div3A_48 : vector<16xi32>
      %gather3A = tpu.vector_load_idx %arg6[%add3A_59] : memref<32xi32, #tpu.memory_space<vmem>>[vector<16xi32>], vector<16xi32>,
      %swap3A_60 = arith.constant 0 : index
      %swap3A_61 = tpu.vector_load %arg7[%swap3A_60] {strides = array<i32>} : memref<128xi32, #tpu.memory_space<vmem>>, vector<16xi32>,
      tpu.vector_store %arg7[%swap3A_60], %gather3A {strides = array<i32>} : memref<128xi32, #tpu.memory_space<vmem>>, vector<16xi32>,
      %iota3A_62 = tpu.iota {dimensions = array<i32: 0>} : vector<16xi32>
      %add3A_63 = arith.constant 16 : i32
      %add3A_64 = vector.broadcast %add3A_63 : i32 to vector<16xi32>
      %add3A_65 = arith.addi %iota3A_62, %add3A_64 : vector<16xi32>
      %broadcast_in_dim3A_66 = arith.constant 20 : i32
      %broadcast_in_dim3A_67 = vector.broadcast %broadcast_in_dim3A_66 : i32 to vector<16xi32>
      %div3A_68 = arith.divsi %add3A_65, %broadcast_in_dim3A_67 : vector<16xi32>
      %mul3A_69 = arith.constant 20 : i32
      %mul3A_70 = vector.broadcast %mul3A_69 : i32 to vector<16xi32>
      %mul3A_71 = arith.muli %div3A_68, %mul3A_70 : vector<16xi32>
      %sub3A_72 = arith.subi %add3A_65, %mul3A_71 : vector<16xi32>
      %broadcast_in_dim3A_73 = arith.constant 4 : i32
      %broadcast_in_dim3A_74 = vector.broadcast %broadcast_in_dim3A_73 : i32 to vector<16xi32>
      %div3A_75 = arith.divsi %sub3A_72, %broadcast_in_dim3A_74 : vector<16xi32>
      %broadcast_in_dim3A_76 = arith.constant 5 : i32
      %broadcast_in_dim3A_77 = vector.broadcast %broadcast_in_dim3A_76 : i32 to vector<16xi32>
      %div3A_78 = arith.divsi %div3A_68, %broadcast_in_dim3A_77 : vector<16xi32>
      %mul3A_79 = arith.constant 5 : i32
      %mul3A_80 = vector.broadcast %mul3A_79 : i32 to vector<16xi32>
      %mul3A_81 = arith.muli %div3A_78, %mul3A_80 : vector<16xi32>
      %sub3A_82 = arith.subi %div3A_68, %mul3A_81 : vector<16xi32>
      %mul3A_83 = arith.constant 5 : i32
      %mul3A_84 = vector.broadcast %mul3A_83 : i32 to vector<16xi32>
      %mul3A_85 = arith.muli %sub3A_82, %mul3A_84 : vector<16xi32>
      %add3A_86 = arith.addi %mul3A_85, %div3A_75 : vector<16xi32>
      %gather3A_87 = tpu.vector_load_idx %arg6[%add3A_86] : memref<32xi32, #tpu.memory_space<vmem>>[vector<16xi32>], vector<16xi32>,
      %swap3A_88 = arith.constant 16 : index
      %swap3A_89 = tpu.vector_load %arg7[%swap3A_88] {strides = array<i32>} : memref<128xi32, #tpu.memory_space<vmem>>, vector<16xi32>,
      tpu.vector_store %arg7[%swap3A_88], %gather3A_87 {strides = array<i32>} : memref<128xi32, #tpu.memory_space<vmem>>, vector<16xi32>,
      %iota3A_90 = tpu.iota {dimensions = array<i32: 0>} : vector<16xi32>
      %add3A_91 = arith.constant 32 : i32
      %add3A_92 = vector.broadcast %add3A_91 : i32 to vector<16xi32>
      %add3A_93 = arith.addi %iota3A_90, %add3A_92 : vector<16xi32>
      %broadcast_in_dim3A_94 = arith.constant 20 : i32
      %broadcast_in_dim3A_95 = vector.broadcast %broadcast_in_dim3A_94 : i32 to vector<16xi32>
      %div3A_96 = arith.divsi %add3A_93, %broadcast_in_dim3A_95 : vector<16xi32>
      %mul3A_97 = arith.constant 20 : i32
      %mul3A_98 = vector.broadcast %mul3A_97 : i32 to vector<16xi32>
      %mul3A_99 = arith.muli %div3A_96, %mul3A_98 : vector<16xi32>
      %sub3A_100 = arith.subi %add3A_93, %mul3A_99 : vector<16xi32>
      %broadcast_in_dim3A_101 = arith.constant 4 : i32
      %broadcast_in_dim3A_102 = vector.broadcast %broadcast_in_dim3A_101 : i32 to vector<16xi32>
      %div3A_103 = arith.divsi %sub3A_100, %broadcast_in_dim3A_102 : vector<16xi32>
      %broadcast_in_dim3A_104 = arith.constant 5 : i32
      %broadcast_in_dim3A_105 = vector.broadcast %broadcast_in_dim3A_104 : i32 to vector<16xi32>
      %div3A_106 = arith.divsi %div3A_96, %broadcast_in_dim3A_105 : vector<16xi32>
      %mul3A_107 = arith.constant 5 : i32
      %mul3A_108 = vector.broadcast %mul3A_107 : i32 to vector<16xi32>
      %mul3A_109 = arith.muli %div3A_106, %mul3A_108 : vector<16xi32>
      %sub3A_110 = arith.subi %div3A_96, %mul3A_109 : vector<16xi32>
      %mul3A_111 = arith.constant 5 : i32
      %mul3A_112 = vector.broadcast %mul3A_111 : i32 to vector<16xi32>
      %mul3A_113 = arith.muli %sub3A_110, %mul3A_112 : vector<16xi32>
      %add3A_114 = arith.addi %mul3A_113, %div3A_103 : vector<16xi32>
      %gather3A_115 = tpu.vector_load_idx %arg6[%add3A_114] : memref<32xi32, #tpu.memory_space<vmem>>[vector<16xi32>], vector<16xi32>,
      %swap3A_116 = arith.constant 32 : index
      %swap3A_117 = tpu.vector_load %arg7[%swap3A_116] {strides = array<i32>} : memref<128xi32, #tpu.memory_space<vmem>>, vector<16xi32>,
      tpu.vector_store %arg7[%swap3A_116], %gather3A_115 {strides = array<i32>} : memref<128xi32, #tpu.memory_space<vmem>>, vector<16xi32>,
      %iota3A_118 = tpu.iota {dimensions = array<i32: 0>} : vector<16xi32>
      %add3A_119 = arith.constant 48 : i32
      %add3A_120 = vector.broadcast %add3A_119 : i32 to vector<16xi32>
      %add3A_121 = arith.addi %iota3A_118, %add3A_120 : vector<16xi32>
      %broadcast_in_dim3A_122 = arith.constant 20 : i32
      %broadcast_in_dim3A_123 = vector.broadcast %broadcast_in_dim3A_122 : i32 to vector<16xi32>
      %div3A_124 = arith.divsi %add3A_121, %broadcast_in_dim3A_123 : vector<16xi32>
      %mul3A_125 = arith.constant 20 : i32
      %mul3A_126 = vector.broadcast %mul3A_125 : i32 to vector<16xi32>
      %mul3A_127 = arith.muli %div3A_124, %mul3A_126 : vector<16xi32>
      %sub3A_128 = arith.subi %add3A_121, %mul3A_127 : vector<16xi32>
      %broadcast_in_dim3A_129 = arith.constant 4 : i32
      %broadcast_in_dim3A_130 = vector.broadcast %broadcast_in_dim3A_129 : i32 to vector<16xi32>
      %div3A_131 = arith.divsi %sub3A_128, %broadcast_in_dim3A_130 : vector<16xi32>
      %broadcast_in_dim3A_132 = arith.constant 5 : i32
      %broadcast_in_dim3A_133 = vector.broadcast %broadcast_in_dim3A_132 : i32 to vector<16xi32>
      %div3A_134 = arith.divsi %div3A_124, %broadcast_in_dim3A_133 : vector<16xi32>
      %mul3A_135 = arith.constant 5 : i32
      %mul3A_136 = vector.broadcast %mul3A_135 : i32 to vector<16xi32>
      %mul3A_137 = arith.muli %div3A_134, %mul3A_136 : vector<16xi32>
      %sub3A_138 = arith.subi %div3A_124, %mul3A_137 : vector<16xi32>
      %mul3A_139 = arith.constant 5 : i32
      %mul3A_140 = vector.broadcast %mul3A_139 : i32 to vector<16xi32>
      %mul3A_141 = arith.muli %sub3A_138, %mul3A_140 : vector<16xi32>
      %add3A_142 = arith.addi %mul3A_141, %div3A_131 : vector<16xi32>
      %gather3A_143 = tpu.vector_load_idx %arg6[%add3A_142] : memref<32xi32, #tpu.memory_space<vmem>>[vector<16xi32>], vector<16xi32>,
      %swap3A_144 = arith.constant 48 : index
      %swap3A_145 = tpu.vector_load %arg7[%swap3A_144] {strides = array<i32>} : memref<128xi32, #tpu.memory_space<vmem>>, vector<16xi32>,
      tpu.vector_store %arg7[%swap3A_144], %gather3A_143 {strides = array<i32>} : memref<128xi32, #tpu.memory_space<vmem>>, vector<16xi32>,
      %iota3A_146 = tpu.iota {dimensions = array<i32: 0>} : vector<16xi32>
      %add3A_147 = arith.constant 64 : i32
      %add3A_148 = vector.broadcast %add3A_147 : i32 to vector<16xi32>
      %add3A_149 = arith.addi %iota3A_146, %add3A_148 : vector<16xi32>
      %broadcast_in_dim3A_150 = arith.constant 20 : i32
      %broadcast_in_dim3A_151 = vector.broadcast %broadcast_in_dim3A_150 : i32 to vector<16xi32>
      %div3A_152 = arith.divsi %add3A_149, %broadcast_in_dim3A_151 : vector<16xi32>
      %mul3A_153 = arith.constant 20 : i32
      %mul3A_154 = vector.broadcast %mul3A_153 : i32 to vector<16xi32>
      %mul3A_155 = arith.muli %div3A_152, %mul3A_154 : vector<16xi32>
      %sub3A_156 = arith.subi %add3A_149, %mul3A_155 : vector<16xi32>
      %broadcast_in_dim3A_157 = arith.constant 4 : i32
      %broadcast_in_dim3A_158 = vector.broadcast %broadcast_in_dim3A_157 : i32 to vector<16xi32>
      %div3A_159 = arith.divsi %sub3A_156, %broadcast_in_dim3A_158 : vector<16xi32>
      %broadcast_in_dim3A_160 = arith.constant 5 : i32
      %broadcast_in_dim3A_161 = vector.broadcast %broadcast_in_dim3A_160 : i32 to vector<16xi32>
      %div3A_162 = arith.divsi %div3A_152, %broadcast_in_dim3A_161 : vector<16xi32>
      %mul3A_163 = arith.constant 5 : i32
      %mul3A_164 = vector.broadcast %mul3A_163 : i32 to vector<16xi32>
      %mul3A_165 = arith.muli %div3A_162, %mul3A_164 : vector<16xi32>
      %sub3A_166 = arith.subi %div3A_152, %mul3A_165 : vector<16xi32>
      %mul3A_167 = arith.constant 5 : i32
      %mul3A_168 = vector.broadcast %mul3A_167 : i32 to vector<16xi32>
      %mul3A_169 = arith.muli %sub3A_166, %mul3A_168 : vector<16xi32>
      %add3A_170 = arith.addi %mul3A_169, %div3A_159 : vector<16xi32>
      %gather3A_171 = tpu.vector_load_idx %arg6[%add3A_170] : memref<32xi32, #tpu.memory_space<vmem>>[vector<16xi32>], vector<16xi32>,
      %swap3A_172 = arith.constant 64 : index
      %swap3A_173 = tpu.vector_load %arg7[%swap3A_172] {strides = array<i32>} : memref<128xi32, #tpu.memory_space<vmem>>, vector<16xi32>,
      tpu.vector_store %arg7[%swap3A_172], %gather3A_171 {strides = array<i32>} : memref<128xi32, #tpu.memory_space<vmem>>, vector<16xi32>,
      %iota3A_174 = tpu.iota {dimensions = array<i32: 0>} : vector<16xi32>
      %add3A_175 = arith.constant 80 : i32
      %add3A_176 = vector.broadcast %add3A_175 : i32 to vector<16xi32>
      %add3A_177 = arith.addi %iota3A_174, %add3A_176 : vector<16xi32>
      %broadcast_in_dim3A_178 = arith.constant 20 : i32
      %broadcast_in_dim3A_179 = vector.broadcast %broadcast_in_dim3A_178 : i32 to vector<16xi32>
      %div3A_180 = arith.divsi %add3A_177, %broadcast_in_dim3A_179 : vector<16xi32>
      %mul3A_181 = arith.constant 20 : i32
      %mul3A_182 = vector.broadcast %mul3A_181 : i32 to vector<16xi32>
      %mul3A_183 = arith.muli %div3A_180, %mul3A_182 : vector<16xi32>
      %sub3A_184 = arith.subi %add3A_177, %mul3A_183 : vector<16xi32>
      %broadcast_in_dim3A_185 = arith.constant 4 : i32
      %broadcast_in_dim3A_186 = vector.broadcast %broadcast_in_dim3A_185 : i32 to vector<16xi32>
      %div3A_187 = arith.divsi %sub3A_184, %broadcast_in_dim3A_186 : vector<16xi32>
      %broadcast_in_dim3A_188 = arith.constant 5 : i32
      %broadcast_in_dim3A_189 = vector.broadcast %broadcast_in_dim3A_188 : i32 to vector<16xi32>
      %div3A_190 = arith.divsi %div3A_180, %broadcast_in_dim3A_189 : vector<16xi32>
      %mul3A_191 = arith.constant 5 : i32
      %mul3A_192 = vector.broadcast %mul3A_191 : i32 to vector<16xi32>
      %mul3A_193 = arith.muli %div3A_190, %mul3A_192 : vector<16xi32>
      %sub3A_194 = arith.subi %div3A_180, %mul3A_193 : vector<16xi32>
      %mul3A_195 = arith.constant 5 : i32
      %mul3A_196 = vector.broadcast %mul3A_195 : i32 to vector<16xi32>
      %mul3A_197 = arith.muli %sub3A_194, %mul3A_196 : vector<16xi32>
      %add3A_198 = arith.addi %mul3A_197, %div3A_187 : vector<16xi32>
      %gather3A_199 = tpu.vector_load_idx %arg6[%add3A_198] : memref<32xi32, #tpu.memory_space<vmem>>[vector<16xi32>], vector<16xi32>,
      %swap3A_200 = arith.constant 80 : index
      %swap3A_201 = tpu.vector_load %arg7[%swap3A_200] {strides = array<i32>} : memref<128xi32, #tpu.memory_space<vmem>>, vector<16xi32>,
      tpu.vector_store %arg7[%swap3A_200], %gather3A_199 {strides = array<i32>} : memref<128xi32, #tpu.memory_space<vmem>>, vector<16xi32>,
      %iota3A_202 = tpu.iota {dimensions = array<i32: 0>} : vector<16xi32>
      %add3A_203 = arith.constant 96 : i32
      %add3A_204 = vector.broadcast %add3A_203 : i32 to vector<16xi32>
      %add3A_205 = arith.addi %iota3A_202, %add3A_204 : vector<16xi32>
      %broadcast_in_dim3A_206 = arith.constant 20 : i32
      %broadcast_in_dim3A_207 = vector.broadcast %broadcast_in_dim3A_206 : i32 to vector<16xi32>
      %div3A_208 = arith.divsi %add3A_205, %broadcast_in_dim3A_207 : vector<16xi32>
      %mul3A_209 = arith.constant 20 : i32
      %mul3A_210 = vector.broadcast %mul3A_209 : i32 to vector<16xi32>
      %mul3A_211 = arith.muli %div3A_208, %mul3A_210 : vector<16xi32>
      %sub3A_212 = arith.subi %add3A_205, %mul3A_211 : vector<16xi32>
      %broadcast_in_dim3A_213 = arith.constant 4 : i32
      %broadcast_in_dim3A_214 = vector.broadcast %broadcast_in_dim3A_213 : i32 to vector<16xi32>
      %div3A_215 = arith.divsi %sub3A_212, %broadcast_in_dim3A_214 : vector<16xi32>
      %broadcast_in_dim3A_216 = arith.constant 5 : i32
      %broadcast_in_dim3A_217 = vector.broadcast %broadcast_in_dim3A_216 : i32 to vector<16xi32>
      %div3A_218 = arith.divsi %div3A_208, %broadcast_in_dim3A_217 : vector<16xi32>
      %mul3A_219 = arith.constant 5 : i32
      %mul3A_220 = vector.broadcast %mul3A_219 : i32 to vector<16xi32>
      %mul3A_221 = arith.muli %div3A_218, %mul3A_220 : vector<16xi32>
      %sub3A_222 = arith.subi %div3A_208, %mul3A_221 : vector<16xi32>
      %mul3A_223 = arith.constant 5 : i32
      %mul3A_224 = vector.broadcast %mul3A_223 : i32 to vector<16xi32>
      %mul3A_225 = arith.muli %sub3A_222, %mul3A_224 : vector<16xi32>
      %add3A_226 = arith.addi %mul3A_225, %div3A_215 : vector<16xi32>
      %gather3A_227 = tpu.vector_load_idx %arg6[%add3A_226] : memref<32xi32, #tpu.memory_space<vmem>>[vector<16xi32>], vector<16xi32>,
      %swap3A_228 = arith.constant 96 : index
      %swap3A_229 = tpu.vector_load %arg7[%swap3A_228] {strides = array<i32>} : memref<128xi32, #tpu.memory_space<vmem>>, vector<16xi32>,
      tpu.vector_store %arg7[%swap3A_228], %gather3A_227 {strides = array<i32>} : memref<128xi32, #tpu.memory_space<vmem>>, vector<16xi32>,
      %iota3A_230 = tpu.iota {dimensions = array<i32: 0>} : vector<16xi32>
      %add3A_231 = arith.constant 112 : i32
      %add3A_232 = vector.broadcast %add3A_231 : i32 to vector<16xi32>
      %add3A_233 = arith.addi %iota3A_230, %add3A_232 : vector<16xi32>
      %broadcast_in_dim3A_234 = arith.constant 20 : i32
      %broadcast_in_dim3A_235 = vector.broadcast %broadcast_in_dim3A_234 : i32 to vector<16xi32>
      %div3A_236 = arith.divsi %add3A_233, %broadcast_in_dim3A_235 : vector<16xi32>
      %mul3A_237 = arith.constant 20 : i32
      %mul3A_238 = vector.broadcast %mul3A_237 : i32 to vector<16xi32>
      %mul3A_239 = arith.muli %div3A_236, %mul3A_238 : vector<16xi32>
      %sub3A_240 = arith.subi %add3A_233, %mul3A_239 : vector<16xi32>
      %broadcast_in_dim3A_241 = arith.constant 4 : i32
      %broadcast_in_dim3A_242 = vector.broadcast %broadcast_in_dim3A_241 : i32 to vector<16xi32>
      %div3A_243 = arith.divsi %sub3A_240, %broadcast_in_dim3A_242 : vector<16xi32>
      %broadcast_in_dim3A_244 = arith.constant 5 : i32
      %broadcast_in_dim3A_245 = vector.broadcast %broadcast_in_dim3A_244 : i32 to vector<16xi32>
      %div3A_246 = arith.divsi %div3A_236, %broadcast_in_dim3A_245 : vector<16xi32>
      %mul3A_247 = arith.constant 5 : i32
      %mul3A_248 = vector.broadcast %mul3A_247 : i32 to vector<16xi32>
      %mul3A_249 = arith.muli %div3A_246, %mul3A_248 : vector<16xi32>
      %sub3A_250 = arith.subi %div3A_236, %mul3A_249 : vector<16xi32>
      %mul3A_251 = arith.constant 5 : i32
      %mul3A_252 = vector.broadcast %mul3A_251 : i32 to vector<16xi32>
      %mul3A_253 = arith.muli %sub3A_250, %mul3A_252 : vector<16xi32>
      %add3A_254 = arith.addi %mul3A_253, %div3A_243 : vector<16xi32>
      %gather3A_255 = tpu.vector_load_idx %arg6[%add3A_254] : memref<32xi32, #tpu.memory_space<vmem>>[vector<16xi32>], vector<16xi32>,
      %swap3A_256 = arith.constant 112 : index
      %swap3A_257 = tpu.vector_load %arg7[%swap3A_256] {strides = array<i32>} : memref<128xi32, #tpu.memory_space<vmem>>, vector<16xi32>,
      tpu.vector_store %arg7[%swap3A_256], %gather3A_255 {strides = array<i32>} : memref<128xi32, #tpu.memory_space<vmem>>, vector<16xi32>,
      %iota3A_258 = tpu.iota {dimensions = array<i32: 0>} : vector<16xi32>
      %add3A_259 = arith.constant 128 : i32
      %add3A_260 = vector.broadcast %add3A_259 : i32 to vector<16xi32>
      %add3A_261 = arith.addi %iota3A_258, %add3A_260 : vector<16xi32>
      %broadcast_in_dim3A_262 = arith.constant 20 : i32
      %broadcast_in_dim3A_263 = vector.broadcast %broadcast_in_dim3A_262 : i32 to vector<16xi32>
      %div3A_264 = arith.divsi %add3A_261, %broadcast_in_dim3A_263 : vector<16xi32>
      %mul3A_265 = arith.constant 20 : i32
      %mul3A_266 = vector.broadcast %mul3A_265 : i32 to vector<16xi32>
      %mul3A_267 = arith.muli %div3A_264, %mul3A_266 : vector<16xi32>
      %sub3A_268 = arith.subi %add3A_261, %mul3A_267 : vector<16xi32>
      %broadcast_in_dim3A_269 = arith.constant 4 : i32
      %broadcast_in_dim3A_270 = vector.broadcast %broadcast_in_dim3A_269 : i32 to vector<16xi32>
      %div3A_271 = arith.divsi %sub3A_268, %broadcast_in_dim3A_270 : vector<16xi32>
      %broadcast_in_dim3A_272 = arith.constant 5 : i32
      %broadcast_in_dim3A_273 = vector.broadcast %broadcast_in_dim3A_272 : i32 to vector<16xi32>
      %div3A_274 = arith.divsi %div3A_264, %broadcast_in_dim3A_273 : vector<16xi32>
      %mul3A_275 = arith.constant 5 : i32
      %mul3A_276 = vector.broadcast %mul3A_275 : i32 to vector<16xi32>
      %mul3A_277 = arith.muli %div3A_274, %mul3A_276 : vector<16xi32>
      %sub3A_278 = arith.subi %div3A_264, %mul3A_277 : vector<16xi32>
      %mul3A_279 = arith.constant 5 : i32
      %mul3A_280 = vector.broadcast %mul3A_279 : i32 to vector<16xi32>
      %mul3A_281 = arith.muli %sub3A_278, %mul3A_280 : vector<16xi32>
      %add3A_282 = arith.addi %mul3A_281, %div3A_271 : vector<16xi32>
      %gather3A_283 = tpu.vector_load_idx %arg6[%add3A_282] : memref<32xi32, #tpu.memory_space<vmem>>[vector<16xi32>], vector<16xi32>,
      %swap3A_284 = arith.constant 0 : index
      %swap3A_285 = tpu.vector_load %arg8[%swap3A_284] {strides = array<i32>} : memref<128xi32, #tpu.memory_space<vmem>>, vector<16xi32>,
      tpu.vector_store %arg8[%swap3A_284], %gather3A_283 {strides = array<i32>} : memref<128xi32, #tpu.memory_space<vmem>>, vector<16xi32>,
      %iota3A_286 = tpu.iota {dimensions = array<i32: 0>} : vector<16xi32>
      %add3A_287 = arith.constant 144 : i32
      %add3A_288 = vector.broadcast %add3A_287 : i32 to vector<16xi32>
      %add3A_289 = arith.addi %iota3A_286, %add3A_288 : vector<16xi32>
      %broadcast_in_dim3A_290 = arith.constant 20 : i32
      %broadcast_in_dim3A_291 = vector.broadcast %broadcast_in_dim3A_290 : i32 to vector<16xi32>
      %div3A_292 = arith.divsi %add3A_289, %broadcast_in_dim3A_291 : vector<16xi32>
      %mul3A_293 = arith.constant 20 : i32
      %mul3A_294 = vector.broadcast %mul3A_293 : i32 to vector<16xi32>
      %mul3A_295 = arith.muli %div3A_292, %mul3A_294 : vector<16xi32>
      %sub3A_296 = arith.subi %add3A_289, %mul3A_295 : vector<16xi32>
      %broadcast_in_dim3A_297 = arith.constant 4 : i32
      %broadcast_in_dim3A_298 = vector.broadcast %broadcast_in_dim3A_297 : i32 to vector<16xi32>
      %div3A_299 = arith.divsi %sub3A_296, %broadcast_in_dim3A_298 : vector<16xi32>
      %broadcast_in_dim3A_300 = arith.constant 5 : i32
      %broadcast_in_dim3A_301 = vector.broadcast %broadcast_in_dim3A_300 : i32 to vector<16xi32>
      %div3A_302 = arith.divsi %div3A_292, %broadcast_in_dim3A_301 : vector<16xi32>
      %mul3A_303 = arith.constant 5 : i32
      %mul3A_304 = vector.broadcast %mul3A_303 : i32 to vector<16xi32>
      %mul3A_305 = arith.muli %div3A_302, %mul3A_304 : vector<16xi32>
      %sub3A_306 = arith.subi %div3A_292, %mul3A_305 : vector<16xi32>
      %mul3A_307 = arith.constant 5 : i32
      %mul3A_308 = vector.broadcast %mul3A_307 : i32 to vector<16xi32>
      %mul3A_309 = arith.muli %sub3A_306, %mul3A_308 : vector<16xi32>
      %add3A_310 = arith.addi %mul3A_309, %div3A_299 : vector<16xi32>
      %gather3A_311 = tpu.vector_load_idx %arg6[%add3A_310] : memref<32xi32, #tpu.memory_space<vmem>>[vector<16xi32>], vector<16xi32>,
      %swap3A_312 = arith.constant 16 : index
      %swap3A_313 = tpu.vector_load %arg8[%swap3A_312] {strides = array<i32>} : memref<128xi32, #tpu.memory_space<vmem>>, vector<16xi32>,
      tpu.vector_store %arg8[%swap3A_312], %gather3A_311 {strides = array<i32>} : memref<128xi32, #tpu.memory_space<vmem>>, vector<16xi32>,
      %iota3A_314 = tpu.iota {dimensions = array<i32: 0>} : vector<16xi32>
      %add3A_315 = arith.constant 160 : i32
      %add3A_316 = vector.broadcast %add3A_315 : i32 to vector<16xi32>
      %add3A_317 = arith.addi %iota3A_314, %add3A_316 : vector<16xi32>
      %broadcast_in_dim3A_318 = arith.constant 20 : i32
      %broadcast_in_dim3A_319 = vector.broadcast %broadcast_in_dim3A_318 : i32 to vector<16xi32>
      %div3A_320 = arith.divsi %add3A_317, %broadcast_in_dim3A_319 : vector<16xi32>
      %mul3A_321 = arith.constant 20 : i32
      %mul3A_322 = vector.broadcast %mul3A_321 : i32 to vector<16xi32>
      %mul3A_323 = arith.muli %div3A_320, %mul3A_322 : vector<16xi32>
      %sub3A_324 = arith.subi %add3A_317, %mul3A_323 : vector<16xi32>
      %broadcast_in_dim3A_325 = arith.constant 4 : i32
      %broadcast_in_dim3A_326 = vector.broadcast %broadcast_in_dim3A_325 : i32 to vector<16xi32>
      %div3A_327 = arith.divsi %sub3A_324, %broadcast_in_dim3A_326 : vector<16xi32>
      %broadcast_in_dim3A_328 = arith.constant 5 : i32
      %broadcast_in_dim3A_329 = vector.broadcast %broadcast_in_dim3A_328 : i32 to vector<16xi32>
      %div3A_330 = arith.divsi %div3A_320, %broadcast_in_dim3A_329 : vector<16xi32>
      %mul3A_331 = arith.constant 5 : i32
      %mul3A_332 = vector.broadcast %mul3A_331 : i32 to vector<16xi32>
      %mul3A_333 = arith.muli %div3A_330, %mul3A_332 : vector<16xi32>
      %sub3A_334 = arith.subi %div3A_320, %mul3A_333 : vector<16xi32>
      %mul3A_335 = arith.constant 5 : i32
      %mul3A_336 = vector.broadcast %mul3A_335 : i32 to vector<16xi32>
      %mul3A_337 = arith.muli %sub3A_334, %mul3A_336 : vector<16xi32>
      %add3A_338 = arith.addi %mul3A_337, %div3A_327 : vector<16xi32>
      %gather3A_339 = tpu.vector_load_idx %arg6[%add3A_338] : memref<32xi32, #tpu.memory_space<vmem>>[vector<16xi32>], vector<16xi32>,
      %swap3A_340 = arith.constant 32 : index
      %swap3A_341 = tpu.vector_load %arg8[%swap3A_340] {strides = array<i32>} : memref<128xi32, #tpu.memory_space<vmem>>, vector<16xi32>,
      tpu.vector_store %arg8[%swap3A_340], %gather3A_339 {strides = array<i32>} : memref<128xi32, #tpu.memory_space<vmem>>, vector<16xi32>,
      %iota3A_342 = tpu.iota {dimensions = array<i32: 0>} : vector<16xi32>
      %add3A_343 = arith.constant 176 : i32
      %add3A_344 = vector.broadcast %add3A_343 : i32 to vector<16xi32>
      %add3A_345 = arith.addi %iota3A_342, %add3A_344 : vector<16xi32>
      %broadcast_in_dim3A_346 = arith.constant 20 : i32
      %broadcast_in_dim3A_347 = vector.broadcast %broadcast_in_dim3A_346 : i32 to vector<16xi32>
      %div3A_348 = arith.divsi %add3A_345, %broadcast_in_dim3A_347 : vector<16xi32>
      %mul3A_349 = arith.constant 20 : i32
      %mul3A_350 = vector.broadcast %mul3A_349 : i32 to vector<16xi32>
      %mul3A_351 = arith.muli %div3A_348, %mul3A_350 : vector<16xi32>
      %sub3A_352 = arith.subi %add3A_345, %mul3A_351 : vector<16xi32>
      %broadcast_in_dim3A_353 = arith.constant 4 : i32
      %broadcast_in_dim3A_354 = vector.broadcast %broadcast_in_dim3A_353 : i32 to vector<16xi32>
      %div3A_355 = arith.divsi %sub3A_352, %broadcast_in_dim3A_354 : vector<16xi32>
      %broadcast_in_dim3A_356 = arith.constant 5 : i32
      %broadcast_in_dim3A_357 = vector.broadcast %broadcast_in_dim3A_356 : i32 to vector<16xi32>
      %div3A_358 = arith.divsi %div3A_348, %broadcast_in_dim3A_357 : vector<16xi32>
      %mul3A_359 = arith.constant 5 : i32
      %mul3A_360 = vector.broadcast %mul3A_359 : i32 to vector<16xi32>
      %mul3A_361 = arith.muli %div3A_358, %mul3A_360 : vector<16xi32>
      %sub3A_362 = arith.subi %div3A_348, %mul3A_361 : vector<16xi32>
      %mul3A_363 = arith.constant 5 : i32
      %mul3A_364 = vector.broadcast %mul3A_363 : i32 to vector<16xi32>
      %mul3A_365 = arith.muli %sub3A_362, %mul3A_364 : vector<16xi32>
      %add3A_366 = arith.addi %mul3A_365, %div3A_355 : vector<16xi32>
      %gather3A_367 = tpu.vector_load_idx %arg6[%add3A_366] : memref<32xi32, #tpu.memory_space<vmem>>[vector<16xi32>], vector<16xi32>,
      %swap3A_368 = arith.constant 48 : index
      %swap3A_369 = tpu.vector_load %arg8[%swap3A_368] {strides = array<i32>} : memref<128xi32, #tpu.memory_space<vmem>>, vector<16xi32>,
      tpu.vector_store %arg8[%swap3A_368], %gather3A_367 {strides = array<i32>} : memref<128xi32, #tpu.memory_space<vmem>>, vector<16xi32>,
      %iota3A_370 = tpu.iota {dimensions = array<i32: 0>} : vector<16xi32>
      %add3A_371 = arith.constant 192 : i32
      %add3A_372 = vector.broadcast %add3A_371 : i32 to vector<16xi32>
      %add3A_373 = arith.addi %iota3A_370, %add3A_372 : vector<16xi32>
      %broadcast_in_dim3A_374 = arith.constant 20 : i32
      %broadcast_in_dim3A_375 = vector.broadcast %broadcast_in_dim3A_374 : i32 to vector<16xi32>
      %div3A_376 = arith.divsi %add3A_373, %broadcast_in_dim3A_375 : vector<16xi32>
      %mul3A_377 = arith.constant 20 : i32
      %mul3A_378 = vector.broadcast %mul3A_377 : i32 to vector<16xi32>
      %mul3A_379 = arith.muli %div3A_376, %mul3A_378 : vector<16xi32>
      %sub3A_380 = arith.subi %add3A_373, %mul3A_379 : vector<16xi32>
      %broadcast_in_dim3A_381 = arith.constant 4 : i32
      %broadcast_in_dim3A_382 = vector.broadcast %broadcast_in_dim3A_381 : i32 to vector<16xi32>
      %div3A_383 = arith.divsi %sub3A_380, %broadcast_in_dim3A_382 : vector<16xi32>
      %broadcast_in_dim3A_384 = arith.constant 5 : i32
      %broadcast_in_dim3A_385 = vector.broadcast %broadcast_in_dim3A_384 : i32 to vector<16xi32>
      %div3A_386 = arith.divsi %div3A_376, %broadcast_in_dim3A_385 : vector<16xi32>
      %mul3A_387 = arith.constant 5 : i32
      %mul3A_388 = vector.broadcast %mul3A_387 : i32 to vector<16xi32>
      %mul3A_389 = arith.muli %div3A_386, %mul3A_388 : vector<16xi32>
      %sub3A_390 = arith.subi %div3A_376, %mul3A_389 : vector<16xi32>
      %mul3A_391 = arith.constant 5 : i32
      %mul3A_392 = vector.broadcast %mul3A_391 : i32 to vector<16xi32>
      %mul3A_393 = arith.muli %sub3A_390, %mul3A_392 : vector<16xi32>
      %add3A_394 = arith.addi %mul3A_393, %div3A_383 : vector<16xi32>
      %gather3A_395 = tpu.vector_load_idx %arg6[%add3A_394] : memref<32xi32, #tpu.memory_space<vmem>>[vector<16xi32>], vector<16xi32>,
      %swap3A_396 = arith.constant 64 : index
      %swap3A_397 = tpu.vector_load %arg8[%swap3A_396] {strides = array<i32>} : memref<128xi32, #tpu.memory_space<vmem>>, vector<16xi32>,
      tpu.vector_store %arg8[%swap3A_396], %gather3A_395 {strides = array<i32>} : memref<128xi32, #tpu.memory_space<vmem>>, vector<16xi32>,
      %iota3A_398 = tpu.iota {dimensions = array<i32: 0>} : vector<16xi32>
      %add3A_399 = arith.constant 208 : i32
      %add3A_400 = vector.broadcast %add3A_399 : i32 to vector<16xi32>
      %add3A_401 = arith.addi %iota3A_398, %add3A_400 : vector<16xi32>
      %broadcast_in_dim3A_402 = arith.constant 20 : i32
      %broadcast_in_dim3A_403 = vector.broadcast %broadcast_in_dim3A_402 : i32 to vector<16xi32>
      %div3A_404 = arith.divsi %add3A_401, %broadcast_in_dim3A_403 : vector<16xi32>
      %mul3A_405 = arith.constant 20 : i32
      %mul3A_406 = vector.broadcast %mul3A_405 : i32 to vector<16xi32>
      %mul3A_407 = arith.muli %div3A_404, %mul3A_406 : vector<16xi32>
      %sub3A_408 = arith.subi %add3A_401, %mul3A_407 : vector<16xi32>
      %broadcast_in_dim3A_409 = arith.constant 4 : i32
      %broadcast_in_dim3A_410 = vector.broadcast %broadcast_in_dim3A_409 : i32 to vector<16xi32>
      %div3A_411 = arith.divsi %sub3A_408, %broadcast_in_dim3A_410 : vector<16xi32>
      %broadcast_in_dim3A_412 = arith.constant 5 : i32
      %broadcast_in_dim3A_413 = vector.broadcast %broadcast_in_dim3A_412 : i32 to vector<16xi32>
      %div3A_414 = arith.divsi %div3A_404, %broadcast_in_dim3A_413 : vector<16xi32>
      %mul3A_415 = arith.constant 5 : i32
      %mul3A_416 = vector.broadcast %mul3A_415 : i32 to vector<16xi32>
      %mul3A_417 = arith.muli %div3A_414, %mul3A_416 : vector<16xi32>
      %sub3A_418 = arith.subi %div3A_404, %mul3A_417 : vector<16xi32>
      %mul3A_419 = arith.constant 5 : i32
      %mul3A_420 = vector.broadcast %mul3A_419 : i32 to vector<16xi32>
      %mul3A_421 = arith.muli %sub3A_418, %mul3A_420 : vector<16xi32>
      %add3A_422 = arith.addi %mul3A_421, %div3A_411 : vector<16xi32>
      %gather3A_423 = tpu.vector_load_idx %arg6[%add3A_422] : memref<32xi32, #tpu.memory_space<vmem>>[vector<16xi32>], vector<16xi32>,
      %swap3A_424 = arith.constant 80 : index
      %swap3A_425 = tpu.vector_load %arg8[%swap3A_424] {strides = array<i32>} : memref<128xi32, #tpu.memory_space<vmem>>, vector<16xi32>,
      tpu.vector_store %arg8[%swap3A_424], %gather3A_423 {strides = array<i32>} : memref<128xi32, #tpu.memory_space<vmem>>, vector<16xi32>,
      %iota3A_426 = tpu.iota {dimensions = array<i32: 0>} : vector<16xi32>
      %add3A_427 = arith.constant 224 : i32
      %add3A_428 = vector.broadcast %add3A_427 : i32 to vector<16xi32>
      %add3A_429 = arith.addi %iota3A_426, %add3A_428 : vector<16xi32>
      %broadcast_in_dim3A_430 = arith.constant 20 : i32
      %broadcast_in_dim3A_431 = vector.broadcast %broadcast_in_dim3A_430 : i32 to vector<16xi32>
      %div3A_432 = arith.divsi %add3A_429, %broadcast_in_dim3A_431 : vector<16xi32>
      %mul3A_433 = arith.constant 20 : i32
      %mul3A_434 = vector.broadcast %mul3A_433 : i32 to vector<16xi32>
      %mul3A_435 = arith.muli %div3A_432, %mul3A_434 : vector<16xi32>
      %sub3A_436 = arith.subi %add3A_429, %mul3A_435 : vector<16xi32>
      %broadcast_in_dim3A_437 = arith.constant 4 : i32
      %broadcast_in_dim3A_438 = vector.broadcast %broadcast_in_dim3A_437 : i32 to vector<16xi32>
      %div3A_439 = arith.divsi %sub3A_436, %broadcast_in_dim3A_438 : vector<16xi32>
      %broadcast_in_dim3A_440 = arith.constant 5 : i32
      %broadcast_in_dim3A_441 = vector.broadcast %broadcast_in_dim3A_440 : i32 to vector<16xi32>
      %div3A_442 = arith.divsi %div3A_432, %broadcast_in_dim3A_441 : vector<16xi32>
      %mul3A_443 = arith.constant 5 : i32
      %mul3A_444 = vector.broadcast %mul3A_443 : i32 to vector<16xi32>
      %mul3A_445 = arith.muli %div3A_442, %mul3A_444 : vector<16xi32>
      %sub3A_446 = arith.subi %div3A_432, %mul3A_445 : vector<16xi32>
      %mul3A_447 = arith.constant 5 : i32
      %mul3A_448 = vector.broadcast %mul3A_447 : i32 to vector<16xi32>
      %mul3A_449 = arith.muli %sub3A_446, %mul3A_448 : vector<16xi32>
      %add3A_450 = arith.addi %mul3A_449, %div3A_439 : vector<16xi32>
      %gather3A_451 = tpu.vector_load_idx %arg6[%add3A_450] : memref<32xi32, #tpu.memory_space<vmem>>[vector<16xi32>], vector<16xi32>,
      %swap3A_452 = arith.constant 96 : index
      %swap3A_453 = tpu.vector_load %arg8[%swap3A_452] {strides = array<i32>} : memref<128xi32, #tpu.memory_space<vmem>>, vector<16xi32>,
      tpu.vector_store %arg8[%swap3A_452], %gather3A_451 {strides = array<i32>} : memref<128xi32, #tpu.memory_space<vmem>>, vector<16xi32>,
      %iota3A_454 = tpu.iota {dimensions = array<i32: 0>} : vector<16xi32>
      %add3A_455 = arith.constant 240 : i32
      %add3A_456 = vector.broadcast %add3A_455 : i32 to vector<16xi32>
      %add3A_457 = arith.addi %iota3A_454, %add3A_456 : vector<16xi32>
      %broadcast_in_dim3A_458 = arith.constant 20 : i32
      %broadcast_in_dim3A_459 = vector.broadcast %broadcast_in_dim3A_458 : i32 to vector<16xi32>
      %div3A_460 = arith.divsi %add3A_457, %broadcast_in_dim3A_459 : vector<16xi32>
      %mul3A_461 = arith.constant 20 : i32
      %mul3A_462 = vector.broadcast %mul3A_461 : i32 to vector<16xi32>
      %mul3A_463 = arith.muli %div3A_460, %mul3A_462 : vector<16xi32>
      %sub3A_464 = arith.subi %add3A_457, %mul3A_463 : vector<16xi32>
      %broadcast_in_dim3A_465 = arith.constant 4 : i32
      %broadcast_in_dim3A_466 = vector.broadcast %broadcast_in_dim3A_465 : i32 to vector<16xi32>
      %div3A_467 = arith.divsi %sub3A_464, %broadcast_in_dim3A_466 : vector<16xi32>
      %broadcast_in_dim3A_468 = arith.constant 5 : i32
      %broadcast_in_dim3A_469 = vector.broadcast %broadcast_in_dim3A_468 : i32 to vector<16xi32>
      %div3A_470 = arith.divsi %div3A_460, %broadcast_in_dim3A_469 : vector<16xi32>
      %mul3A_471 = arith.constant 5 : i32
      %mul3A_472 = vector.broadcast %mul3A_471 : i32 to vector<16xi32>
      %mul3A_473 = arith.muli %div3A_470, %mul3A_472 : vector<16xi32>
      %sub3A_474 = arith.subi %div3A_460, %mul3A_473 : vector<16xi32>
      %mul3A_475 = arith.constant 5 : i32
      %mul3A_476 = vector.broadcast %mul3A_475 : i32 to vector<16xi32>
      %mul3A_477 = arith.muli %sub3A_474, %mul3A_476 : vector<16xi32>
      %add3A_478 = arith.addi %mul3A_477, %div3A_467 : vector<16xi32>
      %gather3A_479 = tpu.vector_load_idx %arg6[%add3A_478] : memref<32xi32, #tpu.memory_space<vmem>>[vector<16xi32>], vector<16xi32>,
      %swap3A_480 = arith.constant 112 : index
      %swap3A_481 = tpu.vector_load %arg8[%swap3A_480] {strides = array<i32>} : memref<128xi32, #tpu.memory_space<vmem>>, vector<16xi32>,
      tpu.vector_store %arg8[%swap3A_480], %gather3A_479 {strides = array<i32>} : memref<128xi32, #tpu.memory_space<vmem>>, vector<16xi32>,
      %iota3A_482 = tpu.iota {dimensions = array<i32: 0>} : vector<16xi32>
      %add3A_483 = arith.constant 256 : i32
      %add3A_484 = vector.broadcast %add3A_483 : i32 to vector<16xi32>
      %add3A_485 = arith.addi %iota3A_482, %add3A_484 : vector<16xi32>
      %broadcast_in_dim3A_486 = arith.constant 20 : i32
      %broadcast_in_dim3A_487 = vector.broadcast %broadcast_in_dim3A_486 : i32 to vector<16xi32>
      %div3A_488 = arith.divsi %add3A_485, %broadcast_in_dim3A_487 : vector<16xi32>
      %mul3A_489 = arith.constant 20 : i32
      %mul3A_490 = vector.broadcast %mul3A_489 : i32 to vector<16xi32>
      %mul3A_491 = arith.muli %div3A_488, %mul3A_490 : vector<16xi32>
      %sub3A_492 = arith.subi %add3A_485, %mul3A_491 : vector<16xi32>
      %broadcast_in_dim3A_493 = arith.constant 4 : i32
      %broadcast_in_dim3A_494 = vector.broadcast %broadcast_in_dim3A_493 : i32 to vector<16xi32>
      %div3A_495 = arith.divsi %sub3A_492, %broadcast_in_dim3A_494 : vector<16xi32>
      %broadcast_in_dim3A_496 = arith.constant 5 : i32
      %broadcast_in_dim3A_497 = vector.broadcast %broadcast_in_dim3A_496 : i32 to vector<16xi32>
      %div3A_498 = arith.divsi %div3A_488, %broadcast_in_dim3A_497 : vector<16xi32>
      %mul3A_499 = arith.constant 5 : i32
      %mul3A_500 = vector.broadcast %mul3A_499 : i32 to vector<16xi32>
      %mul3A_501 = arith.muli %div3A_498, %mul3A_500 : vector<16xi32>
      %sub3A_502 = arith.subi %div3A_488, %mul3A_501 : vector<16xi32>
      %mul3A_503 = arith.constant 5 : i32
      %mul3A_504 = vector.broadcast %mul3A_503 : i32 to vector<16xi32>
      %mul3A_505 = arith.muli %sub3A_502, %mul3A_504 : vector<16xi32>
      %add3A_506 = arith.addi %mul3A_505, %div3A_495 : vector<16xi32>
      %gather3A_507 = tpu.vector_load_idx %arg6[%add3A_506] : memref<32xi32, #tpu.memory_space<vmem>>[vector<16xi32>], vector<16xi32>,
      %swap3A_508 = arith.constant 0 : index
      %swap3A_509 = tpu.vector_load %arg9[%swap3A_508] {strides = array<i32>} : memref<48xi32, #tpu.memory_space<vmem>>, vector<16xi32>,
      tpu.vector_store %arg9[%swap3A_508], %gather3A_507 {strides = array<i32>} : memref<48xi32, #tpu.memory_space<vmem>>, vector<16xi32>,
      %iota3A_510 = tpu.iota {dimensions = array<i32: 0>} : vector<16xi32>
      %add3A_511 = arith.constant 272 : i32
      %add3A_512 = vector.broadcast %add3A_511 : i32 to vector<16xi32>
      %add3A_513 = arith.addi %iota3A_510, %add3A_512 : vector<16xi32>
      %broadcast_in_dim3A_514 = arith.constant 20 : i32
      %broadcast_in_dim3A_515 = vector.broadcast %broadcast_in_dim3A_514 : i32 to vector<16xi32>
      %div3A_516 = arith.divsi %add3A_513, %broadcast_in_dim3A_515 : vector<16xi32>
      %mul3A_517 = arith.constant 20 : i32
      %mul3A_518 = vector.broadcast %mul3A_517 : i32 to vector<16xi32>
      %mul3A_519 = arith.muli %div3A_516, %mul3A_518 : vector<16xi32>
      %sub3A_520 = arith.subi %add3A_513, %mul3A_519 : vector<16xi32>
      %broadcast_in_dim3A_521 = arith.constant 4 : i32
      %broadcast_in_dim3A_522 = vector.broadcast %broadcast_in_dim3A_521 : i32 to vector<16xi32>
      %div3A_523 = arith.divsi %sub3A_520, %broadcast_in_dim3A_522 : vector<16xi32>
      %broadcast_in_dim3A_524 = arith.constant 5 : i32
      %broadcast_in_dim3A_525 = vector.broadcast %broadcast_in_dim3A_524 : i32 to vector<16xi32>
      %div3A_526 = arith.divsi %div3A_516, %broadcast_in_dim3A_525 : vector<16xi32>
      %mul3A_527 = arith.constant 5 : i32
      %mul3A_528 = vector.broadcast %mul3A_527 : i32 to vector<16xi32>
      %mul3A_529 = arith.muli %div3A_526, %mul3A_528 : vector<16xi32>
      %sub3A_530 = arith.subi %div3A_516, %mul3A_529 : vector<16xi32>
      %mul3A_531 = arith.constant 5 : i32
      %mul3A_532 = vector.broadcast %mul3A_531 : i32 to vector<16xi32>
      %mul3A_533 = arith.muli %sub3A_530, %mul3A_532 : vector<16xi32>
      %add3A_534 = arith.addi %mul3A_533, %div3A_523 : vector<16xi32>
      %gather3A_535 = tpu.vector_load_idx %arg6[%add3A_534] : memref<32xi32, #tpu.memory_space<vmem>>[vector<16xi32>], vector<16xi32>,
      %swap3A_536 = arith.constant 16 : index
      %swap3A_537 = tpu.vector_load %arg9[%swap3A_536] {strides = array<i32>} : memref<48xi32, #tpu.memory_space<vmem>>, vector<16xi32>,
      tpu.vector_store %arg9[%swap3A_536], %gather3A_535 {strides = array<i32>} : memref<48xi32, #tpu.memory_space<vmem>>, vector<16xi32>,
      %iota3A_538 = tpu.iota {dimensions = array<i32: 0>} : vector<16xi32>
      %add3A_539 = arith.constant 288 : i32
      %add3A_540 = vector.broadcast %add3A_539 : i32 to vector<16xi32>
      %add3A_541 = arith.addi %iota3A_538, %add3A_540 : vector<16xi32>
      %broadcast_in_dim3A_542 = arith.constant 20 : i32
      %broadcast_in_dim3A_543 = vector.broadcast %broadcast_in_dim3A_542 : i32 to vector<16xi32>
      %div3A_544 = arith.divsi %add3A_541, %broadcast_in_dim3A_543 : vector<16xi32>
      %mul3A_545 = arith.constant 20 : i32
      %mul3A_546 = vector.broadcast %mul3A_545 : i32 to vector<16xi32>
      %mul3A_547 = arith.muli %div3A_544, %mul3A_546 : vector<16xi32>
      %sub3A_548 = arith.subi %add3A_541, %mul3A_547 : vector<16xi32>
      %broadcast_in_dim3A_549 = arith.constant 4 : i32
      %broadcast_in_dim3A_550 = vector.broadcast %broadcast_in_dim3A_549 : i32 to vector<16xi32>
      %div3A_551 = arith.divsi %sub3A_548, %broadcast_in_dim3A_550 : vector<16xi32>
      %broadcast_in_dim3A_552 = arith.constant 5 : i32
      %broadcast_in_dim3A_553 = vector.broadcast %broadcast_in_dim3A_552 : i32 to vector<16xi32>
      %div3A_554 = arith.divsi %div3A_544, %broadcast_in_dim3A_553 : vector<16xi32>
      %mul3A_555 = arith.constant 5 : i32
      %mul3A_556 = vector.broadcast %mul3A_555 : i32 to vector<16xi32>
      %mul3A_557 = arith.muli %div3A_554, %mul3A_556 : vector<16xi32>
      %sub3A_558 = arith.subi %div3A_544, %mul3A_557 : vector<16xi32>
      %mul3A_559 = arith.constant 5 : i32
      %mul3A_560 = vector.broadcast %mul3A_559 : i32 to vector<16xi32>
      %mul3A_561 = arith.muli %sub3A_558, %mul3A_560 : vector<16xi32>
      %add3A_562 = arith.addi %mul3A_561, %div3A_551 : vector<16xi32>
      %gather3A_563 = tpu.vector_load_idx %arg6[%add3A_562] : memref<32xi32, #tpu.memory_space<vmem>>[vector<16xi32>], vector<16xi32>,
      %swap3A_564 = arith.constant 32 : index
      %swap3A_565 = tpu.vector_load %arg9[%swap3A_564] {strides = array<i32>} : memref<48xi32, #tpu.memory_space<vmem>>, vector<16xi32>,
      tpu.vector_store %arg9[%swap3A_564], %gather3A_563 {strides = array<i32>} : memref<48xi32, #tpu.memory_space<vmem>>, vector<16xi32>,
      %dma_start3A = arith.constant 0 : i32
      %dma_start3A_566 = arith.constant 0 : i32
      %dma_start3A_567 = tpu.memref_slice %arg3[%dma_start3A, %dma_start3A_566] : memref<8x256xf32, #tpu.memory_space<hbm>> -> memref<8x256xf32, #tpu.memory_space<hbm>>
      tpu.enqueue_indirect_dma source(%dma_start3A_567 : memref<8x256xf32, #tpu.memory_space<hbm>>) target(%arg10 : memref<128x256xf32, #tpu.memory_space<vmem>>) offsets(%arg7 : memref<128xi32, #tpu.memory_space<vmem>>) semaphore(%arg13 : memref<!tpu.dma_semaphore, #tpu.memory_space<semaphore_mem>>)
      %dma_start3A_568 = arith.constant 0 : i32
      %dma_start3A_569 = arith.constant 0 : i32
      %dma_start3A_570 = tpu.memref_slice %arg3[%dma_start3A_568, %dma_start3A_569] : memref<8x256xf32, #tpu.memory_space<hbm>> -> memref<8x256xf32, #tpu.memory_space<hbm>>
      tpu.enqueue_indirect_dma source(%dma_start3A_570 : memref<8x256xf32, #tpu.memory_space<hbm>>) target(%arg11 : memref<128x256xf32, #tpu.memory_space<vmem>>) offsets(%arg8 : memref<128xi32, #tpu.memory_space<vmem>>) semaphore(%arg13 : memref<!tpu.dma_semaphore, #tpu.memory_space<semaphore_mem>>)
      %dma_start3A_571 = arith.constant 0 : i32
      %dma_start3A_572 = arith.constant 0 : i32
      %dma_start3A_573 = tpu.memref_slice %arg3[%dma_start3A_571, %dma_start3A_572] : memref<8x256xf32, #tpu.memory_space<hbm>> -> memref<8x256xf32, #tpu.memory_space<hbm>>
      tpu.enqueue_indirect_dma source(%dma_start3A_573 : memref<8x256xf32, #tpu.memory_space<hbm>>) target(%arg12 : memref<48x256xf32, #tpu.memory_space<vmem>>) offsets(%arg9 : memref<48xi32, #tpu.memory_space<vmem>>) semaphore(%arg13 : memref<!tpu.dma_semaphore, #tpu.memory_space<semaphore_mem>>)
      %dma_wait3A = arith.constant 0 : i32
      %dma_wait3A_574 = arith.constant 0 : i32
      %dma_wait3A_575 = tpu.memref_slice %arg3[%dma_wait3A, %dma_wait3A_574] : memref<8x256xf32, #tpu.memory_space<hbm>> -> memref<8x256xf32, #tpu.memory_space<hbm>>
      tpu.wait_indirect_dma semaphore(%arg13 : memref<!tpu.dma_semaphore, #tpu.memory_space<semaphore_mem>>) src(%dma_wait3A_575 : memref<8x256xf32, #tpu.memory_space<hbm>>) dst(%arg10 : memref<128x256xf32, #tpu.memory_space<vmem>>)
      %dma_wait3A_576 = arith.constant 0 : i32
      %dma_wait3A_577 = arith.constant 0 : i32
      %dma_wait3A_578 = tpu.memref_slice %arg3[%dma_wait3A_576, %dma_wait3A_577] : memref<8x256xf32, #tpu.memory_space<hbm>> -> memref<8x256xf32, #tpu.memory_space<hbm>>
      tpu.wait_indirect_dma semaphore(%arg13 : memref<!tpu.dma_semaphore, #tpu.memory_space<semaphore_mem>>) src(%dma_wait3A_578 : memref<8x256xf32, #tpu.memory_space<hbm>>) dst(%arg11 : memref<128x256xf32, #tpu.memory_space<vmem>>)
      %dma_wait3A_579 = arith.constant 0 : i32
      %dma_wait3A_580 = arith.constant 0 : i32
      %dma_wait3A_581 = tpu.memref_slice %arg3[%dma_wait3A_579, %dma_wait3A_580] : memref<8x256xf32, #tpu.memory_space<hbm>> -> memref<8x256xf32, #tpu.memory_space<hbm>>
      tpu.wait_indirect_dma semaphore(%arg13 : memref<!tpu.dma_semaphore, #tpu.memory_space<semaphore_mem>>) src(%dma_wait3A_581 : memref<8x256xf32, #tpu.memory_space<hbm>>) dst(%arg12 : memref<48x256xf32, #tpu.memory_space<vmem>>)
      "tpu.region"() ({
        %run_scoped3A_582 = tpu.sem_alloc : memref<!tpu.dma_semaphore, #tpu.memory_space<semaphore_mem>>
        %dma_start3A_583 = arith.constant 0 : i32
        %dma_start3A_584 = arith.constant 0 : i32
        %dma_start3A_585 = tpu.memref_slice %arg4[%dma_start3A_583, %dma_start3A_584] : memref<304x256xf32, #tpu.memory_space<hbm>> -> memref<128x256xf32, #tpu.memory_space<hbm>>
        %dma_start3A_586 = arith.constant 0 : i32
        %dma_start3A_587 = arith.constant 0 : i32
        %dma_start3A_588 = tpu.memref_slice %arg4[%dma_start3A_586, %dma_start3A_587] : memref<304x256xf32, #tpu.memory_space<hbm>> -> memref<128x256xf32, #tpu.memory_space<hbm>>
        tpu.enqueue_dma source(%arg10 : memref<128x256xf32, #tpu.memory_space<vmem>>) target(%dma_start3A_588 : memref<128x256xf32, #tpu.memory_space<hbm>>) target_semaphore(%run_scoped3A_582 : memref<!tpu.dma_semaphore, #tpu.memory_space<semaphore_mem>>)
        %dma_wait3A_589 = arith.constant 0 : i32
        %dma_wait3A_590 = arith.constant 0 : i32
        %dma_wait3A_591 = tpu.memref_slice %arg4[%dma_wait3A_589, %dma_wait3A_590] : memref<304x256xf32, #tpu.memory_space<hbm>> -> memref<128x256xf32, #tpu.memory_space<hbm>>
        %dma_wait3A_592 = arith.constant 0 : i32
        %dma_wait3A_593 = arith.constant 0 : i32
        %dma_wait3A_594 = tpu.memref_slice %arg4[%dma_wait3A_592, %dma_wait3A_593] : memref<304x256xf32, #tpu.memory_space<hbm>> -> memref<128x256xf32, #tpu.memory_space<hbm>>
        tpu.wait_dma2 semaphore(%run_scoped3A_582 : memref<!tpu.dma_semaphore, #tpu.memory_space<semaphore_mem>>) src(%arg10 : memref<128x256xf32, #tpu.memory_space<vmem>>) dst(%dma_wait3A_594 : memref<128x256xf32, #tpu.memory_space<hbm>>)
        tpu.yield
      }) : () -> ()
      "tpu.region"() ({
        %run_scoped3A_582 = tpu.sem_alloc : memref<!tpu.dma_semaphore, #tpu.memory_space<semaphore_mem>>
        %dma_start3A_583 = arith.constant 128 : i32
        %dma_start3A_584 = arith.constant 0 : i32
        %dma_start3A_585 = tpu.memref_slice %arg4[%dma_start3A_583, %dma_start3A_584] : memref<304x256xf32, #tpu.memory_space<hbm>> -> memref<128x256xf32, #tpu.memory_space<hbm>>
        %dma_start3A_586 = arith.constant 128 : i32
        %dma_start3A_587 = arith.constant 0 : i32
        %dma_start3A_588 = tpu.memref_slice %arg4[%dma_start3A_586, %dma_start3A_587] : memref<304x256xf32, #tpu.memory_space<hbm>> -> memref<128x256xf32, #tpu.memory_space<hbm>>
        tpu.enqueue_dma source(%arg11 : memref<128x256xf32, #tpu.memory_space<vmem>>) target(%dma_start3A_588 : memref<128x256xf32, #tpu.memory_space<hbm>>) target_semaphore(%run_scoped3A_582 : memref<!tpu.dma_semaphore, #tpu.memory_space<semaphore_mem>>)
        %dma_wait3A_589 = arith.constant 128 : i32
        %dma_wait3A_590 = arith.constant 0 : i32
        %dma_wait3A_591 = tpu.memref_slice %arg4[%dma_wait3A_589, %dma_wait3A_590] : memref<304x256xf32, #tpu.memory_space<hbm>> -> memref<128x256xf32, #tpu.memory_space<hbm>>
        %dma_wait3A_592 = arith.constant 128 : i32
        %dma_wait3A_593 = arith.constant 0 : i32
        %dma_wait3A_594 = tpu.memref_slice %arg4[%dma_wait3A_592, %dma_wait3A_593] : memref<304x256xf32, #tpu.memory_space<hbm>> -> memref<128x256xf32, #tpu.memory_space<hbm>>
        tpu.wait_dma2 semaphore(%run_scoped3A_582 : memref<!tpu.dma_semaphore, #tpu.memory_space<semaphore_mem>>) src(%arg11 : memref<128x256xf32, #tpu.memory_space<vmem>>) dst(%dma_wait3A_594 : memref<128x256xf32, #tpu.memory_space<hbm>>)
        tpu.yield
      }) : () -> ()
      "tpu.region"() ({
        %run_scoped3A_582 = tpu.sem_alloc : memref<!tpu.dma_semaphore, #tpu.memory_space<semaphore_mem>>
        %dma_start3A_583 = arith.constant 256 : i32
        %dma_start3A_584 = arith.constant 0 : i32
        %dma_start3A_585 = tpu.memref_slice %arg4[%dma_start3A_583, %dma_start3A_584] : memref<304x256xf32, #tpu.memory_space<hbm>> -> memref<48x256xf32, #tpu.memory_space<hbm>>
        %dma_start3A_586 = arith.constant 256 : i32
        %dma_start3A_587 = arith.constant 0 : i32
        %dma_start3A_588 = tpu.memref_slice %arg4[%dma_start3A_586, %dma_start3A_587] : memref<304x256xf32, #tpu.memory_space<hbm>> -> memref<48x256xf32, #tpu.memory_space<hbm>>
        tpu.enqueue_dma source(%arg12 : memref<48x256xf32, #tpu.memory_space<vmem>>) target(%dma_start3A_588 : memref<48x256xf32, #tpu.memory_space<hbm>>) target_semaphore(%run_scoped3A_582 : memref<!tpu.dma_semaphore, #tpu.memory_space<semaphore_mem>>)
        %dma_wait3A_589 = arith.constant 256 : i32
        %dma_wait3A_590 = arith.constant 0 : i32
        %dma_wait3A_591 = tpu.memref_slice %arg4[%dma_wait3A_589, %dma_wait3A_590] : memref<304x256xf32, #tpu.memory_space<hbm>> -> memref<48x256xf32, #tpu.memory_space<hbm>>
        %dma_wait3A_592 = arith.constant 256 : i32
        %dma_wait3A_593 = arith.constant 0 : i32
        %dma_wait3A_594 = tpu.memref_slice %arg4[%dma_wait3A_592, %dma_wait3A_593] : memref<304x256xf32, #tpu.memory_space<hbm>> -> memref<48x256xf32, #tpu.memory_space<hbm>>
        tpu.wait_dma2 semaphore(%run_scoped3A_582 : memref<!tpu.dma_semaphore, #tpu.memory_space<semaphore_mem>>) src(%arg12 : memref<48x256xf32, #tpu.memory_space<vmem>>) dst(%dma_wait3A_594 : memref<48x256xf32, #tpu.memory_space<hbm>>)
        tpu.yield
      }) : () -> ()
    } else {
    }
    return
  }
}

module attributes {stable_mosaic.version = 14 : i64} {
  func.func @body(%arg0: memref<15x5120xf32, #tpu.memory_space<hbm>>, %arg1: memref<512x15x5120xf32, #tpu.memory_space<hbm>>, %arg2: memref<8x15x5120xf32, #tpu.memory_space<vmem>>, %arg3: memref<!tpu.dma_semaphore, #tpu.memory_space<semaphore_mem>>, %arg4: memref<!tpu.dma_semaphore, #tpu.memory_space<semaphore_mem>>) attributes {dimension_semantics = [], scalar_prefetch = 0 : i64, scratch_operands = 3 : i64, tpu.core_type = #tpu.core_type<tc>} {
    %dma_start3A = arith.constant 0 : i32
    %dma_start3A_0 = arith.constant 0 : i32
    %dma_start3A_1 = arith.constant 0 : i32
    %dma_start3A_2 = tpu.memref_slice %arg2[%dma_start3A, %dma_start3A_0, %dma_start3A_1] : memref<8x15x5120xf32, #tpu.memory_space<vmem>> -> memref<1x15x5120xf32, #tpu.memory_space<vmem>>
    %dma_start3A_3 = tpu.memref_squeeze %dma_start3A_2 : memref<1x15x5120xf32, #tpu.memory_space<vmem>> -> memref<15x5120xf32, #tpu.memory_space<vmem>>
    tpu.enqueue_dma source(%arg0 : memref<15x5120xf32, #tpu.memory_space<hbm>>) target(%dma_start3A_3 : memref<15x5120xf32, #tpu.memory_space<vmem>>) target_semaphore(%arg3 : memref<!tpu.dma_semaphore, #tpu.memory_space<semaphore_mem>>)
    %dma_start3A_4 = arith.constant 1 : i32
    %dma_start3A_5 = arith.constant 0 : i32
    %dma_start3A_6 = arith.constant 0 : i32
    %dma_start3A_7 = tpu.memref_slice %arg2[%dma_start3A_4, %dma_start3A_5, %dma_start3A_6] : memref<8x15x5120xf32, #tpu.memory_space<vmem>> -> memref<1x15x5120xf32, #tpu.memory_space<vmem>>
    %dma_start3A_8 = tpu.memref_squeeze %dma_start3A_7 : memref<1x15x5120xf32, #tpu.memory_space<vmem>> -> memref<15x5120xf32, #tpu.memory_space<vmem>>
    tpu.enqueue_dma source(%arg0 : memref<15x5120xf32, #tpu.memory_space<hbm>>) target(%dma_start3A_8 : memref<15x5120xf32, #tpu.memory_space<vmem>>) target_semaphore(%arg3 : memref<!tpu.dma_semaphore, #tpu.memory_space<semaphore_mem>>)
    %dma_start3A_9 = arith.constant 2 : i32
    %dma_start3A_10 = arith.constant 0 : i32
    %dma_start3A_11 = arith.constant 0 : i32
    %dma_start3A_12 = tpu.memref_slice %arg2[%dma_start3A_9, %dma_start3A_10, %dma_start3A_11] : memref<8x15x5120xf32, #tpu.memory_space<vmem>> -> memref<1x15x5120xf32, #tpu.memory_space<vmem>>
    %dma_start3A_13 = tpu.memref_squeeze %dma_start3A_12 : memref<1x15x5120xf32, #tpu.memory_space<vmem>> -> memref<15x5120xf32, #tpu.memory_space<vmem>>
    tpu.enqueue_dma source(%arg0 : memref<15x5120xf32, #tpu.memory_space<hbm>>) target(%dma_start3A_13 : memref<15x5120xf32, #tpu.memory_space<vmem>>) target_semaphore(%arg3 : memref<!tpu.dma_semaphore, #tpu.memory_space<semaphore_mem>>)
    %dma_start3A_14 = arith.constant 3 : i32
    %dma_start3A_15 = arith.constant 0 : i32
    %dma_start3A_16 = arith.constant 0 : i32
    %dma_start3A_17 = tpu.memref_slice %arg2[%dma_start3A_14, %dma_start3A_15, %dma_start3A_16] : memref<8x15x5120xf32, #tpu.memory_space<vmem>> -> memref<1x15x5120xf32, #tpu.memory_space<vmem>>
    %dma_start3A_18 = tpu.memref_squeeze %dma_start3A_17 : memref<1x15x5120xf32, #tpu.memory_space<vmem>> -> memref<15x5120xf32, #tpu.memory_space<vmem>>
    tpu.enqueue_dma source(%arg0 : memref<15x5120xf32, #tpu.memory_space<hbm>>) target(%dma_start3A_18 : memref<15x5120xf32, #tpu.memory_space<vmem>>) target_semaphore(%arg3 : memref<!tpu.dma_semaphore, #tpu.memory_space<semaphore_mem>>)
    %dma_start3A_19 = arith.constant 4 : i32
    %dma_start3A_20 = arith.constant 0 : i32
    %dma_start3A_21 = arith.constant 0 : i32
    %dma_start3A_22 = tpu.memref_slice %arg2[%dma_start3A_19, %dma_start3A_20, %dma_start3A_21] : memref<8x15x5120xf32, #tpu.memory_space<vmem>> -> memref<1x15x5120xf32, #tpu.memory_space<vmem>>
    %dma_start3A_23 = tpu.memref_squeeze %dma_start3A_22 : memref<1x15x5120xf32, #tpu.memory_space<vmem>> -> memref<15x5120xf32, #tpu.memory_space<vmem>>
    tpu.enqueue_dma source(%arg0 : memref<15x5120xf32, #tpu.memory_space<hbm>>) target(%dma_start3A_23 : memref<15x5120xf32, #tpu.memory_space<vmem>>) target_semaphore(%arg3 : memref<!tpu.dma_semaphore, #tpu.memory_space<semaphore_mem>>)
    %dma_start3A_24 = arith.constant 5 : i32
    %dma_start3A_25 = arith.constant 0 : i32
    %dma_start3A_26 = arith.constant 0 : i32
    %dma_start3A_27 = tpu.memref_slice %arg2[%dma_start3A_24, %dma_start3A_25, %dma_start3A_26] : memref<8x15x5120xf32, #tpu.memory_space<vmem>> -> memref<1x15x5120xf32, #tpu.memory_space<vmem>>
    %dma_start3A_28 = tpu.memref_squeeze %dma_start3A_27 : memref<1x15x5120xf32, #tpu.memory_space<vmem>> -> memref<15x5120xf32, #tpu.memory_space<vmem>>
    tpu.enqueue_dma source(%arg0 : memref<15x5120xf32, #tpu.memory_space<hbm>>) target(%dma_start3A_28 : memref<15x5120xf32, #tpu.memory_space<vmem>>) target_semaphore(%arg3 : memref<!tpu.dma_semaphore, #tpu.memory_space<semaphore_mem>>)
    %dma_start3A_29 = arith.constant 6 : i32
    %dma_start3A_30 = arith.constant 0 : i32
    %dma_start3A_31 = arith.constant 0 : i32
    %dma_start3A_32 = tpu.memref_slice %arg2[%dma_start3A_29, %dma_start3A_30, %dma_start3A_31] : memref<8x15x5120xf32, #tpu.memory_space<vmem>> -> memref<1x15x5120xf32, #tpu.memory_space<vmem>>
    %dma_start3A_33 = tpu.memref_squeeze %dma_start3A_32 : memref<1x15x5120xf32, #tpu.memory_space<vmem>> -> memref<15x5120xf32, #tpu.memory_space<vmem>>
    tpu.enqueue_dma source(%arg0 : memref<15x5120xf32, #tpu.memory_space<hbm>>) target(%dma_start3A_33 : memref<15x5120xf32, #tpu.memory_space<vmem>>) target_semaphore(%arg3 : memref<!tpu.dma_semaphore, #tpu.memory_space<semaphore_mem>>)
    %dma_start3A_34 = arith.constant 7 : i32
    %dma_start3A_35 = arith.constant 0 : i32
    %dma_start3A_36 = arith.constant 0 : i32
    %dma_start3A_37 = tpu.memref_slice %arg2[%dma_start3A_34, %dma_start3A_35, %dma_start3A_36] : memref<8x15x5120xf32, #tpu.memory_space<vmem>> -> memref<1x15x5120xf32, #tpu.memory_space<vmem>>
    %dma_start3A_38 = tpu.memref_squeeze %dma_start3A_37 : memref<1x15x5120xf32, #tpu.memory_space<vmem>> -> memref<15x5120xf32, #tpu.memory_space<vmem>>
    tpu.enqueue_dma source(%arg0 : memref<15x5120xf32, #tpu.memory_space<hbm>>) target(%dma_start3A_38 : memref<15x5120xf32, #tpu.memory_space<vmem>>) target_semaphore(%arg3 : memref<!tpu.dma_semaphore, #tpu.memory_space<semaphore_mem>>)
    %dma_wait3A = arith.constant 0 : i32
    %dma_wait3A_39 = arith.constant 0 : i32
    %dma_wait3A_40 = arith.constant 0 : i32
    %dma_wait3A_41 = tpu.memref_slice %arg2[%dma_wait3A, %dma_wait3A_39, %dma_wait3A_40] : memref<8x15x5120xf32, #tpu.memory_space<vmem>> -> memref<1x15x5120xf32, #tpu.memory_space<vmem>>
    %dma_wait3A_42 = tpu.memref_squeeze %dma_wait3A_41 : memref<1x15x5120xf32, #tpu.memory_space<vmem>> -> memref<15x5120xf32, #tpu.memory_space<vmem>>
    tpu.wait_dma2 semaphore(%arg3 : memref<!tpu.dma_semaphore, #tpu.memory_space<semaphore_mem>>) src(%arg0 : memref<15x5120xf32, #tpu.memory_space<hbm>>) dst(%dma_wait3A_42 : memref<15x5120xf32, #tpu.memory_space<vmem>>)
    %dma_wait3A_43 = arith.constant 1 : i32
    %dma_wait3A_44 = arith.constant 0 : i32
    %dma_wait3A_45 = arith.constant 0 : i32
    %dma_wait3A_46 = tpu.memref_slice %arg2[%dma_wait3A_43, %dma_wait3A_44, %dma_wait3A_45] : memref<8x15x5120xf32, #tpu.memory_space<vmem>> -> memref<1x15x5120xf32, #tpu.memory_space<vmem>>
    %dma_wait3A_47 = tpu.memref_squeeze %dma_wait3A_46 : memref<1x15x5120xf32, #tpu.memory_space<vmem>> -> memref<15x5120xf32, #tpu.memory_space<vmem>>
    tpu.wait_dma2 semaphore(%arg3 : memref<!tpu.dma_semaphore, #tpu.memory_space<semaphore_mem>>) src(%arg0 : memref<15x5120xf32, #tpu.memory_space<hbm>>) dst(%dma_wait3A_47 : memref<15x5120xf32, #tpu.memory_space<vmem>>)
    %dma_wait3A_48 = arith.constant 2 : i32
    %dma_wait3A_49 = arith.constant 0 : i32
    %dma_wait3A_50 = arith.constant 0 : i32
    %dma_wait3A_51 = tpu.memref_slice %arg2[%dma_wait3A_48, %dma_wait3A_49, %dma_wait3A_50] : memref<8x15x5120xf32, #tpu.memory_space<vmem>> -> memref<1x15x5120xf32, #tpu.memory_space<vmem>>
    %dma_wait3A_52 = tpu.memref_squeeze %dma_wait3A_51 : memref<1x15x5120xf32, #tpu.memory_space<vmem>> -> memref<15x5120xf32, #tpu.memory_space<vmem>>
    tpu.wait_dma2 semaphore(%arg3 : memref<!tpu.dma_semaphore, #tpu.memory_space<semaphore_mem>>) src(%arg0 : memref<15x5120xf32, #tpu.memory_space<hbm>>) dst(%dma_wait3A_52 : memref<15x5120xf32, #tpu.memory_space<vmem>>)
    %dma_wait3A_53 = arith.constant 3 : i32
    %dma_wait3A_54 = arith.constant 0 : i32
    %dma_wait3A_55 = arith.constant 0 : i32
    %dma_wait3A_56 = tpu.memref_slice %arg2[%dma_wait3A_53, %dma_wait3A_54, %dma_wait3A_55] : memref<8x15x5120xf32, #tpu.memory_space<vmem>> -> memref<1x15x5120xf32, #tpu.memory_space<vmem>>
    %dma_wait3A_57 = tpu.memref_squeeze %dma_wait3A_56 : memref<1x15x5120xf32, #tpu.memory_space<vmem>> -> memref<15x5120xf32, #tpu.memory_space<vmem>>
    tpu.wait_dma2 semaphore(%arg3 : memref<!tpu.dma_semaphore, #tpu.memory_space<semaphore_mem>>) src(%arg0 : memref<15x5120xf32, #tpu.memory_space<hbm>>) dst(%dma_wait3A_57 : memref<15x5120xf32, #tpu.memory_space<vmem>>)
    %dma_wait3A_58 = arith.constant 4 : i32
    %dma_wait3A_59 = arith.constant 0 : i32
    %dma_wait3A_60 = arith.constant 0 : i32
    %dma_wait3A_61 = tpu.memref_slice %arg2[%dma_wait3A_58, %dma_wait3A_59, %dma_wait3A_60] : memref<8x15x5120xf32, #tpu.memory_space<vmem>> -> memref<1x15x5120xf32, #tpu.memory_space<vmem>>
    %dma_wait3A_62 = tpu.memref_squeeze %dma_wait3A_61 : memref<1x15x5120xf32, #tpu.memory_space<vmem>> -> memref<15x5120xf32, #tpu.memory_space<vmem>>
    tpu.wait_dma2 semaphore(%arg3 : memref<!tpu.dma_semaphore, #tpu.memory_space<semaphore_mem>>) src(%arg0 : memref<15x5120xf32, #tpu.memory_space<hbm>>) dst(%dma_wait3A_62 : memref<15x5120xf32, #tpu.memory_space<vmem>>)
    %dma_wait3A_63 = arith.constant 5 : i32
    %dma_wait3A_64 = arith.constant 0 : i32
    %dma_wait3A_65 = arith.constant 0 : i32
    %dma_wait3A_66 = tpu.memref_slice %arg2[%dma_wait3A_63, %dma_wait3A_64, %dma_wait3A_65] : memref<8x15x5120xf32, #tpu.memory_space<vmem>> -> memref<1x15x5120xf32, #tpu.memory_space<vmem>>
    %dma_wait3A_67 = tpu.memref_squeeze %dma_wait3A_66 : memref<1x15x5120xf32, #tpu.memory_space<vmem>> -> memref<15x5120xf32, #tpu.memory_space<vmem>>
    tpu.wait_dma2 semaphore(%arg3 : memref<!tpu.dma_semaphore, #tpu.memory_space<semaphore_mem>>) src(%arg0 : memref<15x5120xf32, #tpu.memory_space<hbm>>) dst(%dma_wait3A_67 : memref<15x5120xf32, #tpu.memory_space<vmem>>)
    %dma_wait3A_68 = arith.constant 6 : i32
    %dma_wait3A_69 = arith.constant 0 : i32
    %dma_wait3A_70 = arith.constant 0 : i32
    %dma_wait3A_71 = tpu.memref_slice %arg2[%dma_wait3A_68, %dma_wait3A_69, %dma_wait3A_70] : memref<8x15x5120xf32, #tpu.memory_space<vmem>> -> memref<1x15x5120xf32, #tpu.memory_space<vmem>>
    %dma_wait3A_72 = tpu.memref_squeeze %dma_wait3A_71 : memref<1x15x5120xf32, #tpu.memory_space<vmem>> -> memref<15x5120xf32, #tpu.memory_space<vmem>>
    tpu.wait_dma2 semaphore(%arg3 : memref<!tpu.dma_semaphore, #tpu.memory_space<semaphore_mem>>) src(%arg0 : memref<15x5120xf32, #tpu.memory_space<hbm>>) dst(%dma_wait3A_72 : memref<15x5120xf32, #tpu.memory_space<vmem>>)
    %dma_wait3A_73 = arith.constant 7 : i32
    %dma_wait3A_74 = arith.constant 0 : i32
    %dma_wait3A_75 = arith.constant 0 : i32
    %dma_wait3A_76 = tpu.memref_slice %arg2[%dma_wait3A_73, %dma_wait3A_74, %dma_wait3A_75] : memref<8x15x5120xf32, #tpu.memory_space<vmem>> -> memref<1x15x5120xf32, #tpu.memory_space<vmem>>
    %dma_wait3A_77 = tpu.memref_squeeze %dma_wait3A_76 : memref<1x15x5120xf32, #tpu.memory_space<vmem>> -> memref<15x5120xf32, #tpu.memory_space<vmem>>
    tpu.wait_dma2 semaphore(%arg3 : memref<!tpu.dma_semaphore, #tpu.memory_space<semaphore_mem>>) src(%arg0 : memref<15x5120xf32, #tpu.memory_space<hbm>>) dst(%dma_wait3A_77 : memref<15x5120xf32, #tpu.memory_space<vmem>>)
    %dma_start3A_78 = arith.constant 0 : i32
    %dma_start3A_79 = arith.constant 0 : i32
    %dma_start3A_80 = arith.constant 0 : i32
    %dma_start3A_81 = tpu.memref_slice %arg1[%dma_start3A_78, %dma_start3A_79, %dma_start3A_80] : memref<512x15x5120xf32, #tpu.memory_space<hbm>> -> memref<8x15x5120xf32, #tpu.memory_space<hbm>>
    tpu.enqueue_dma source(%arg2 : memref<8x15x5120xf32, #tpu.memory_space<vmem>>) target(%dma_start3A_81 : memref<8x15x5120xf32, #tpu.memory_space<hbm>>) target_semaphore(%arg4 : memref<!tpu.dma_semaphore, #tpu.memory_space<semaphore_mem>>)
    %dma_start3A_82 = arith.constant 8 : i32
    %dma_start3A_83 = arith.constant 0 : i32
    %dma_start3A_84 = arith.constant 0 : i32
    %dma_start3A_85 = tpu.memref_slice %arg1[%dma_start3A_82, %dma_start3A_83, %dma_start3A_84] : memref<512x15x5120xf32, #tpu.memory_space<hbm>> -> memref<8x15x5120xf32, #tpu.memory_space<hbm>>
    tpu.enqueue_dma source(%arg2 : memref<8x15x5120xf32, #tpu.memory_space<vmem>>) target(%dma_start3A_85 : memref<8x15x5120xf32, #tpu.memory_space<hbm>>) target_semaphore(%arg4 : memref<!tpu.dma_semaphore, #tpu.memory_space<semaphore_mem>>)
    %dma_start3A_86 = arith.constant 16 : i32
    %dma_start3A_87 = arith.constant 0 : i32
    %dma_start3A_88 = arith.constant 0 : i32
    %dma_start3A_89 = tpu.memref_slice %arg1[%dma_start3A_86, %dma_start3A_87, %dma_start3A_88] : memref<512x15x5120xf32, #tpu.memory_space<hbm>> -> memref<8x15x5120xf32, #tpu.memory_space<hbm>>
    tpu.enqueue_dma source(%arg2 : memref<8x15x5120xf32, #tpu.memory_space<vmem>>) target(%dma_start3A_89 : memref<8x15x5120xf32, #tpu.memory_space<hbm>>) target_semaphore(%arg4 : memref<!tpu.dma_semaphore, #tpu.memory_space<semaphore_mem>>)
    %dma_start3A_90 = arith.constant 24 : i32
    %dma_start3A_91 = arith.constant 0 : i32
    %dma_start3A_92 = arith.constant 0 : i32
    %dma_start3A_93 = tpu.memref_slice %arg1[%dma_start3A_90, %dma_start3A_91, %dma_start3A_92] : memref<512x15x5120xf32, #tpu.memory_space<hbm>> -> memref<8x15x5120xf32, #tpu.memory_space<hbm>>
    tpu.enqueue_dma source(%arg2 : memref<8x15x5120xf32, #tpu.memory_space<vmem>>) target(%dma_start3A_93 : memref<8x15x5120xf32, #tpu.memory_space<hbm>>) target_semaphore(%arg4 : memref<!tpu.dma_semaphore, #tpu.memory_space<semaphore_mem>>)
    %dma_start3A_94 = arith.constant 32 : i32
    %dma_start3A_95 = arith.constant 0 : i32
    %dma_start3A_96 = arith.constant 0 : i32
    %dma_start3A_97 = tpu.memref_slice %arg1[%dma_start3A_94, %dma_start3A_95, %dma_start3A_96] : memref<512x15x5120xf32, #tpu.memory_space<hbm>> -> memref<8x15x5120xf32, #tpu.memory_space<hbm>>
    tpu.enqueue_dma source(%arg2 : memref<8x15x5120xf32, #tpu.memory_space<vmem>>) target(%dma_start3A_97 : memref<8x15x5120xf32, #tpu.memory_space<hbm>>) target_semaphore(%arg4 : memref<!tpu.dma_semaphore, #tpu.memory_space<semaphore_mem>>)
    %dma_start3A_98 = arith.constant 40 : i32
    %dma_start3A_99 = arith.constant 0 : i32
    %dma_start3A_100 = arith.constant 0 : i32
    %dma_start3A_101 = tpu.memref_slice %arg1[%dma_start3A_98, %dma_start3A_99, %dma_start3A_100] : memref<512x15x5120xf32, #tpu.memory_space<hbm>> -> memref<8x15x5120xf32, #tpu.memory_space<hbm>>
    tpu.enqueue_dma source(%arg2 : memref<8x15x5120xf32, #tpu.memory_space<vmem>>) target(%dma_start3A_101 : memref<8x15x5120xf32, #tpu.memory_space<hbm>>) target_semaphore(%arg4 : memref<!tpu.dma_semaphore, #tpu.memory_space<semaphore_mem>>)
    %dma_start3A_102 = arith.constant 48 : i32
    %dma_start3A_103 = arith.constant 0 : i32
    %dma_start3A_104 = arith.constant 0 : i32
    %dma_start3A_105 = tpu.memref_slice %arg1[%dma_start3A_102, %dma_start3A_103, %dma_start3A_104] : memref<512x15x5120xf32, #tpu.memory_space<hbm>> -> memref<8x15x5120xf32, #tpu.memory_space<hbm>>
    tpu.enqueue_dma source(%arg2 : memref<8x15x5120xf32, #tpu.memory_space<vmem>>) target(%dma_start3A_105 : memref<8x15x5120xf32, #tpu.memory_space<hbm>>) target_semaphore(%arg4 : memref<!tpu.dma_semaphore, #tpu.memory_space<semaphore_mem>>)
    %dma_start3A_106 = arith.constant 56 : i32
    %dma_start3A_107 = arith.constant 0 : i32
    %dma_start3A_108 = arith.constant 0 : i32
    %dma_start3A_109 = tpu.memref_slice %arg1[%dma_start3A_106, %dma_start3A_107, %dma_start3A_108] : memref<512x15x5120xf32, #tpu.memory_space<hbm>> -> memref<8x15x5120xf32, #tpu.memory_space<hbm>>
    tpu.enqueue_dma source(%arg2 : memref<8x15x5120xf32, #tpu.memory_space<vmem>>) target(%dma_start3A_109 : memref<8x15x5120xf32, #tpu.memory_space<hbm>>) target_semaphore(%arg4 : memref<!tpu.dma_semaphore, #tpu.memory_space<semaphore_mem>>)
    %dma_start3A_110 = arith.constant 64 : i32
    %dma_start3A_111 = arith.constant 0 : i32
    %dma_start3A_112 = arith.constant 0 : i32
    %dma_start3A_113 = tpu.memref_slice %arg1[%dma_start3A_110, %dma_start3A_111, %dma_start3A_112] : memref<512x15x5120xf32, #tpu.memory_space<hbm>> -> memref<8x15x5120xf32, #tpu.memory_space<hbm>>
    tpu.enqueue_dma source(%arg2 : memref<8x15x5120xf32, #tpu.memory_space<vmem>>) target(%dma_start3A_113 : memref<8x15x5120xf32, #tpu.memory_space<hbm>>) target_semaphore(%arg4 : memref<!tpu.dma_semaphore, #tpu.memory_space<semaphore_mem>>)
    %dma_wait3A_114 = arith.constant 0 : i32
    %dma_wait3A_115 = arith.constant 0 : i32
    %dma_wait3A_116 = arith.constant 0 : i32
    %dma_wait3A_117 = tpu.memref_slice %arg1[%dma_wait3A_114, %dma_wait3A_115, %dma_wait3A_116] : memref<512x15x5120xf32, #tpu.memory_space<hbm>> -> memref<8x15x5120xf32, #tpu.memory_space<hbm>>
    tpu.wait_dma2 semaphore(%arg4 : memref<!tpu.dma_semaphore, #tpu.memory_space<semaphore_mem>>) src(%arg2 : memref<8x15x5120xf32, #tpu.memory_space<vmem>>) dst(%dma_wait3A_117 : memref<8x15x5120xf32, #tpu.memory_space<hbm>>)
    %dma_start3A_118 = arith.constant 72 : i32
    %dma_start3A_119 = arith.constant 0 : i32
    %dma_start3A_120 = arith.constant 0 : i32
    %dma_start3A_121 = tpu.memref_slice %arg1[%dma_start3A_118, %dma_start3A_119, %dma_start3A_120] : memref<512x15x5120xf32, #tpu.memory_space<hbm>> -> memref<8x15x5120xf32, #tpu.memory_space<hbm>>
    tpu.enqueue_dma source(%arg2 : memref<8x15x5120xf32, #tpu.memory_space<vmem>>) target(%dma_start3A_121 : memref<8x15x5120xf32, #tpu.memory_space<hbm>>) target_semaphore(%arg4 : memref<!tpu.dma_semaphore, #tpu.memory_space<semaphore_mem>>)
    %dma_wait3A_122 = arith.constant 8 : i32
    %dma_wait3A_123 = arith.constant 0 : i32
    %dma_wait3A_124 = arith.constant 0 : i32
    %dma_wait3A_125 = tpu.memref_slice %arg1[%dma_wait3A_122, %dma_wait3A_123, %dma_wait3A_124] : memref<512x15x5120xf32, #tpu.memory_space<hbm>> -> memref<8x15x5120xf32, #tpu.memory_space<hbm>>
    tpu.wait_dma2 semaphore(%arg4 : memref<!tpu.dma_semaphore, #tpu.memory_space<semaphore_mem>>) src(%arg2 : memref<8x15x5120xf32, #tpu.memory_space<vmem>>) dst(%dma_wait3A_125 : memref<8x15x5120xf32, #tpu.memory_space<hbm>>)
    %dma_start3A_126 = arith.constant 80 : i32
    %dma_start3A_127 = arith.constant 0 : i32
    %dma_start3A_128 = arith.constant 0 : i32
    %dma_start3A_129 = tpu.memref_slice %arg1[%dma_start3A_126, %dma_start3A_127, %dma_start3A_128] : memref<512x15x5120xf32, #tpu.memory_space<hbm>> -> memref<8x15x5120xf32, #tpu.memory_space<hbm>>
    tpu.enqueue_dma source(%arg2 : memref<8x15x5120xf32, #tpu.memory_space<vmem>>) target(%dma_start3A_129 : memref<8x15x5120xf32, #tpu.memory_space<hbm>>) target_semaphore(%arg4 : memref<!tpu.dma_semaphore, #tpu.memory_space<semaphore_mem>>)
    %dma_wait3A_130 = arith.constant 16 : i32
    %dma_wait3A_131 = arith.constant 0 : i32
    %dma_wait3A_132 = arith.constant 0 : i32
    %dma_wait3A_133 = tpu.memref_slice %arg1[%dma_wait3A_130, %dma_wait3A_131, %dma_wait3A_132] : memref<512x15x5120xf32, #tpu.memory_space<hbm>> -> memref<8x15x5120xf32, #tpu.memory_space<hbm>>
    tpu.wait_dma2 semaphore(%arg4 : memref<!tpu.dma_semaphore, #tpu.memory_space<semaphore_mem>>) src(%arg2 : memref<8x15x5120xf32, #tpu.memory_space<vmem>>) dst(%dma_wait3A_133 : memref<8x15x5120xf32, #tpu.memory_space<hbm>>)
    %dma_start3A_134 = arith.constant 88 : i32
    %dma_start3A_135 = arith.constant 0 : i32
    %dma_start3A_136 = arith.constant 0 : i32
    %dma_start3A_137 = tpu.memref_slice %arg1[%dma_start3A_134, %dma_start3A_135, %dma_start3A_136] : memref<512x15x5120xf32, #tpu.memory_space<hbm>> -> memref<8x15x5120xf32, #tpu.memory_space<hbm>>
    tpu.enqueue_dma source(%arg2 : memref<8x15x5120xf32, #tpu.memory_space<vmem>>) target(%dma_start3A_137 : memref<8x15x5120xf32, #tpu.memory_space<hbm>>) target_semaphore(%arg4 : memref<!tpu.dma_semaphore, #tpu.memory_space<semaphore_mem>>)
    %dma_wait3A_138 = arith.constant 24 : i32
    %dma_wait3A_139 = arith.constant 0 : i32
    %dma_wait3A_140 = arith.constant 0 : i32
    %dma_wait3A_141 = tpu.memref_slice %arg1[%dma_wait3A_138, %dma_wait3A_139, %dma_wait3A_140] : memref<512x15x5120xf32, #tpu.memory_space<hbm>> -> memref<8x15x5120xf32, #tpu.memory_space<hbm>>
    tpu.wait_dma2 semaphore(%arg4 : memref<!tpu.dma_semaphore, #tpu.memory_space<semaphore_mem>>) src(%arg2 : memref<8x15x5120xf32, #tpu.memory_space<vmem>>) dst(%dma_wait3A_141 : memref<8x15x5120xf32, #tpu.memory_space<hbm>>)
    %dma_start3A_142 = arith.constant 96 : i32
    %dma_start3A_143 = arith.constant 0 : i32
    %dma_start3A_144 = arith.constant 0 : i32
    %dma_start3A_145 = tpu.memref_slice %arg1[%dma_start3A_142, %dma_start3A_143, %dma_start3A_144] : memref<512x15x5120xf32, #tpu.memory_space<hbm>> -> memref<8x15x5120xf32, #tpu.memory_space<hbm>>
    tpu.enqueue_dma source(%arg2 : memref<8x15x5120xf32, #tpu.memory_space<vmem>>) target(%dma_start3A_145 : memref<8x15x5120xf32, #tpu.memory_space<hbm>>) target_semaphore(%arg4 : memref<!tpu.dma_semaphore, #tpu.memory_space<semaphore_mem>>)
    %dma_wait3A_146 = arith.constant 32 : i32
    %dma_wait3A_147 = arith.constant 0 : i32
    %dma_wait3A_148 = arith.constant 0 : i32
    %dma_wait3A_149 = tpu.memref_slice %arg1[%dma_wait3A_146, %dma_wait3A_147, %dma_wait3A_148] : memref<512x15x5120xf32, #tpu.memory_space<hbm>> -> memref<8x15x5120xf32, #tpu.memory_space<hbm>>
    tpu.wait_dma2 semaphore(%arg4 : memref<!tpu.dma_semaphore, #tpu.memory_space<semaphore_mem>>) src(%arg2 : memref<8x15x5120xf32, #tpu.memory_space<vmem>>) dst(%dma_wait3A_149 : memref<8x15x5120xf32, #tpu.memory_space<hbm>>)
    %dma_start3A_150 = arith.constant 104 : i32
    %dma_start3A_151 = arith.constant 0 : i32
    %dma_start3A_152 = arith.constant 0 : i32
    %dma_start3A_153 = tpu.memref_slice %arg1[%dma_start3A_150, %dma_start3A_151, %dma_start3A_152] : memref<512x15x5120xf32, #tpu.memory_space<hbm>> -> memref<8x15x5120xf32, #tpu.memory_space<hbm>>
    tpu.enqueue_dma source(%arg2 : memref<8x15x5120xf32, #tpu.memory_space<vmem>>) target(%dma_start3A_153 : memref<8x15x5120xf32, #tpu.memory_space<hbm>>) target_semaphore(%arg4 : memref<!tpu.dma_semaphore, #tpu.memory_space<semaphore_mem>>)
    %dma_wait3A_154 = arith.constant 40 : i32
    %dma_wait3A_155 = arith.constant 0 : i32
    %dma_wait3A_156 = arith.constant 0 : i32
    %dma_wait3A_157 = tpu.memref_slice %arg1[%dma_wait3A_154, %dma_wait3A_155, %dma_wait3A_156] : memref<512x15x5120xf32, #tpu.memory_space<hbm>> -> memref<8x15x5120xf32, #tpu.memory_space<hbm>>
    tpu.wait_dma2 semaphore(%arg4 : memref<!tpu.dma_semaphore, #tpu.memory_space<semaphore_mem>>) src(%arg2 : memref<8x15x5120xf32, #tpu.memory_space<vmem>>) dst(%dma_wait3A_157 : memref<8x15x5120xf32, #tpu.memory_space<hbm>>)
    %dma_start3A_158 = arith.constant 112 : i32
    %dma_start3A_159 = arith.constant 0 : i32
    %dma_start3A_160 = arith.constant 0 : i32
    %dma_start3A_161 = tpu.memref_slice %arg1[%dma_start3A_158, %dma_start3A_159, %dma_start3A_160] : memref<512x15x5120xf32, #tpu.memory_space<hbm>> -> memref<8x15x5120xf32, #tpu.memory_space<hbm>>
    tpu.enqueue_dma source(%arg2 : memref<8x15x5120xf32, #tpu.memory_space<vmem>>) target(%dma_start3A_161 : memref<8x15x5120xf32, #tpu.memory_space<hbm>>) target_semaphore(%arg4 : memref<!tpu.dma_semaphore, #tpu.memory_space<semaphore_mem>>)
    %dma_wait3A_162 = arith.constant 48 : i32
    %dma_wait3A_163 = arith.constant 0 : i32
    %dma_wait3A_164 = arith.constant 0 : i32
    %dma_wait3A_165 = tpu.memref_slice %arg1[%dma_wait3A_162, %dma_wait3A_163, %dma_wait3A_164] : memref<512x15x5120xf32, #tpu.memory_space<hbm>> -> memref<8x15x5120xf32, #tpu.memory_space<hbm>>
    tpu.wait_dma2 semaphore(%arg4 : memref<!tpu.dma_semaphore, #tpu.memory_space<semaphore_mem>>) src(%arg2 : memref<8x15x5120xf32, #tpu.memory_space<vmem>>) dst(%dma_wait3A_165 : memref<8x15x5120xf32, #tpu.memory_space<hbm>>)
    %dma_start3A_166 = arith.constant 120 : i32
    %dma_start3A_167 = arith.constant 0 : i32
    %dma_start3A_168 = arith.constant 0 : i32
    %dma_start3A_169 = tpu.memref_slice %arg1[%dma_start3A_166, %dma_start3A_167, %dma_start3A_168] : memref<512x15x5120xf32, #tpu.memory_space<hbm>> -> memref<8x15x5120xf32, #tpu.memory_space<hbm>>
    tpu.enqueue_dma source(%arg2 : memref<8x15x5120xf32, #tpu.memory_space<vmem>>) target(%dma_start3A_169 : memref<8x15x5120xf32, #tpu.memory_space<hbm>>) target_semaphore(%arg4 : memref<!tpu.dma_semaphore, #tpu.memory_space<semaphore_mem>>)
    %dma_wait3A_170 = arith.constant 56 : i32
    %dma_wait3A_171 = arith.constant 0 : i32
    %dma_wait3A_172 = arith.constant 0 : i32
    %dma_wait3A_173 = tpu.memref_slice %arg1[%dma_wait3A_170, %dma_wait3A_171, %dma_wait3A_172] : memref<512x15x5120xf32, #tpu.memory_space<hbm>> -> memref<8x15x5120xf32, #tpu.memory_space<hbm>>
    tpu.wait_dma2 semaphore(%arg4 : memref<!tpu.dma_semaphore, #tpu.memory_space<semaphore_mem>>) src(%arg2 : memref<8x15x5120xf32, #tpu.memory_space<vmem>>) dst(%dma_wait3A_173 : memref<8x15x5120xf32, #tpu.memory_space<hbm>>)
    %dma_start3A_174 = arith.constant 128 : i32
    %dma_start3A_175 = arith.constant 0 : i32
    %dma_start3A_176 = arith.constant 0 : i32
    %dma_start3A_177 = tpu.memref_slice %arg1[%dma_start3A_174, %dma_start3A_175, %dma_start3A_176] : memref<512x15x5120xf32, #tpu.memory_space<hbm>> -> memref<8x15x5120xf32, #tpu.memory_space<hbm>>
    tpu.enqueue_dma source(%arg2 : memref<8x15x5120xf32, #tpu.memory_space<vmem>>) target(%dma_start3A_177 : memref<8x15x5120xf32, #tpu.memory_space<hbm>>) target_semaphore(%arg4 : memref<!tpu.dma_semaphore, #tpu.memory_space<semaphore_mem>>)
    %dma_wait3A_178 = arith.constant 64 : i32
    %dma_wait3A_179 = arith.constant 0 : i32
    %dma_wait3A_180 = arith.constant 0 : i32
    %dma_wait3A_181 = tpu.memref_slice %arg1[%dma_wait3A_178, %dma_wait3A_179, %dma_wait3A_180] : memref<512x15x5120xf32, #tpu.memory_space<hbm>> -> memref<8x15x5120xf32, #tpu.memory_space<hbm>>
    tpu.wait_dma2 semaphore(%arg4 : memref<!tpu.dma_semaphore, #tpu.memory_space<semaphore_mem>>) src(%arg2 : memref<8x15x5120xf32, #tpu.memory_space<vmem>>) dst(%dma_wait3A_181 : memref<8x15x5120xf32, #tpu.memory_space<hbm>>)
    %dma_start3A_182 = arith.constant 136 : i32
    %dma_start3A_183 = arith.constant 0 : i32
    %dma_start3A_184 = arith.constant 0 : i32
    %dma_start3A_185 = tpu.memref_slice %arg1[%dma_start3A_182, %dma_start3A_183, %dma_start3A_184] : memref<512x15x5120xf32, #tpu.memory_space<hbm>> -> memref<8x15x5120xf32, #tpu.memory_space<hbm>>
    tpu.enqueue_dma source(%arg2 : memref<8x15x5120xf32, #tpu.memory_space<vmem>>) target(%dma_start3A_185 : memref<8x15x5120xf32, #tpu.memory_space<hbm>>) target_semaphore(%arg4 : memref<!tpu.dma_semaphore, #tpu.memory_space<semaphore_mem>>)
    %dma_wait3A_186 = arith.constant 72 : i32
    %dma_wait3A_187 = arith.constant 0 : i32
    %dma_wait3A_188 = arith.constant 0 : i32
    %dma_wait3A_189 = tpu.memref_slice %arg1[%dma_wait3A_186, %dma_wait3A_187, %dma_wait3A_188] : memref<512x15x5120xf32, #tpu.memory_space<hbm>> -> memref<8x15x5120xf32, #tpu.memory_space<hbm>>
    tpu.wait_dma2 semaphore(%arg4 : memref<!tpu.dma_semaphore, #tpu.memory_space<semaphore_mem>>) src(%arg2 : memref<8x15x5120xf32, #tpu.memory_space<vmem>>) dst(%dma_wait3A_189 : memref<8x15x5120xf32, #tpu.memory_space<hbm>>)
    %dma_start3A_190 = arith.constant 144 : i32
    %dma_start3A_191 = arith.constant 0 : i32
    %dma_start3A_192 = arith.constant 0 : i32
    %dma_start3A_193 = tpu.memref_slice %arg1[%dma_start3A_190, %dma_start3A_191, %dma_start3A_192] : memref<512x15x5120xf32, #tpu.memory_space<hbm>> -> memref<8x15x5120xf32, #tpu.memory_space<hbm>>
    tpu.enqueue_dma source(%arg2 : memref<8x15x5120xf32, #tpu.memory_space<vmem>>) target(%dma_start3A_193 : memref<8x15x5120xf32, #tpu.memory_space<hbm>>) target_semaphore(%arg4 : memref<!tpu.dma_semaphore, #tpu.memory_space<semaphore_mem>>)
    %dma_wait3A_194 = arith.constant 80 : i32
    %dma_wait3A_195 = arith.constant 0 : i32
    %dma_wait3A_196 = arith.constant 0 : i32
    %dma_wait3A_197 = tpu.memref_slice %arg1[%dma_wait3A_194, %dma_wait3A_195, %dma_wait3A_196] : memref<512x15x5120xf32, #tpu.memory_space<hbm>> -> memref<8x15x5120xf32, #tpu.memory_space<hbm>>
    tpu.wait_dma2 semaphore(%arg4 : memref<!tpu.dma_semaphore, #tpu.memory_space<semaphore_mem>>) src(%arg2 : memref<8x15x5120xf32, #tpu.memory_space<vmem>>) dst(%dma_wait3A_197 : memref<8x15x5120xf32, #tpu.memory_space<hbm>>)
    %dma_start3A_198 = arith.constant 152 : i32
    %dma_start3A_199 = arith.constant 0 : i32
    %dma_start3A_200 = arith.constant 0 : i32
    %dma_start3A_201 = tpu.memref_slice %arg1[%dma_start3A_198, %dma_start3A_199, %dma_start3A_200] : memref<512x15x5120xf32, #tpu.memory_space<hbm>> -> memref<8x15x5120xf32, #tpu.memory_space<hbm>>
    tpu.enqueue_dma source(%arg2 : memref<8x15x5120xf32, #tpu.memory_space<vmem>>) target(%dma_start3A_201 : memref<8x15x5120xf32, #tpu.memory_space<hbm>>) target_semaphore(%arg4 : memref<!tpu.dma_semaphore, #tpu.memory_space<semaphore_mem>>)
    %dma_wait3A_202 = arith.constant 88 : i32
    %dma_wait3A_203 = arith.constant 0 : i32
    %dma_wait3A_204 = arith.constant 0 : i32
    %dma_wait3A_205 = tpu.memref_slice %arg1[%dma_wait3A_202, %dma_wait3A_203, %dma_wait3A_204] : memref<512x15x5120xf32, #tpu.memory_space<hbm>> -> memref<8x15x5120xf32, #tpu.memory_space<hbm>>
    tpu.wait_dma2 semaphore(%arg4 : memref<!tpu.dma_semaphore, #tpu.memory_space<semaphore_mem>>) src(%arg2 : memref<8x15x5120xf32, #tpu.memory_space<vmem>>) dst(%dma_wait3A_205 : memref<8x15x5120xf32, #tpu.memory_space<hbm>>)
    %dma_start3A_206 = arith.constant 160 : i32
    %dma_start3A_207 = arith.constant 0 : i32
    %dma_start3A_208 = arith.constant 0 : i32
    %dma_start3A_209 = tpu.memref_slice %arg1[%dma_start3A_206, %dma_start3A_207, %dma_start3A_208] : memref<512x15x5120xf32, #tpu.memory_space<hbm>> -> memref<8x15x5120xf32, #tpu.memory_space<hbm>>
    tpu.enqueue_dma source(%arg2 : memref<8x15x5120xf32, #tpu.memory_space<vmem>>) target(%dma_start3A_209 : memref<8x15x5120xf32, #tpu.memory_space<hbm>>) target_semaphore(%arg4 : memref<!tpu.dma_semaphore, #tpu.memory_space<semaphore_mem>>)
    %dma_wait3A_210 = arith.constant 96 : i32
    %dma_wait3A_211 = arith.constant 0 : i32
    %dma_wait3A_212 = arith.constant 0 : i32
    %dma_wait3A_213 = tpu.memref_slice %arg1[%dma_wait3A_210, %dma_wait3A_211, %dma_wait3A_212] : memref<512x15x5120xf32, #tpu.memory_space<hbm>> -> memref<8x15x5120xf32, #tpu.memory_space<hbm>>
    tpu.wait_dma2 semaphore(%arg4 : memref<!tpu.dma_semaphore, #tpu.memory_space<semaphore_mem>>) src(%arg2 : memref<8x15x5120xf32, #tpu.memory_space<vmem>>) dst(%dma_wait3A_213 : memref<8x15x5120xf32, #tpu.memory_space<hbm>>)
    %dma_start3A_214 = arith.constant 168 : i32
    %dma_start3A_215 = arith.constant 0 : i32
    %dma_start3A_216 = arith.constant 0 : i32
    %dma_start3A_217 = tpu.memref_slice %arg1[%dma_start3A_214, %dma_start3A_215, %dma_start3A_216] : memref<512x15x5120xf32, #tpu.memory_space<hbm>> -> memref<8x15x5120xf32, #tpu.memory_space<hbm>>
    tpu.enqueue_dma source(%arg2 : memref<8x15x5120xf32, #tpu.memory_space<vmem>>) target(%dma_start3A_217 : memref<8x15x5120xf32, #tpu.memory_space<hbm>>) target_semaphore(%arg4 : memref<!tpu.dma_semaphore, #tpu.memory_space<semaphore_mem>>)
    %dma_wait3A_218 = arith.constant 104 : i32
    %dma_wait3A_219 = arith.constant 0 : i32
    %dma_wait3A_220 = arith.constant 0 : i32
    %dma_wait3A_221 = tpu.memref_slice %arg1[%dma_wait3A_218, %dma_wait3A_219, %dma_wait3A_220] : memref<512x15x5120xf32, #tpu.memory_space<hbm>> -> memref<8x15x5120xf32, #tpu.memory_space<hbm>>
    tpu.wait_dma2 semaphore(%arg4 : memref<!tpu.dma_semaphore, #tpu.memory_space<semaphore_mem>>) src(%arg2 : memref<8x15x5120xf32, #tpu.memory_space<vmem>>) dst(%dma_wait3A_221 : memref<8x15x5120xf32, #tpu.memory_space<hbm>>)
    %dma_start3A_222 = arith.constant 176 : i32
    %dma_start3A_223 = arith.constant 0 : i32
    %dma_start3A_224 = arith.constant 0 : i32
    %dma_start3A_225 = tpu.memref_slice %arg1[%dma_start3A_222, %dma_start3A_223, %dma_start3A_224] : memref<512x15x5120xf32, #tpu.memory_space<hbm>> -> memref<8x15x5120xf32, #tpu.memory_space<hbm>>
    tpu.enqueue_dma source(%arg2 : memref<8x15x5120xf32, #tpu.memory_space<vmem>>) target(%dma_start3A_225 : memref<8x15x5120xf32, #tpu.memory_space<hbm>>) target_semaphore(%arg4 : memref<!tpu.dma_semaphore, #tpu.memory_space<semaphore_mem>>)
    %dma_wait3A_226 = arith.constant 112 : i32
    %dma_wait3A_227 = arith.constant 0 : i32
    %dma_wait3A_228 = arith.constant 0 : i32
    %dma_wait3A_229 = tpu.memref_slice %arg1[%dma_wait3A_226, %dma_wait3A_227, %dma_wait3A_228] : memref<512x15x5120xf32, #tpu.memory_space<hbm>> -> memref<8x15x5120xf32, #tpu.memory_space<hbm>>
    tpu.wait_dma2 semaphore(%arg4 : memref<!tpu.dma_semaphore, #tpu.memory_space<semaphore_mem>>) src(%arg2 : memref<8x15x5120xf32, #tpu.memory_space<vmem>>) dst(%dma_wait3A_229 : memref<8x15x5120xf32, #tpu.memory_space<hbm>>)
    %dma_start3A_230 = arith.constant 184 : i32
    %dma_start3A_231 = arith.constant 0 : i32
    %dma_start3A_232 = arith.constant 0 : i32
    %dma_start3A_233 = tpu.memref_slice %arg1[%dma_start3A_230, %dma_start3A_231, %dma_start3A_232] : memref<512x15x5120xf32, #tpu.memory_space<hbm>> -> memref<8x15x5120xf32, #tpu.memory_space<hbm>>
    tpu.enqueue_dma source(%arg2 : memref<8x15x5120xf32, #tpu.memory_space<vmem>>) target(%dma_start3A_233 : memref<8x15x5120xf32, #tpu.memory_space<hbm>>) target_semaphore(%arg4 : memref<!tpu.dma_semaphore, #tpu.memory_space<semaphore_mem>>)
    %dma_wait3A_234 = arith.constant 120 : i32
    %dma_wait3A_235 = arith.constant 0 : i32
    %dma_wait3A_236 = arith.constant 0 : i32
    %dma_wait3A_237 = tpu.memref_slice %arg1[%dma_wait3A_234, %dma_wait3A_235, %dma_wait3A_236] : memref<512x15x5120xf32, #tpu.memory_space<hbm>> -> memref<8x15x5120xf32, #tpu.memory_space<hbm>>
    tpu.wait_dma2 semaphore(%arg4 : memref<!tpu.dma_semaphore, #tpu.memory_space<semaphore_mem>>) src(%arg2 : memref<8x15x5120xf32, #tpu.memory_space<vmem>>) dst(%dma_wait3A_237 : memref<8x15x5120xf32, #tpu.memory_space<hbm>>)
    %dma_start3A_238 = arith.constant 192 : i32
    %dma_start3A_239 = arith.constant 0 : i32
    %dma_start3A_240 = arith.constant 0 : i32
    %dma_start3A_241 = tpu.memref_slice %arg1[%dma_start3A_238, %dma_start3A_239, %dma_start3A_240] : memref<512x15x5120xf32, #tpu.memory_space<hbm>> -> memref<8x15x5120xf32, #tpu.memory_space<hbm>>
    tpu.enqueue_dma source(%arg2 : memref<8x15x5120xf32, #tpu.memory_space<vmem>>) target(%dma_start3A_241 : memref<8x15x5120xf32, #tpu.memory_space<hbm>>) target_semaphore(%arg4 : memref<!tpu.dma_semaphore, #tpu.memory_space<semaphore_mem>>)
    %dma_wait3A_242 = arith.constant 128 : i32
    %dma_wait3A_243 = arith.constant 0 : i32
    %dma_wait3A_244 = arith.constant 0 : i32
    %dma_wait3A_245 = tpu.memref_slice %arg1[%dma_wait3A_242, %dma_wait3A_243, %dma_wait3A_244] : memref<512x15x5120xf32, #tpu.memory_space<hbm>> -> memref<8x15x5120xf32, #tpu.memory_space<hbm>>
    tpu.wait_dma2 semaphore(%arg4 : memref<!tpu.dma_semaphore, #tpu.memory_space<semaphore_mem>>) src(%arg2 : memref<8x15x5120xf32, #tpu.memory_space<vmem>>) dst(%dma_wait3A_245 : memref<8x15x5120xf32, #tpu.memory_space<hbm>>)
    %dma_start3A_246 = arith.constant 200 : i32
    %dma_start3A_247 = arith.constant 0 : i32
    %dma_start3A_248 = arith.constant 0 : i32
    %dma_start3A_249 = tpu.memref_slice %arg1[%dma_start3A_246, %dma_start3A_247, %dma_start3A_248] : memref<512x15x5120xf32, #tpu.memory_space<hbm>> -> memref<8x15x5120xf32, #tpu.memory_space<hbm>>
    tpu.enqueue_dma source(%arg2 : memref<8x15x5120xf32, #tpu.memory_space<vmem>>) target(%dma_start3A_249 : memref<8x15x5120xf32, #tpu.memory_space<hbm>>) target_semaphore(%arg4 : memref<!tpu.dma_semaphore, #tpu.memory_space<semaphore_mem>>)
    %dma_wait3A_250 = arith.constant 136 : i32
    %dma_wait3A_251 = arith.constant 0 : i32
    %dma_wait3A_252 = arith.constant 0 : i32
    %dma_wait3A_253 = tpu.memref_slice %arg1[%dma_wait3A_250, %dma_wait3A_251, %dma_wait3A_252] : memref<512x15x5120xf32, #tpu.memory_space<hbm>> -> memref<8x15x5120xf32, #tpu.memory_space<hbm>>
    tpu.wait_dma2 semaphore(%arg4 : memref<!tpu.dma_semaphore, #tpu.memory_space<semaphore_mem>>) src(%arg2 : memref<8x15x5120xf32, #tpu.memory_space<vmem>>) dst(%dma_wait3A_253 : memref<8x15x5120xf32, #tpu.memory_space<hbm>>)
    %dma_start3A_254 = arith.constant 208 : i32
    %dma_start3A_255 = arith.constant 0 : i32
    %dma_start3A_256 = arith.constant 0 : i32
    %dma_start3A_257 = tpu.memref_slice %arg1[%dma_start3A_254, %dma_start3A_255, %dma_start3A_256] : memref<512x15x5120xf32, #tpu.memory_space<hbm>> -> memref<8x15x5120xf32, #tpu.memory_space<hbm>>
    tpu.enqueue_dma source(%arg2 : memref<8x15x5120xf32, #tpu.memory_space<vmem>>) target(%dma_start3A_257 : memref<8x15x5120xf32, #tpu.memory_space<hbm>>) target_semaphore(%arg4 : memref<!tpu.dma_semaphore, #tpu.memory_space<semaphore_mem>>)
    %dma_wait3A_258 = arith.constant 144 : i32
    %dma_wait3A_259 = arith.constant 0 : i32
    %dma_wait3A_260 = arith.constant 0 : i32
    %dma_wait3A_261 = tpu.memref_slice %arg1[%dma_wait3A_258, %dma_wait3A_259, %dma_wait3A_260] : memref<512x15x5120xf32, #tpu.memory_space<hbm>> -> memref<8x15x5120xf32, #tpu.memory_space<hbm>>
    tpu.wait_dma2 semaphore(%arg4 : memref<!tpu.dma_semaphore, #tpu.memory_space<semaphore_mem>>) src(%arg2 : memref<8x15x5120xf32, #tpu.memory_space<vmem>>) dst(%dma_wait3A_261 : memref<8x15x5120xf32, #tpu.memory_space<hbm>>)
    %dma_start3A_262 = arith.constant 216 : i32
    %dma_start3A_263 = arith.constant 0 : i32
    %dma_start3A_264 = arith.constant 0 : i32
    %dma_start3A_265 = tpu.memref_slice %arg1[%dma_start3A_262, %dma_start3A_263, %dma_start3A_264] : memref<512x15x5120xf32, #tpu.memory_space<hbm>> -> memref<8x15x5120xf32, #tpu.memory_space<hbm>>
    tpu.enqueue_dma source(%arg2 : memref<8x15x5120xf32, #tpu.memory_space<vmem>>) target(%dma_start3A_265 : memref<8x15x5120xf32, #tpu.memory_space<hbm>>) target_semaphore(%arg4 : memref<!tpu.dma_semaphore, #tpu.memory_space<semaphore_mem>>)
    %dma_wait3A_266 = arith.constant 152 : i32
    %dma_wait3A_267 = arith.constant 0 : i32
    %dma_wait3A_268 = arith.constant 0 : i32
    %dma_wait3A_269 = tpu.memref_slice %arg1[%dma_wait3A_266, %dma_wait3A_267, %dma_wait3A_268] : memref<512x15x5120xf32, #tpu.memory_space<hbm>> -> memref<8x15x5120xf32, #tpu.memory_space<hbm>>
    tpu.wait_dma2 semaphore(%arg4 : memref<!tpu.dma_semaphore, #tpu.memory_space<semaphore_mem>>) src(%arg2 : memref<8x15x5120xf32, #tpu.memory_space<vmem>>) dst(%dma_wait3A_269 : memref<8x15x5120xf32, #tpu.memory_space<hbm>>)
    %dma_start3A_270 = arith.constant 224 : i32
    %dma_start3A_271 = arith.constant 0 : i32
    %dma_start3A_272 = arith.constant 0 : i32
    %dma_start3A_273 = tpu.memref_slice %arg1[%dma_start3A_270, %dma_start3A_271, %dma_start3A_272] : memref<512x15x5120xf32, #tpu.memory_space<hbm>> -> memref<8x15x5120xf32, #tpu.memory_space<hbm>>
    tpu.enqueue_dma source(%arg2 : memref<8x15x5120xf32, #tpu.memory_space<vmem>>) target(%dma_start3A_273 : memref<8x15x5120xf32, #tpu.memory_space<hbm>>) target_semaphore(%arg4 : memref<!tpu.dma_semaphore, #tpu.memory_space<semaphore_mem>>)
    %dma_wait3A_274 = arith.constant 160 : i32
    %dma_wait3A_275 = arith.constant 0 : i32
    %dma_wait3A_276 = arith.constant 0 : i32
    %dma_wait3A_277 = tpu.memref_slice %arg1[%dma_wait3A_274, %dma_wait3A_275, %dma_wait3A_276] : memref<512x15x5120xf32, #tpu.memory_space<hbm>> -> memref<8x15x5120xf32, #tpu.memory_space<hbm>>
    tpu.wait_dma2 semaphore(%arg4 : memref<!tpu.dma_semaphore, #tpu.memory_space<semaphore_mem>>) src(%arg2 : memref<8x15x5120xf32, #tpu.memory_space<vmem>>) dst(%dma_wait3A_277 : memref<8x15x5120xf32, #tpu.memory_space<hbm>>)
    %dma_start3A_278 = arith.constant 232 : i32
    %dma_start3A_279 = arith.constant 0 : i32
    %dma_start3A_280 = arith.constant 0 : i32
    %dma_start3A_281 = tpu.memref_slice %arg1[%dma_start3A_278, %dma_start3A_279, %dma_start3A_280] : memref<512x15x5120xf32, #tpu.memory_space<hbm>> -> memref<8x15x5120xf32, #tpu.memory_space<hbm>>
    tpu.enqueue_dma source(%arg2 : memref<8x15x5120xf32, #tpu.memory_space<vmem>>) target(%dma_start3A_281 : memref<8x15x5120xf32, #tpu.memory_space<hbm>>) target_semaphore(%arg4 : memref<!tpu.dma_semaphore, #tpu.memory_space<semaphore_mem>>)
    %dma_wait3A_282 = arith.constant 168 : i32
    %dma_wait3A_283 = arith.constant 0 : i32
    %dma_wait3A_284 = arith.constant 0 : i32
    %dma_wait3A_285 = tpu.memref_slice %arg1[%dma_wait3A_282, %dma_wait3A_283, %dma_wait3A_284] : memref<512x15x5120xf32, #tpu.memory_space<hbm>> -> memref<8x15x5120xf32, #tpu.memory_space<hbm>>
    tpu.wait_dma2 semaphore(%arg4 : memref<!tpu.dma_semaphore, #tpu.memory_space<semaphore_mem>>) src(%arg2 : memref<8x15x5120xf32, #tpu.memory_space<vmem>>) dst(%dma_wait3A_285 : memref<8x15x5120xf32, #tpu.memory_space<hbm>>)
    %dma_start3A_286 = arith.constant 240 : i32
    %dma_start3A_287 = arith.constant 0 : i32
    %dma_start3A_288 = arith.constant 0 : i32
    %dma_start3A_289 = tpu.memref_slice %arg1[%dma_start3A_286, %dma_start3A_287, %dma_start3A_288] : memref<512x15x5120xf32, #tpu.memory_space<hbm>> -> memref<8x15x5120xf32, #tpu.memory_space<hbm>>
    tpu.enqueue_dma source(%arg2 : memref<8x15x5120xf32, #tpu.memory_space<vmem>>) target(%dma_start3A_289 : memref<8x15x5120xf32, #tpu.memory_space<hbm>>) target_semaphore(%arg4 : memref<!tpu.dma_semaphore, #tpu.memory_space<semaphore_mem>>)
    %dma_wait3A_290 = arith.constant 176 : i32
    %dma_wait3A_291 = arith.constant 0 : i32
    %dma_wait3A_292 = arith.constant 0 : i32
    %dma_wait3A_293 = tpu.memref_slice %arg1[%dma_wait3A_290, %dma_wait3A_291, %dma_wait3A_292] : memref<512x15x5120xf32, #tpu.memory_space<hbm>> -> memref<8x15x5120xf32, #tpu.memory_space<hbm>>
    tpu.wait_dma2 semaphore(%arg4 : memref<!tpu.dma_semaphore, #tpu.memory_space<semaphore_mem>>) src(%arg2 : memref<8x15x5120xf32, #tpu.memory_space<vmem>>) dst(%dma_wait3A_293 : memref<8x15x5120xf32, #tpu.memory_space<hbm>>)
    %dma_start3A_294 = arith.constant 248 : i32
    %dma_start3A_295 = arith.constant 0 : i32
    %dma_start3A_296 = arith.constant 0 : i32
    %dma_start3A_297 = tpu.memref_slice %arg1[%dma_start3A_294, %dma_start3A_295, %dma_start3A_296] : memref<512x15x5120xf32, #tpu.memory_space<hbm>> -> memref<8x15x5120xf32, #tpu.memory_space<hbm>>
    tpu.enqueue_dma source(%arg2 : memref<8x15x5120xf32, #tpu.memory_space<vmem>>) target(%dma_start3A_297 : memref<8x15x5120xf32, #tpu.memory_space<hbm>>) target_semaphore(%arg4 : memref<!tpu.dma_semaphore, #tpu.memory_space<semaphore_mem>>)
    %dma_wait3A_298 = arith.constant 184 : i32
    %dma_wait3A_299 = arith.constant 0 : i32
    %dma_wait3A_300 = arith.constant 0 : i32
    %dma_wait3A_301 = tpu.memref_slice %arg1[%dma_wait3A_298, %dma_wait3A_299, %dma_wait3A_300] : memref<512x15x5120xf32, #tpu.memory_space<hbm>> -> memref<8x15x5120xf32, #tpu.memory_space<hbm>>
    tpu.wait_dma2 semaphore(%arg4 : memref<!tpu.dma_semaphore, #tpu.memory_space<semaphore_mem>>) src(%arg2 : memref<8x15x5120xf32, #tpu.memory_space<vmem>>) dst(%dma_wait3A_301 : memref<8x15x5120xf32, #tpu.memory_space<hbm>>)
    %dma_start3A_302 = arith.constant 256 : i32
    %dma_start3A_303 = arith.constant 0 : i32
    %dma_start3A_304 = arith.constant 0 : i32
    %dma_start3A_305 = tpu.memref_slice %arg1[%dma_start3A_302, %dma_start3A_303, %dma_start3A_304] : memref<512x15x5120xf32, #tpu.memory_space<hbm>> -> memref<8x15x5120xf32, #tpu.memory_space<hbm>>
    tpu.enqueue_dma source(%arg2 : memref<8x15x5120xf32, #tpu.memory_space<vmem>>) target(%dma_start3A_305 : memref<8x15x5120xf32, #tpu.memory_space<hbm>>) target_semaphore(%arg4 : memref<!tpu.dma_semaphore, #tpu.memory_space<semaphore_mem>>)
    %dma_wait3A_306 = arith.constant 192 : i32
    %dma_wait3A_307 = arith.constant 0 : i32
    %dma_wait3A_308 = arith.constant 0 : i32
    %dma_wait3A_309 = tpu.memref_slice %arg1[%dma_wait3A_306, %dma_wait3A_307, %dma_wait3A_308] : memref<512x15x5120xf32, #tpu.memory_space<hbm>> -> memref<8x15x5120xf32, #tpu.memory_space<hbm>>
    tpu.wait_dma2 semaphore(%arg4 : memref<!tpu.dma_semaphore, #tpu.memory_space<semaphore_mem>>) src(%arg2 : memref<8x15x5120xf32, #tpu.memory_space<vmem>>) dst(%dma_wait3A_309 : memref<8x15x5120xf32, #tpu.memory_space<hbm>>)
    %dma_start3A_310 = arith.constant 264 : i32
    %dma_start3A_311 = arith.constant 0 : i32
    %dma_start3A_312 = arith.constant 0 : i32
    %dma_start3A_313 = tpu.memref_slice %arg1[%dma_start3A_310, %dma_start3A_311, %dma_start3A_312] : memref<512x15x5120xf32, #tpu.memory_space<hbm>> -> memref<8x15x5120xf32, #tpu.memory_space<hbm>>
    tpu.enqueue_dma source(%arg2 : memref<8x15x5120xf32, #tpu.memory_space<vmem>>) target(%dma_start3A_313 : memref<8x15x5120xf32, #tpu.memory_space<hbm>>) target_semaphore(%arg4 : memref<!tpu.dma_semaphore, #tpu.memory_space<semaphore_mem>>)
    %dma_wait3A_314 = arith.constant 200 : i32
    %dma_wait3A_315 = arith.constant 0 : i32
    %dma_wait3A_316 = arith.constant 0 : i32
    %dma_wait3A_317 = tpu.memref_slice %arg1[%dma_wait3A_314, %dma_wait3A_315, %dma_wait3A_316] : memref<512x15x5120xf32, #tpu.memory_space<hbm>> -> memref<8x15x5120xf32, #tpu.memory_space<hbm>>
    tpu.wait_dma2 semaphore(%arg4 : memref<!tpu.dma_semaphore, #tpu.memory_space<semaphore_mem>>) src(%arg2 : memref<8x15x5120xf32, #tpu.memory_space<vmem>>) dst(%dma_wait3A_317 : memref<8x15x5120xf32, #tpu.memory_space<hbm>>)
    %dma_start3A_318 = arith.constant 272 : i32
    %dma_start3A_319 = arith.constant 0 : i32
    %dma_start3A_320 = arith.constant 0 : i32
    %dma_start3A_321 = tpu.memref_slice %arg1[%dma_start3A_318, %dma_start3A_319, %dma_start3A_320] : memref<512x15x5120xf32, #tpu.memory_space<hbm>> -> memref<8x15x5120xf32, #tpu.memory_space<hbm>>
    tpu.enqueue_dma source(%arg2 : memref<8x15x5120xf32, #tpu.memory_space<vmem>>) target(%dma_start3A_321 : memref<8x15x5120xf32, #tpu.memory_space<hbm>>) target_semaphore(%arg4 : memref<!tpu.dma_semaphore, #tpu.memory_space<semaphore_mem>>)
    %dma_wait3A_322 = arith.constant 208 : i32
    %dma_wait3A_323 = arith.constant 0 : i32
    %dma_wait3A_324 = arith.constant 0 : i32
    %dma_wait3A_325 = tpu.memref_slice %arg1[%dma_wait3A_322, %dma_wait3A_323, %dma_wait3A_324] : memref<512x15x5120xf32, #tpu.memory_space<hbm>> -> memref<8x15x5120xf32, #tpu.memory_space<hbm>>
    tpu.wait_dma2 semaphore(%arg4 : memref<!tpu.dma_semaphore, #tpu.memory_space<semaphore_mem>>) src(%arg2 : memref<8x15x5120xf32, #tpu.memory_space<vmem>>) dst(%dma_wait3A_325 : memref<8x15x5120xf32, #tpu.memory_space<hbm>>)
    %dma_start3A_326 = arith.constant 280 : i32
    %dma_start3A_327 = arith.constant 0 : i32
    %dma_start3A_328 = arith.constant 0 : i32
    %dma_start3A_329 = tpu.memref_slice %arg1[%dma_start3A_326, %dma_start3A_327, %dma_start3A_328] : memref<512x15x5120xf32, #tpu.memory_space<hbm>> -> memref<8x15x5120xf32, #tpu.memory_space<hbm>>
    tpu.enqueue_dma source(%arg2 : memref<8x15x5120xf32, #tpu.memory_space<vmem>>) target(%dma_start3A_329 : memref<8x15x5120xf32, #tpu.memory_space<hbm>>) target_semaphore(%arg4 : memref<!tpu.dma_semaphore, #tpu.memory_space<semaphore_mem>>)
    %dma_wait3A_330 = arith.constant 216 : i32
    %dma_wait3A_331 = arith.constant 0 : i32
    %dma_wait3A_332 = arith.constant 0 : i32
    %dma_wait3A_333 = tpu.memref_slice %arg1[%dma_wait3A_330, %dma_wait3A_331, %dma_wait3A_332] : memref<512x15x5120xf32, #tpu.memory_space<hbm>> -> memref<8x15x5120xf32, #tpu.memory_space<hbm>>
    tpu.wait_dma2 semaphore(%arg4 : memref<!tpu.dma_semaphore, #tpu.memory_space<semaphore_mem>>) src(%arg2 : memref<8x15x5120xf32, #tpu.memory_space<vmem>>) dst(%dma_wait3A_333 : memref<8x15x5120xf32, #tpu.memory_space<hbm>>)
    %dma_start3A_334 = arith.constant 288 : i32
    %dma_start3A_335 = arith.constant 0 : i32
    %dma_start3A_336 = arith.constant 0 : i32
    %dma_start3A_337 = tpu.memref_slice %arg1[%dma_start3A_334, %dma_start3A_335, %dma_start3A_336] : memref<512x15x5120xf32, #tpu.memory_space<hbm>> -> memref<8x15x5120xf32, #tpu.memory_space<hbm>>
    tpu.enqueue_dma source(%arg2 : memref<8x15x5120xf32, #tpu.memory_space<vmem>>) target(%dma_start3A_337 : memref<8x15x5120xf32, #tpu.memory_space<hbm>>) target_semaphore(%arg4 : memref<!tpu.dma_semaphore, #tpu.memory_space<semaphore_mem>>)
    %dma_wait3A_338 = arith.constant 224 : i32
    %dma_wait3A_339 = arith.constant 0 : i32
    %dma_wait3A_340 = arith.constant 0 : i32
    %dma_wait3A_341 = tpu.memref_slice %arg1[%dma_wait3A_338, %dma_wait3A_339, %dma_wait3A_340] : memref<512x15x5120xf32, #tpu.memory_space<hbm>> -> memref<8x15x5120xf32, #tpu.memory_space<hbm>>
    tpu.wait_dma2 semaphore(%arg4 : memref<!tpu.dma_semaphore, #tpu.memory_space<semaphore_mem>>) src(%arg2 : memref<8x15x5120xf32, #tpu.memory_space<vmem>>) dst(%dma_wait3A_341 : memref<8x15x5120xf32, #tpu.memory_space<hbm>>)
    %dma_start3A_342 = arith.constant 296 : i32
    %dma_start3A_343 = arith.constant 0 : i32
    %dma_start3A_344 = arith.constant 0 : i32
    %dma_start3A_345 = tpu.memref_slice %arg1[%dma_start3A_342, %dma_start3A_343, %dma_start3A_344] : memref<512x15x5120xf32, #tpu.memory_space<hbm>> -> memref<8x15x5120xf32, #tpu.memory_space<hbm>>
    tpu.enqueue_dma source(%arg2 : memref<8x15x5120xf32, #tpu.memory_space<vmem>>) target(%dma_start3A_345 : memref<8x15x5120xf32, #tpu.memory_space<hbm>>) target_semaphore(%arg4 : memref<!tpu.dma_semaphore, #tpu.memory_space<semaphore_mem>>)
    %dma_wait3A_346 = arith.constant 232 : i32
    %dma_wait3A_347 = arith.constant 0 : i32
    %dma_wait3A_348 = arith.constant 0 : i32
    %dma_wait3A_349 = tpu.memref_slice %arg1[%dma_wait3A_346, %dma_wait3A_347, %dma_wait3A_348] : memref<512x15x5120xf32, #tpu.memory_space<hbm>> -> memref<8x15x5120xf32, #tpu.memory_space<hbm>>
    tpu.wait_dma2 semaphore(%arg4 : memref<!tpu.dma_semaphore, #tpu.memory_space<semaphore_mem>>) src(%arg2 : memref<8x15x5120xf32, #tpu.memory_space<vmem>>) dst(%dma_wait3A_349 : memref<8x15x5120xf32, #tpu.memory_space<hbm>>)
    %dma_start3A_350 = arith.constant 304 : i32
    %dma_start3A_351 = arith.constant 0 : i32
    %dma_start3A_352 = arith.constant 0 : i32
    %dma_start3A_353 = tpu.memref_slice %arg1[%dma_start3A_350, %dma_start3A_351, %dma_start3A_352] : memref<512x15x5120xf32, #tpu.memory_space<hbm>> -> memref<8x15x5120xf32, #tpu.memory_space<hbm>>
    tpu.enqueue_dma source(%arg2 : memref<8x15x5120xf32, #tpu.memory_space<vmem>>) target(%dma_start3A_353 : memref<8x15x5120xf32, #tpu.memory_space<hbm>>) target_semaphore(%arg4 : memref<!tpu.dma_semaphore, #tpu.memory_space<semaphore_mem>>)
    %dma_wait3A_354 = arith.constant 240 : i32
    %dma_wait3A_355 = arith.constant 0 : i32
    %dma_wait3A_356 = arith.constant 0 : i32
    %dma_wait3A_357 = tpu.memref_slice %arg1[%dma_wait3A_354, %dma_wait3A_355, %dma_wait3A_356] : memref<512x15x5120xf32, #tpu.memory_space<hbm>> -> memref<8x15x5120xf32, #tpu.memory_space<hbm>>
    tpu.wait_dma2 semaphore(%arg4 : memref<!tpu.dma_semaphore, #tpu.memory_space<semaphore_mem>>) src(%arg2 : memref<8x15x5120xf32, #tpu.memory_space<vmem>>) dst(%dma_wait3A_357 : memref<8x15x5120xf32, #tpu.memory_space<hbm>>)
    %dma_start3A_358 = arith.constant 312 : i32
    %dma_start3A_359 = arith.constant 0 : i32
    %dma_start3A_360 = arith.constant 0 : i32
    %dma_start3A_361 = tpu.memref_slice %arg1[%dma_start3A_358, %dma_start3A_359, %dma_start3A_360] : memref<512x15x5120xf32, #tpu.memory_space<hbm>> -> memref<8x15x5120xf32, #tpu.memory_space<hbm>>
    tpu.enqueue_dma source(%arg2 : memref<8x15x5120xf32, #tpu.memory_space<vmem>>) target(%dma_start3A_361 : memref<8x15x5120xf32, #tpu.memory_space<hbm>>) target_semaphore(%arg4 : memref<!tpu.dma_semaphore, #tpu.memory_space<semaphore_mem>>)
    %dma_wait3A_362 = arith.constant 248 : i32
    %dma_wait3A_363 = arith.constant 0 : i32
    %dma_wait3A_364 = arith.constant 0 : i32
    %dma_wait3A_365 = tpu.memref_slice %arg1[%dma_wait3A_362, %dma_wait3A_363, %dma_wait3A_364] : memref<512x15x5120xf32, #tpu.memory_space<hbm>> -> memref<8x15x5120xf32, #tpu.memory_space<hbm>>
    tpu.wait_dma2 semaphore(%arg4 : memref<!tpu.dma_semaphore, #tpu.memory_space<semaphore_mem>>) src(%arg2 : memref<8x15x5120xf32, #tpu.memory_space<vmem>>) dst(%dma_wait3A_365 : memref<8x15x5120xf32, #tpu.memory_space<hbm>>)
    %dma_start3A_366 = arith.constant 320 : i32
    %dma_start3A_367 = arith.constant 0 : i32
    %dma_start3A_368 = arith.constant 0 : i32
    %dma_start3A_369 = tpu.memref_slice %arg1[%dma_start3A_366, %dma_start3A_367, %dma_start3A_368] : memref<512x15x5120xf32, #tpu.memory_space<hbm>> -> memref<8x15x5120xf32, #tpu.memory_space<hbm>>
    tpu.enqueue_dma source(%arg2 : memref<8x15x5120xf32, #tpu.memory_space<vmem>>) target(%dma_start3A_369 : memref<8x15x5120xf32, #tpu.memory_space<hbm>>) target_semaphore(%arg4 : memref<!tpu.dma_semaphore, #tpu.memory_space<semaphore_mem>>)
    %dma_wait3A_370 = arith.constant 256 : i32
    %dma_wait3A_371 = arith.constant 0 : i32
    %dma_wait3A_372 = arith.constant 0 : i32
    %dma_wait3A_373 = tpu.memref_slice %arg1[%dma_wait3A_370, %dma_wait3A_371, %dma_wait3A_372] : memref<512x15x5120xf32, #tpu.memory_space<hbm>> -> memref<8x15x5120xf32, #tpu.memory_space<hbm>>
    tpu.wait_dma2 semaphore(%arg4 : memref<!tpu.dma_semaphore, #tpu.memory_space<semaphore_mem>>) src(%arg2 : memref<8x15x5120xf32, #tpu.memory_space<vmem>>) dst(%dma_wait3A_373 : memref<8x15x5120xf32, #tpu.memory_space<hbm>>)
    %dma_start3A_374 = arith.constant 328 : i32
    %dma_start3A_375 = arith.constant 0 : i32
    %dma_start3A_376 = arith.constant 0 : i32
    %dma_start3A_377 = tpu.memref_slice %arg1[%dma_start3A_374, %dma_start3A_375, %dma_start3A_376] : memref<512x15x5120xf32, #tpu.memory_space<hbm>> -> memref<8x15x5120xf32, #tpu.memory_space<hbm>>
    tpu.enqueue_dma source(%arg2 : memref<8x15x5120xf32, #tpu.memory_space<vmem>>) target(%dma_start3A_377 : memref<8x15x5120xf32, #tpu.memory_space<hbm>>) target_semaphore(%arg4 : memref<!tpu.dma_semaphore, #tpu.memory_space<semaphore_mem>>)
    %dma_wait3A_378 = arith.constant 264 : i32
    %dma_wait3A_379 = arith.constant 0 : i32
    %dma_wait3A_380 = arith.constant 0 : i32
    %dma_wait3A_381 = tpu.memref_slice %arg1[%dma_wait3A_378, %dma_wait3A_379, %dma_wait3A_380] : memref<512x15x5120xf32, #tpu.memory_space<hbm>> -> memref<8x15x5120xf32, #tpu.memory_space<hbm>>
    tpu.wait_dma2 semaphore(%arg4 : memref<!tpu.dma_semaphore, #tpu.memory_space<semaphore_mem>>) src(%arg2 : memref<8x15x5120xf32, #tpu.memory_space<vmem>>) dst(%dma_wait3A_381 : memref<8x15x5120xf32, #tpu.memory_space<hbm>>)
    %dma_start3A_382 = arith.constant 336 : i32
    %dma_start3A_383 = arith.constant 0 : i32
    %dma_start3A_384 = arith.constant 0 : i32
    %dma_start3A_385 = tpu.memref_slice %arg1[%dma_start3A_382, %dma_start3A_383, %dma_start3A_384] : memref<512x15x5120xf32, #tpu.memory_space<hbm>> -> memref<8x15x5120xf32, #tpu.memory_space<hbm>>
    tpu.enqueue_dma source(%arg2 : memref<8x15x5120xf32, #tpu.memory_space<vmem>>) target(%dma_start3A_385 : memref<8x15x5120xf32, #tpu.memory_space<hbm>>) target_semaphore(%arg4 : memref<!tpu.dma_semaphore, #tpu.memory_space<semaphore_mem>>)
    %dma_wait3A_386 = arith.constant 272 : i32
    %dma_wait3A_387 = arith.constant 0 : i32
    %dma_wait3A_388 = arith.constant 0 : i32
    %dma_wait3A_389 = tpu.memref_slice %arg1[%dma_wait3A_386, %dma_wait3A_387, %dma_wait3A_388] : memref<512x15x5120xf32, #tpu.memory_space<hbm>> -> memref<8x15x5120xf32, #tpu.memory_space<hbm>>
    tpu.wait_dma2 semaphore(%arg4 : memref<!tpu.dma_semaphore, #tpu.memory_space<semaphore_mem>>) src(%arg2 : memref<8x15x5120xf32, #tpu.memory_space<vmem>>) dst(%dma_wait3A_389 : memref<8x15x5120xf32, #tpu.memory_space<hbm>>)
    %dma_start3A_390 = arith.constant 344 : i32
    %dma_start3A_391 = arith.constant 0 : i32
    %dma_start3A_392 = arith.constant 0 : i32
    %dma_start3A_393 = tpu.memref_slice %arg1[%dma_start3A_390, %dma_start3A_391, %dma_start3A_392] : memref<512x15x5120xf32, #tpu.memory_space<hbm>> -> memref<8x15x5120xf32, #tpu.memory_space<hbm>>
    tpu.enqueue_dma source(%arg2 : memref<8x15x5120xf32, #tpu.memory_space<vmem>>) target(%dma_start3A_393 : memref<8x15x5120xf32, #tpu.memory_space<hbm>>) target_semaphore(%arg4 : memref<!tpu.dma_semaphore, #tpu.memory_space<semaphore_mem>>)
    %dma_wait3A_394 = arith.constant 280 : i32
    %dma_wait3A_395 = arith.constant 0 : i32
    %dma_wait3A_396 = arith.constant 0 : i32
    %dma_wait3A_397 = tpu.memref_slice %arg1[%dma_wait3A_394, %dma_wait3A_395, %dma_wait3A_396] : memref<512x15x5120xf32, #tpu.memory_space<hbm>> -> memref<8x15x5120xf32, #tpu.memory_space<hbm>>
    tpu.wait_dma2 semaphore(%arg4 : memref<!tpu.dma_semaphore, #tpu.memory_space<semaphore_mem>>) src(%arg2 : memref<8x15x5120xf32, #tpu.memory_space<vmem>>) dst(%dma_wait3A_397 : memref<8x15x5120xf32, #tpu.memory_space<hbm>>)
    %dma_start3A_398 = arith.constant 352 : i32
    %dma_start3A_399 = arith.constant 0 : i32
    %dma_start3A_400 = arith.constant 0 : i32
    %dma_start3A_401 = tpu.memref_slice %arg1[%dma_start3A_398, %dma_start3A_399, %dma_start3A_400] : memref<512x15x5120xf32, #tpu.memory_space<hbm>> -> memref<8x15x5120xf32, #tpu.memory_space<hbm>>
    tpu.enqueue_dma source(%arg2 : memref<8x15x5120xf32, #tpu.memory_space<vmem>>) target(%dma_start3A_401 : memref<8x15x5120xf32, #tpu.memory_space<hbm>>) target_semaphore(%arg4 : memref<!tpu.dma_semaphore, #tpu.memory_space<semaphore_mem>>)
    %dma_wait3A_402 = arith.constant 288 : i32
    %dma_wait3A_403 = arith.constant 0 : i32
    %dma_wait3A_404 = arith.constant 0 : i32
    %dma_wait3A_405 = tpu.memref_slice %arg1[%dma_wait3A_402, %dma_wait3A_403, %dma_wait3A_404] : memref<512x15x5120xf32, #tpu.memory_space<hbm>> -> memref<8x15x5120xf32, #tpu.memory_space<hbm>>
    tpu.wait_dma2 semaphore(%arg4 : memref<!tpu.dma_semaphore, #tpu.memory_space<semaphore_mem>>) src(%arg2 : memref<8x15x5120xf32, #tpu.memory_space<vmem>>) dst(%dma_wait3A_405 : memref<8x15x5120xf32, #tpu.memory_space<hbm>>)
    %dma_start3A_406 = arith.constant 360 : i32
    %dma_start3A_407 = arith.constant 0 : i32
    %dma_start3A_408 = arith.constant 0 : i32
    %dma_start3A_409 = tpu.memref_slice %arg1[%dma_start3A_406, %dma_start3A_407, %dma_start3A_408] : memref<512x15x5120xf32, #tpu.memory_space<hbm>> -> memref<8x15x5120xf32, #tpu.memory_space<hbm>>
    tpu.enqueue_dma source(%arg2 : memref<8x15x5120xf32, #tpu.memory_space<vmem>>) target(%dma_start3A_409 : memref<8x15x5120xf32, #tpu.memory_space<hbm>>) target_semaphore(%arg4 : memref<!tpu.dma_semaphore, #tpu.memory_space<semaphore_mem>>)
    %dma_wait3A_410 = arith.constant 296 : i32
    %dma_wait3A_411 = arith.constant 0 : i32
    %dma_wait3A_412 = arith.constant 0 : i32
    %dma_wait3A_413 = tpu.memref_slice %arg1[%dma_wait3A_410, %dma_wait3A_411, %dma_wait3A_412] : memref<512x15x5120xf32, #tpu.memory_space<hbm>> -> memref<8x15x5120xf32, #tpu.memory_space<hbm>>
    tpu.wait_dma2 semaphore(%arg4 : memref<!tpu.dma_semaphore, #tpu.memory_space<semaphore_mem>>) src(%arg2 : memref<8x15x5120xf32, #tpu.memory_space<vmem>>) dst(%dma_wait3A_413 : memref<8x15x5120xf32, #tpu.memory_space<hbm>>)
    %dma_start3A_414 = arith.constant 368 : i32
    %dma_start3A_415 = arith.constant 0 : i32
    %dma_start3A_416 = arith.constant 0 : i32
    %dma_start3A_417 = tpu.memref_slice %arg1[%dma_start3A_414, %dma_start3A_415, %dma_start3A_416] : memref<512x15x5120xf32, #tpu.memory_space<hbm>> -> memref<8x15x5120xf32, #tpu.memory_space<hbm>>
    tpu.enqueue_dma source(%arg2 : memref<8x15x5120xf32, #tpu.memory_space<vmem>>) target(%dma_start3A_417 : memref<8x15x5120xf32, #tpu.memory_space<hbm>>) target_semaphore(%arg4 : memref<!tpu.dma_semaphore, #tpu.memory_space<semaphore_mem>>)
    %dma_wait3A_418 = arith.constant 304 : i32
    %dma_wait3A_419 = arith.constant 0 : i32
    %dma_wait3A_420 = arith.constant 0 : i32
    %dma_wait3A_421 = tpu.memref_slice %arg1[%dma_wait3A_418, %dma_wait3A_419, %dma_wait3A_420] : memref<512x15x5120xf32, #tpu.memory_space<hbm>> -> memref<8x15x5120xf32, #tpu.memory_space<hbm>>
    tpu.wait_dma2 semaphore(%arg4 : memref<!tpu.dma_semaphore, #tpu.memory_space<semaphore_mem>>) src(%arg2 : memref<8x15x5120xf32, #tpu.memory_space<vmem>>) dst(%dma_wait3A_421 : memref<8x15x5120xf32, #tpu.memory_space<hbm>>)
    %dma_start3A_422 = arith.constant 376 : i32
    %dma_start3A_423 = arith.constant 0 : i32
    %dma_start3A_424 = arith.constant 0 : i32
    %dma_start3A_425 = tpu.memref_slice %arg1[%dma_start3A_422, %dma_start3A_423, %dma_start3A_424] : memref<512x15x5120xf32, #tpu.memory_space<hbm>> -> memref<8x15x5120xf32, #tpu.memory_space<hbm>>
    tpu.enqueue_dma source(%arg2 : memref<8x15x5120xf32, #tpu.memory_space<vmem>>) target(%dma_start3A_425 : memref<8x15x5120xf32, #tpu.memory_space<hbm>>) target_semaphore(%arg4 : memref<!tpu.dma_semaphore, #tpu.memory_space<semaphore_mem>>)
    %dma_wait3A_426 = arith.constant 312 : i32
    %dma_wait3A_427 = arith.constant 0 : i32
    %dma_wait3A_428 = arith.constant 0 : i32
    %dma_wait3A_429 = tpu.memref_slice %arg1[%dma_wait3A_426, %dma_wait3A_427, %dma_wait3A_428] : memref<512x15x5120xf32, #tpu.memory_space<hbm>> -> memref<8x15x5120xf32, #tpu.memory_space<hbm>>
    tpu.wait_dma2 semaphore(%arg4 : memref<!tpu.dma_semaphore, #tpu.memory_space<semaphore_mem>>) src(%arg2 : memref<8x15x5120xf32, #tpu.memory_space<vmem>>) dst(%dma_wait3A_429 : memref<8x15x5120xf32, #tpu.memory_space<hbm>>)
    %dma_start3A_430 = arith.constant 384 : i32
    %dma_start3A_431 = arith.constant 0 : i32
    %dma_start3A_432 = arith.constant 0 : i32
    %dma_start3A_433 = tpu.memref_slice %arg1[%dma_start3A_430, %dma_start3A_431, %dma_start3A_432] : memref<512x15x5120xf32, #tpu.memory_space<hbm>> -> memref<8x15x5120xf32, #tpu.memory_space<hbm>>
    tpu.enqueue_dma source(%arg2 : memref<8x15x5120xf32, #tpu.memory_space<vmem>>) target(%dma_start3A_433 : memref<8x15x5120xf32, #tpu.memory_space<hbm>>) target_semaphore(%arg4 : memref<!tpu.dma_semaphore, #tpu.memory_space<semaphore_mem>>)
    %dma_wait3A_434 = arith.constant 320 : i32
    %dma_wait3A_435 = arith.constant 0 : i32
    %dma_wait3A_436 = arith.constant 0 : i32
    %dma_wait3A_437 = tpu.memref_slice %arg1[%dma_wait3A_434, %dma_wait3A_435, %dma_wait3A_436] : memref<512x15x5120xf32, #tpu.memory_space<hbm>> -> memref<8x15x5120xf32, #tpu.memory_space<hbm>>
    tpu.wait_dma2 semaphore(%arg4 : memref<!tpu.dma_semaphore, #tpu.memory_space<semaphore_mem>>) src(%arg2 : memref<8x15x5120xf32, #tpu.memory_space<vmem>>) dst(%dma_wait3A_437 : memref<8x15x5120xf32, #tpu.memory_space<hbm>>)
    %dma_start3A_438 = arith.constant 392 : i32
    %dma_start3A_439 = arith.constant 0 : i32
    %dma_start3A_440 = arith.constant 0 : i32
    %dma_start3A_441 = tpu.memref_slice %arg1[%dma_start3A_438, %dma_start3A_439, %dma_start3A_440] : memref<512x15x5120xf32, #tpu.memory_space<hbm>> -> memref<8x15x5120xf32, #tpu.memory_space<hbm>>
    tpu.enqueue_dma source(%arg2 : memref<8x15x5120xf32, #tpu.memory_space<vmem>>) target(%dma_start3A_441 : memref<8x15x5120xf32, #tpu.memory_space<hbm>>) target_semaphore(%arg4 : memref<!tpu.dma_semaphore, #tpu.memory_space<semaphore_mem>>)
    %dma_wait3A_442 = arith.constant 328 : i32
    %dma_wait3A_443 = arith.constant 0 : i32
    %dma_wait3A_444 = arith.constant 0 : i32
    %dma_wait3A_445 = tpu.memref_slice %arg1[%dma_wait3A_442, %dma_wait3A_443, %dma_wait3A_444] : memref<512x15x5120xf32, #tpu.memory_space<hbm>> -> memref<8x15x5120xf32, #tpu.memory_space<hbm>>
    tpu.wait_dma2 semaphore(%arg4 : memref<!tpu.dma_semaphore, #tpu.memory_space<semaphore_mem>>) src(%arg2 : memref<8x15x5120xf32, #tpu.memory_space<vmem>>) dst(%dma_wait3A_445 : memref<8x15x5120xf32, #tpu.memory_space<hbm>>)
    %dma_start3A_446 = arith.constant 400 : i32
    %dma_start3A_447 = arith.constant 0 : i32
    %dma_start3A_448 = arith.constant 0 : i32
    %dma_start3A_449 = tpu.memref_slice %arg1[%dma_start3A_446, %dma_start3A_447, %dma_start3A_448] : memref<512x15x5120xf32, #tpu.memory_space<hbm>> -> memref<8x15x5120xf32, #tpu.memory_space<hbm>>
    tpu.enqueue_dma source(%arg2 : memref<8x15x5120xf32, #tpu.memory_space<vmem>>) target(%dma_start3A_449 : memref<8x15x5120xf32, #tpu.memory_space<hbm>>) target_semaphore(%arg4 : memref<!tpu.dma_semaphore, #tpu.memory_space<semaphore_mem>>)
    %dma_wait3A_450 = arith.constant 336 : i32
    %dma_wait3A_451 = arith.constant 0 : i32
    %dma_wait3A_452 = arith.constant 0 : i32
    %dma_wait3A_453 = tpu.memref_slice %arg1[%dma_wait3A_450, %dma_wait3A_451, %dma_wait3A_452] : memref<512x15x5120xf32, #tpu.memory_space<hbm>> -> memref<8x15x5120xf32, #tpu.memory_space<hbm>>
    tpu.wait_dma2 semaphore(%arg4 : memref<!tpu.dma_semaphore, #tpu.memory_space<semaphore_mem>>) src(%arg2 : memref<8x15x5120xf32, #tpu.memory_space<vmem>>) dst(%dma_wait3A_453 : memref<8x15x5120xf32, #tpu.memory_space<hbm>>)
    %dma_start3A_454 = arith.constant 408 : i32
    %dma_start3A_455 = arith.constant 0 : i32
    %dma_start3A_456 = arith.constant 0 : i32
    %dma_start3A_457 = tpu.memref_slice %arg1[%dma_start3A_454, %dma_start3A_455, %dma_start3A_456] : memref<512x15x5120xf32, #tpu.memory_space<hbm>> -> memref<8x15x5120xf32, #tpu.memory_space<hbm>>
    tpu.enqueue_dma source(%arg2 : memref<8x15x5120xf32, #tpu.memory_space<vmem>>) target(%dma_start3A_457 : memref<8x15x5120xf32, #tpu.memory_space<hbm>>) target_semaphore(%arg4 : memref<!tpu.dma_semaphore, #tpu.memory_space<semaphore_mem>>)
    %dma_wait3A_458 = arith.constant 344 : i32
    %dma_wait3A_459 = arith.constant 0 : i32
    %dma_wait3A_460 = arith.constant 0 : i32
    %dma_wait3A_461 = tpu.memref_slice %arg1[%dma_wait3A_458, %dma_wait3A_459, %dma_wait3A_460] : memref<512x15x5120xf32, #tpu.memory_space<hbm>> -> memref<8x15x5120xf32, #tpu.memory_space<hbm>>
    tpu.wait_dma2 semaphore(%arg4 : memref<!tpu.dma_semaphore, #tpu.memory_space<semaphore_mem>>) src(%arg2 : memref<8x15x5120xf32, #tpu.memory_space<vmem>>) dst(%dma_wait3A_461 : memref<8x15x5120xf32, #tpu.memory_space<hbm>>)
    %dma_start3A_462 = arith.constant 416 : i32
    %dma_start3A_463 = arith.constant 0 : i32
    %dma_start3A_464 = arith.constant 0 : i32
    %dma_start3A_465 = tpu.memref_slice %arg1[%dma_start3A_462, %dma_start3A_463, %dma_start3A_464] : memref<512x15x5120xf32, #tpu.memory_space<hbm>> -> memref<8x15x5120xf32, #tpu.memory_space<hbm>>
    tpu.enqueue_dma source(%arg2 : memref<8x15x5120xf32, #tpu.memory_space<vmem>>) target(%dma_start3A_465 : memref<8x15x5120xf32, #tpu.memory_space<hbm>>) target_semaphore(%arg4 : memref<!tpu.dma_semaphore, #tpu.memory_space<semaphore_mem>>)
    %dma_wait3A_466 = arith.constant 352 : i32
    %dma_wait3A_467 = arith.constant 0 : i32
    %dma_wait3A_468 = arith.constant 0 : i32
    %dma_wait3A_469 = tpu.memref_slice %arg1[%dma_wait3A_466, %dma_wait3A_467, %dma_wait3A_468] : memref<512x15x5120xf32, #tpu.memory_space<hbm>> -> memref<8x15x5120xf32, #tpu.memory_space<hbm>>
    tpu.wait_dma2 semaphore(%arg4 : memref<!tpu.dma_semaphore, #tpu.memory_space<semaphore_mem>>) src(%arg2 : memref<8x15x5120xf32, #tpu.memory_space<vmem>>) dst(%dma_wait3A_469 : memref<8x15x5120xf32, #tpu.memory_space<hbm>>)
    %dma_start3A_470 = arith.constant 424 : i32
    %dma_start3A_471 = arith.constant 0 : i32
    %dma_start3A_472 = arith.constant 0 : i32
    %dma_start3A_473 = tpu.memref_slice %arg1[%dma_start3A_470, %dma_start3A_471, %dma_start3A_472] : memref<512x15x5120xf32, #tpu.memory_space<hbm>> -> memref<8x15x5120xf32, #tpu.memory_space<hbm>>
    tpu.enqueue_dma source(%arg2 : memref<8x15x5120xf32, #tpu.memory_space<vmem>>) target(%dma_start3A_473 : memref<8x15x5120xf32, #tpu.memory_space<hbm>>) target_semaphore(%arg4 : memref<!tpu.dma_semaphore, #tpu.memory_space<semaphore_mem>>)
    %dma_wait3A_474 = arith.constant 360 : i32
    %dma_wait3A_475 = arith.constant 0 : i32
    %dma_wait3A_476 = arith.constant 0 : i32
    %dma_wait3A_477 = tpu.memref_slice %arg1[%dma_wait3A_474, %dma_wait3A_475, %dma_wait3A_476] : memref<512x15x5120xf32, #tpu.memory_space<hbm>> -> memref<8x15x5120xf32, #tpu.memory_space<hbm>>
    tpu.wait_dma2 semaphore(%arg4 : memref<!tpu.dma_semaphore, #tpu.memory_space<semaphore_mem>>) src(%arg2 : memref<8x15x5120xf32, #tpu.memory_space<vmem>>) dst(%dma_wait3A_477 : memref<8x15x5120xf32, #tpu.memory_space<hbm>>)
    %dma_start3A_478 = arith.constant 432 : i32
    %dma_start3A_479 = arith.constant 0 : i32
    %dma_start3A_480 = arith.constant 0 : i32
    %dma_start3A_481 = tpu.memref_slice %arg1[%dma_start3A_478, %dma_start3A_479, %dma_start3A_480] : memref<512x15x5120xf32, #tpu.memory_space<hbm>> -> memref<8x15x5120xf32, #tpu.memory_space<hbm>>
    tpu.enqueue_dma source(%arg2 : memref<8x15x5120xf32, #tpu.memory_space<vmem>>) target(%dma_start3A_481 : memref<8x15x5120xf32, #tpu.memory_space<hbm>>) target_semaphore(%arg4 : memref<!tpu.dma_semaphore, #tpu.memory_space<semaphore_mem>>)
    %dma_wait3A_482 = arith.constant 368 : i32
    %dma_wait3A_483 = arith.constant 0 : i32
    %dma_wait3A_484 = arith.constant 0 : i32
    %dma_wait3A_485 = tpu.memref_slice %arg1[%dma_wait3A_482, %dma_wait3A_483, %dma_wait3A_484] : memref<512x15x5120xf32, #tpu.memory_space<hbm>> -> memref<8x15x5120xf32, #tpu.memory_space<hbm>>
    tpu.wait_dma2 semaphore(%arg4 : memref<!tpu.dma_semaphore, #tpu.memory_space<semaphore_mem>>) src(%arg2 : memref<8x15x5120xf32, #tpu.memory_space<vmem>>) dst(%dma_wait3A_485 : memref<8x15x5120xf32, #tpu.memory_space<hbm>>)
    %dma_start3A_486 = arith.constant 440 : i32
    %dma_start3A_487 = arith.constant 0 : i32
    %dma_start3A_488 = arith.constant 0 : i32
    %dma_start3A_489 = tpu.memref_slice %arg1[%dma_start3A_486, %dma_start3A_487, %dma_start3A_488] : memref<512x15x5120xf32, #tpu.memory_space<hbm>> -> memref<8x15x5120xf32, #tpu.memory_space<hbm>>
    tpu.enqueue_dma source(%arg2 : memref<8x15x5120xf32, #tpu.memory_space<vmem>>) target(%dma_start3A_489 : memref<8x15x5120xf32, #tpu.memory_space<hbm>>) target_semaphore(%arg4 : memref<!tpu.dma_semaphore, #tpu.memory_space<semaphore_mem>>)
    %dma_wait3A_490 = arith.constant 376 : i32
    %dma_wait3A_491 = arith.constant 0 : i32
    %dma_wait3A_492 = arith.constant 0 : i32
    %dma_wait3A_493 = tpu.memref_slice %arg1[%dma_wait3A_490, %dma_wait3A_491, %dma_wait3A_492] : memref<512x15x5120xf32, #tpu.memory_space<hbm>> -> memref<8x15x5120xf32, #tpu.memory_space<hbm>>
    tpu.wait_dma2 semaphore(%arg4 : memref<!tpu.dma_semaphore, #tpu.memory_space<semaphore_mem>>) src(%arg2 : memref<8x15x5120xf32, #tpu.memory_space<vmem>>) dst(%dma_wait3A_493 : memref<8x15x5120xf32, #tpu.memory_space<hbm>>)
    %dma_start3A_494 = arith.constant 448 : i32
    %dma_start3A_495 = arith.constant 0 : i32
    %dma_start3A_496 = arith.constant 0 : i32
    %dma_start3A_497 = tpu.memref_slice %arg1[%dma_start3A_494, %dma_start3A_495, %dma_start3A_496] : memref<512x15x5120xf32, #tpu.memory_space<hbm>> -> memref<8x15x5120xf32, #tpu.memory_space<hbm>>
    tpu.enqueue_dma source(%arg2 : memref<8x15x5120xf32, #tpu.memory_space<vmem>>) target(%dma_start3A_497 : memref<8x15x5120xf32, #tpu.memory_space<hbm>>) target_semaphore(%arg4 : memref<!tpu.dma_semaphore, #tpu.memory_space<semaphore_mem>>)
    %dma_wait3A_498 = arith.constant 384 : i32
    %dma_wait3A_499 = arith.constant 0 : i32
    %dma_wait3A_500 = arith.constant 0 : i32
    %dma_wait3A_501 = tpu.memref_slice %arg1[%dma_wait3A_498, %dma_wait3A_499, %dma_wait3A_500] : memref<512x15x5120xf32, #tpu.memory_space<hbm>> -> memref<8x15x5120xf32, #tpu.memory_space<hbm>>
    tpu.wait_dma2 semaphore(%arg4 : memref<!tpu.dma_semaphore, #tpu.memory_space<semaphore_mem>>) src(%arg2 : memref<8x15x5120xf32, #tpu.memory_space<vmem>>) dst(%dma_wait3A_501 : memref<8x15x5120xf32, #tpu.memory_space<hbm>>)
    %dma_start3A_502 = arith.constant 456 : i32
    %dma_start3A_503 = arith.constant 0 : i32
    %dma_start3A_504 = arith.constant 0 : i32
    %dma_start3A_505 = tpu.memref_slice %arg1[%dma_start3A_502, %dma_start3A_503, %dma_start3A_504] : memref<512x15x5120xf32, #tpu.memory_space<hbm>> -> memref<8x15x5120xf32, #tpu.memory_space<hbm>>
    tpu.enqueue_dma source(%arg2 : memref<8x15x5120xf32, #tpu.memory_space<vmem>>) target(%dma_start3A_505 : memref<8x15x5120xf32, #tpu.memory_space<hbm>>) target_semaphore(%arg4 : memref<!tpu.dma_semaphore, #tpu.memory_space<semaphore_mem>>)
    %dma_wait3A_506 = arith.constant 392 : i32
    %dma_wait3A_507 = arith.constant 0 : i32
    %dma_wait3A_508 = arith.constant 0 : i32
    %dma_wait3A_509 = tpu.memref_slice %arg1[%dma_wait3A_506, %dma_wait3A_507, %dma_wait3A_508] : memref<512x15x5120xf32, #tpu.memory_space<hbm>> -> memref<8x15x5120xf32, #tpu.memory_space<hbm>>
    tpu.wait_dma2 semaphore(%arg4 : memref<!tpu.dma_semaphore, #tpu.memory_space<semaphore_mem>>) src(%arg2 : memref<8x15x5120xf32, #tpu.memory_space<vmem>>) dst(%dma_wait3A_509 : memref<8x15x5120xf32, #tpu.memory_space<hbm>>)
    %dma_start3A_510 = arith.constant 464 : i32
    %dma_start3A_511 = arith.constant 0 : i32
    %dma_start3A_512 = arith.constant 0 : i32
    %dma_start3A_513 = tpu.memref_slice %arg1[%dma_start3A_510, %dma_start3A_511, %dma_start3A_512] : memref<512x15x5120xf32, #tpu.memory_space<hbm>> -> memref<8x15x5120xf32, #tpu.memory_space<hbm>>
    tpu.enqueue_dma source(%arg2 : memref<8x15x5120xf32, #tpu.memory_space<vmem>>) target(%dma_start3A_513 : memref<8x15x5120xf32, #tpu.memory_space<hbm>>) target_semaphore(%arg4 : memref<!tpu.dma_semaphore, #tpu.memory_space<semaphore_mem>>)
    %dma_wait3A_514 = arith.constant 400 : i32
    %dma_wait3A_515 = arith.constant 0 : i32
    %dma_wait3A_516 = arith.constant 0 : i32
    %dma_wait3A_517 = tpu.memref_slice %arg1[%dma_wait3A_514, %dma_wait3A_515, %dma_wait3A_516] : memref<512x15x5120xf32, #tpu.memory_space<hbm>> -> memref<8x15x5120xf32, #tpu.memory_space<hbm>>
    tpu.wait_dma2 semaphore(%arg4 : memref<!tpu.dma_semaphore, #tpu.memory_space<semaphore_mem>>) src(%arg2 : memref<8x15x5120xf32, #tpu.memory_space<vmem>>) dst(%dma_wait3A_517 : memref<8x15x5120xf32, #tpu.memory_space<hbm>>)
    %dma_start3A_518 = arith.constant 472 : i32
    %dma_start3A_519 = arith.constant 0 : i32
    %dma_start3A_520 = arith.constant 0 : i32
    %dma_start3A_521 = tpu.memref_slice %arg1[%dma_start3A_518, %dma_start3A_519, %dma_start3A_520] : memref<512x15x5120xf32, #tpu.memory_space<hbm>> -> memref<8x15x5120xf32, #tpu.memory_space<hbm>>
    tpu.enqueue_dma source(%arg2 : memref<8x15x5120xf32, #tpu.memory_space<vmem>>) target(%dma_start3A_521 : memref<8x15x5120xf32, #tpu.memory_space<hbm>>) target_semaphore(%arg4 : memref<!tpu.dma_semaphore, #tpu.memory_space<semaphore_mem>>)
    %dma_wait3A_522 = arith.constant 408 : i32
    %dma_wait3A_523 = arith.constant 0 : i32
    %dma_wait3A_524 = arith.constant 0 : i32
    %dma_wait3A_525 = tpu.memref_slice %arg1[%dma_wait3A_522, %dma_wait3A_523, %dma_wait3A_524] : memref<512x15x5120xf32, #tpu.memory_space<hbm>> -> memref<8x15x5120xf32, #tpu.memory_space<hbm>>
    tpu.wait_dma2 semaphore(%arg4 : memref<!tpu.dma_semaphore, #tpu.memory_space<semaphore_mem>>) src(%arg2 : memref<8x15x5120xf32, #tpu.memory_space<vmem>>) dst(%dma_wait3A_525 : memref<8x15x5120xf32, #tpu.memory_space<hbm>>)
    %dma_start3A_526 = arith.constant 480 : i32
    %dma_start3A_527 = arith.constant 0 : i32
    %dma_start3A_528 = arith.constant 0 : i32
    %dma_start3A_529 = tpu.memref_slice %arg1[%dma_start3A_526, %dma_start3A_527, %dma_start3A_528] : memref<512x15x5120xf32, #tpu.memory_space<hbm>> -> memref<8x15x5120xf32, #tpu.memory_space<hbm>>
    tpu.enqueue_dma source(%arg2 : memref<8x15x5120xf32, #tpu.memory_space<vmem>>) target(%dma_start3A_529 : memref<8x15x5120xf32, #tpu.memory_space<hbm>>) target_semaphore(%arg4 : memref<!tpu.dma_semaphore, #tpu.memory_space<semaphore_mem>>)
    %dma_wait3A_530 = arith.constant 416 : i32
    %dma_wait3A_531 = arith.constant 0 : i32
    %dma_wait3A_532 = arith.constant 0 : i32
    %dma_wait3A_533 = tpu.memref_slice %arg1[%dma_wait3A_530, %dma_wait3A_531, %dma_wait3A_532] : memref<512x15x5120xf32, #tpu.memory_space<hbm>> -> memref<8x15x5120xf32, #tpu.memory_space<hbm>>
    tpu.wait_dma2 semaphore(%arg4 : memref<!tpu.dma_semaphore, #tpu.memory_space<semaphore_mem>>) src(%arg2 : memref<8x15x5120xf32, #tpu.memory_space<vmem>>) dst(%dma_wait3A_533 : memref<8x15x5120xf32, #tpu.memory_space<hbm>>)
    %dma_start3A_534 = arith.constant 488 : i32
    %dma_start3A_535 = arith.constant 0 : i32
    %dma_start3A_536 = arith.constant 0 : i32
    %dma_start3A_537 = tpu.memref_slice %arg1[%dma_start3A_534, %dma_start3A_535, %dma_start3A_536] : memref<512x15x5120xf32, #tpu.memory_space<hbm>> -> memref<8x15x5120xf32, #tpu.memory_space<hbm>>
    tpu.enqueue_dma source(%arg2 : memref<8x15x5120xf32, #tpu.memory_space<vmem>>) target(%dma_start3A_537 : memref<8x15x5120xf32, #tpu.memory_space<hbm>>) target_semaphore(%arg4 : memref<!tpu.dma_semaphore, #tpu.memory_space<semaphore_mem>>)
    %dma_wait3A_538 = arith.constant 424 : i32
    %dma_wait3A_539 = arith.constant 0 : i32
    %dma_wait3A_540 = arith.constant 0 : i32
    %dma_wait3A_541 = tpu.memref_slice %arg1[%dma_wait3A_538, %dma_wait3A_539, %dma_wait3A_540] : memref<512x15x5120xf32, #tpu.memory_space<hbm>> -> memref<8x15x5120xf32, #tpu.memory_space<hbm>>
    tpu.wait_dma2 semaphore(%arg4 : memref<!tpu.dma_semaphore, #tpu.memory_space<semaphore_mem>>) src(%arg2 : memref<8x15x5120xf32, #tpu.memory_space<vmem>>) dst(%dma_wait3A_541 : memref<8x15x5120xf32, #tpu.memory_space<hbm>>)
    %dma_start3A_542 = arith.constant 496 : i32
    %dma_start3A_543 = arith.constant 0 : i32
    %dma_start3A_544 = arith.constant 0 : i32
    %dma_start3A_545 = tpu.memref_slice %arg1[%dma_start3A_542, %dma_start3A_543, %dma_start3A_544] : memref<512x15x5120xf32, #tpu.memory_space<hbm>> -> memref<8x15x5120xf32, #tpu.memory_space<hbm>>
    tpu.enqueue_dma source(%arg2 : memref<8x15x5120xf32, #tpu.memory_space<vmem>>) target(%dma_start3A_545 : memref<8x15x5120xf32, #tpu.memory_space<hbm>>) target_semaphore(%arg4 : memref<!tpu.dma_semaphore, #tpu.memory_space<semaphore_mem>>)
    %dma_wait3A_546 = arith.constant 432 : i32
    %dma_wait3A_547 = arith.constant 0 : i32
    %dma_wait3A_548 = arith.constant 0 : i32
    %dma_wait3A_549 = tpu.memref_slice %arg1[%dma_wait3A_546, %dma_wait3A_547, %dma_wait3A_548] : memref<512x15x5120xf32, #tpu.memory_space<hbm>> -> memref<8x15x5120xf32, #tpu.memory_space<hbm>>
    tpu.wait_dma2 semaphore(%arg4 : memref<!tpu.dma_semaphore, #tpu.memory_space<semaphore_mem>>) src(%arg2 : memref<8x15x5120xf32, #tpu.memory_space<vmem>>) dst(%dma_wait3A_549 : memref<8x15x5120xf32, #tpu.memory_space<hbm>>)
    %dma_start3A_550 = arith.constant 504 : i32
    %dma_start3A_551 = arith.constant 0 : i32
    %dma_start3A_552 = arith.constant 0 : i32
    %dma_start3A_553 = tpu.memref_slice %arg1[%dma_start3A_550, %dma_start3A_551, %dma_start3A_552] : memref<512x15x5120xf32, #tpu.memory_space<hbm>> -> memref<8x15x5120xf32, #tpu.memory_space<hbm>>
    tpu.enqueue_dma source(%arg2 : memref<8x15x5120xf32, #tpu.memory_space<vmem>>) target(%dma_start3A_553 : memref<8x15x5120xf32, #tpu.memory_space<hbm>>) target_semaphore(%arg4 : memref<!tpu.dma_semaphore, #tpu.memory_space<semaphore_mem>>)
    %dma_wait3A_554 = arith.constant 440 : i32
    %dma_wait3A_555 = arith.constant 0 : i32
    %dma_wait3A_556 = arith.constant 0 : i32
    %dma_wait3A_557 = tpu.memref_slice %arg1[%dma_wait3A_554, %dma_wait3A_555, %dma_wait3A_556] : memref<512x15x5120xf32, #tpu.memory_space<hbm>> -> memref<8x15x5120xf32, #tpu.memory_space<hbm>>
    tpu.wait_dma2 semaphore(%arg4 : memref<!tpu.dma_semaphore, #tpu.memory_space<semaphore_mem>>) src(%arg2 : memref<8x15x5120xf32, #tpu.memory_space<vmem>>) dst(%dma_wait3A_557 : memref<8x15x5120xf32, #tpu.memory_space<hbm>>)
    %dma_wait3A_558 = arith.constant 448 : i32
    %dma_wait3A_559 = arith.constant 0 : i32
    %dma_wait3A_560 = arith.constant 0 : i32
    %dma_wait3A_561 = tpu.memref_slice %arg1[%dma_wait3A_558, %dma_wait3A_559, %dma_wait3A_560] : memref<512x15x5120xf32, #tpu.memory_space<hbm>> -> memref<8x15x5120xf32, #tpu.memory_space<hbm>>
    tpu.wait_dma2 semaphore(%arg4 : memref<!tpu.dma_semaphore, #tpu.memory_space<semaphore_mem>>) src(%arg2 : memref<8x15x5120xf32, #tpu.memory_space<vmem>>) dst(%dma_wait3A_561 : memref<8x15x5120xf32, #tpu.memory_space<hbm>>)
    %dma_wait3A_562 = arith.constant 456 : i32
    %dma_wait3A_563 = arith.constant 0 : i32
    %dma_wait3A_564 = arith.constant 0 : i32
    %dma_wait3A_565 = tpu.memref_slice %arg1[%dma_wait3A_562, %dma_wait3A_563, %dma_wait3A_564] : memref<512x15x5120xf32, #tpu.memory_space<hbm>> -> memref<8x15x5120xf32, #tpu.memory_space<hbm>>
    tpu.wait_dma2 semaphore(%arg4 : memref<!tpu.dma_semaphore, #tpu.memory_space<semaphore_mem>>) src(%arg2 : memref<8x15x5120xf32, #tpu.memory_space<vmem>>) dst(%dma_wait3A_565 : memref<8x15x5120xf32, #tpu.memory_space<hbm>>)
    %dma_wait3A_566 = arith.constant 464 : i32
    %dma_wait3A_567 = arith.constant 0 : i32
    %dma_wait3A_568 = arith.constant 0 : i32
    %dma_wait3A_569 = tpu.memref_slice %arg1[%dma_wait3A_566, %dma_wait3A_567, %dma_wait3A_568] : memref<512x15x5120xf32, #tpu.memory_space<hbm>> -> memref<8x15x5120xf32, #tpu.memory_space<hbm>>
    tpu.wait_dma2 semaphore(%arg4 : memref<!tpu.dma_semaphore, #tpu.memory_space<semaphore_mem>>) src(%arg2 : memref<8x15x5120xf32, #tpu.memory_space<vmem>>) dst(%dma_wait3A_569 : memref<8x15x5120xf32, #tpu.memory_space<hbm>>)
    %dma_wait3A_570 = arith.constant 472 : i32
    %dma_wait3A_571 = arith.constant 0 : i32
    %dma_wait3A_572 = arith.constant 0 : i32
    %dma_wait3A_573 = tpu.memref_slice %arg1[%dma_wait3A_570, %dma_wait3A_571, %dma_wait3A_572] : memref<512x15x5120xf32, #tpu.memory_space<hbm>> -> memref<8x15x5120xf32, #tpu.memory_space<hbm>>
    tpu.wait_dma2 semaphore(%arg4 : memref<!tpu.dma_semaphore, #tpu.memory_space<semaphore_mem>>) src(%arg2 : memref<8x15x5120xf32, #tpu.memory_space<vmem>>) dst(%dma_wait3A_573 : memref<8x15x5120xf32, #tpu.memory_space<hbm>>)
    %dma_wait3A_574 = arith.constant 480 : i32
    %dma_wait3A_575 = arith.constant 0 : i32
    %dma_wait3A_576 = arith.constant 0 : i32
    %dma_wait3A_577 = tpu.memref_slice %arg1[%dma_wait3A_574, %dma_wait3A_575, %dma_wait3A_576] : memref<512x15x5120xf32, #tpu.memory_space<hbm>> -> memref<8x15x5120xf32, #tpu.memory_space<hbm>>
    tpu.wait_dma2 semaphore(%arg4 : memref<!tpu.dma_semaphore, #tpu.memory_space<semaphore_mem>>) src(%arg2 : memref<8x15x5120xf32, #tpu.memory_space<vmem>>) dst(%dma_wait3A_577 : memref<8x15x5120xf32, #tpu.memory_space<hbm>>)
    %dma_wait3A_578 = arith.constant 488 : i32
    %dma_wait3A_579 = arith.constant 0 : i32
    %dma_wait3A_580 = arith.constant 0 : i32
    %dma_wait3A_581 = tpu.memref_slice %arg1[%dma_wait3A_578, %dma_wait3A_579, %dma_wait3A_580] : memref<512x15x5120xf32, #tpu.memory_space<hbm>> -> memref<8x15x5120xf32, #tpu.memory_space<hbm>>
    tpu.wait_dma2 semaphore(%arg4 : memref<!tpu.dma_semaphore, #tpu.memory_space<semaphore_mem>>) src(%arg2 : memref<8x15x5120xf32, #tpu.memory_space<vmem>>) dst(%dma_wait3A_581 : memref<8x15x5120xf32, #tpu.memory_space<hbm>>)
    %dma_wait3A_582 = arith.constant 496 : i32
    %dma_wait3A_583 = arith.constant 0 : i32
    %dma_wait3A_584 = arith.constant 0 : i32
    %dma_wait3A_585 = tpu.memref_slice %arg1[%dma_wait3A_582, %dma_wait3A_583, %dma_wait3A_584] : memref<512x15x5120xf32, #tpu.memory_space<hbm>> -> memref<8x15x5120xf32, #tpu.memory_space<hbm>>
    tpu.wait_dma2 semaphore(%arg4 : memref<!tpu.dma_semaphore, #tpu.memory_space<semaphore_mem>>) src(%arg2 : memref<8x15x5120xf32, #tpu.memory_space<vmem>>) dst(%dma_wait3A_585 : memref<8x15x5120xf32, #tpu.memory_space<hbm>>)
    %dma_wait3A_586 = arith.constant 504 : i32
    %dma_wait3A_587 = arith.constant 0 : i32
    %dma_wait3A_588 = arith.constant 0 : i32
    %dma_wait3A_589 = tpu.memref_slice %arg1[%dma_wait3A_586, %dma_wait3A_587, %dma_wait3A_588] : memref<512x15x5120xf32, #tpu.memory_space<hbm>> -> memref<8x15x5120xf32, #tpu.memory_space<hbm>>
    tpu.wait_dma2 semaphore(%arg4 : memref<!tpu.dma_semaphore, #tpu.memory_space<semaphore_mem>>) src(%arg2 : memref<8x15x5120xf32, #tpu.memory_space<vmem>>) dst(%dma_wait3A_589 : memref<8x15x5120xf32, #tpu.memory_space<hbm>>)
    return
  }
}

</mosaic_0001>

<sc_bundles>
// kernel: kernel.4.cloned.1.call-start
scs
__scs_entry_jumppad:
0x0: {  	(pc) =	sbr.rel $0x88, $3  }
0x1: {  	(tag) =	ssettag $0x0;
	lr =	simm.s32 $0x1  }
0x2: {  	[smem:$0x3F9F] =	sst lr;
	_ =	strace $0xD0000000  }
0x3: {  	_ = 	snop  }
0x4: {  	_ = 	snop  }
0x5: {  	_ = 	snop  }
0x6: {  	_ = 	snop  }
0x7: {  	_ = 	snop  }
__scs_overlays_trampoline_lowered:
0x8: {  	[smem:$0x3FAE] =	sst s0  }
0x9: {  	[smem:$0x3FAF] =	sst s1  }
0xa: {  	[smem:$0x3FB0] =	sst s2  }
0xb: {  	[smem:$0x3FB1] =	sst s3  }
0xc: {  	[smem:$0x3FB2] =	sst s4  }
0xd: {  	[smem:$0x3FB3] =	sst s5  }
0xe: {  	[smem:$0x3FB4] =	sst s6  }
0xf: {  	[smem:$0x3FB5] =	sst s7  }
0x10: {  	[smem:$0x3FB6] =	sst s8  }
0x11: {  	[smem:$0x3FB7] =	sst s9;
	s0 =	simm.s32 @!p0 $0x0  }
0x12: {  	s1 =	sld [smem:$0x3F9D];
	s0 =	simm.s32 @p0 $0x1  }
0x13: {  	[smem:$0x3FB8] =	sst s0;
	s0 =	simm.s32 @!p1 $0x0  }
0x14: {  	s2 =	sld [smem:$0x3F9C];
	s0 =	simm.s32 @p1 $0x1  }
0x15: {  	[smem:$0x3FB9] =	sst s0;
	s0 =	simm.s32 @!p2 $0x0  }
0x16: {  	s3 =	sld [smem:$0x3FDB];
	s0 =	simm.s32 @p2 $0x1  }
0x17: {  	s4 =	simm.s32 $0x1BF5;
	[smem:$0x3FBB] =	sst s0  }
0x18: {  	s0 =	sld [smem:$0x3F9E];
	_ =	swait.ge [sflag:s4], $0x0  }
0x19: {  	s7 =	sld [smem:$0x3F9F]  }
0x1a: {  	s8 =	sadd.s32 $0xFFFFE003, lr  }
0x1b: {  	s9 =	sadd.s32 $0xFFFFFEF7, lr;
	s5 =	simm.s32 $0xFFFFFFFF;
	p2 =	slt.u32 s8, $0xFFFFF086  }
0x1c: {  	p1 =	slt.u32 s9, $0xF7A;
	s5 =	simm.s32 @!p2 $0x0  }
0x1d: {  	s5 =	simm.s32 @p1 $0x1;
	p0 =	seq.s32 s7, s2  }
0x1e: {  	s7 =	smul.u32 @!p0 $0xF7A, s2;
	p2 =	seq.s32 @!p0 s5, $0x0  }
0x1f: {  	s9 =	smul.u32 $0xF7A, s1;
	s8 =	simm.s32 @!p0 $0x1BF5;
	p2 =	por !p2, p0  }
0x20: {  	[sflag:s8] =	ssyncset.s32 @!p0 $0xFFFFF086;
	s6 =	sadd.s32 @!p0 s3, s7;
	s7 =	simm.s32 @!p0 $0x108  }
0x21: {  	s3 =	sadd.s32 s3, s9;
	s6 =	sadd.s32 @!p0 $0x88, s6;
	s7 =	simm.s32 @p2 $0x1082  }
0x22: {  	[simem:s7], [sflag:s8] =	dma.local @!p0 [hbm:s6], $0xF7A  }
0x23: {  	s9 =	sor.u32 $0xD0000000, s2;
	s6 =	simm.s32 $0x108;
	_ =	swait.ge @!p0 [sflag:s8], $0x0  }
0x24: {  	s3 =	sadd.s32 $0x88, s3;
	s6 =	simm.s32 @!p1 $0x1082;
	[sflag:s4] =	ssyncset.s32 $0xFFFFF086  }
0x25: {  	[simem:s6], [sflag:s4] =	dma.local [hbm:s3], $0xF7A  }
0x26: {  	[smem:$0x3F9F] =	sst s1;
	(tag) =	ssettag s2;
	_ =	strace s9  }
0x27: {  	s1 =	sld [smem:$0x3FAF]  }
0x28: {  	s2 =	sld [smem:$0x3FB0]  }
0x29: {  	s4 =	sld [smem:$0x3FB2]  }
0x2a: {  	p0 =	seq.s32 s5, $0x0;
	s5 =	sld [smem:$0x3FB3]  }
0x2b: {  	s6 =	sld [smem:$0x3FB4]  }
0x2c: {  	s7 =	sld [smem:$0x3FB5]  }
0x2d: {  	s3 =	simm.s32 $0x108;
	s8 =	sld [smem:$0x3FB6]  }
0x2e: {  	s3 =	simm.s32 @!p0 $0x1082;
	s9 =	sld [smem:$0x3FB7]  }
0x2f: {  	lr =	sadd.s32 s0, s3;
	s0 =	sld [smem:$0x3FAE]  }
0x30: {  	s3 =	sld [smem:$0x3FB1]  }
0x31: {  	[smem:$0x3FBA] =	sst s10  }
0x32: {  	s10 =	sld [smem:$0x3FB8];
	_ =	sdelay $0x3  }
0x33: {  	p0 =	seq.s32 s10, $0x1;
	s10 =	sld [smem:$0x3FBA];
	_ =	sdelay $0x3  }
0x34: {  	[smem:$0x3FBA] =	sst s10  }
0x35: {  	s10 =	sld [smem:$0x3FB9];
	_ =	sdelay $0x3  }
0x36: {  	p1 =	seq.s32 s10, $0x1;
	s10 =	sld [smem:$0x3FBA];
	_ =	sdelay $0x3  }
0x37: {  	[smem:$0x3FBA] =	sst s10  }
0x38: {  	s10 =	sld [smem:$0x3FBB]  }
0x39: {  	_ = 	snop;
	(pc) =	sbr.ind lr, $3  }
0x3a: {  	_ = 	snop  }
0x3b: {  	_ = 	snop  }
0x3c: {  	p2 =	seq.s32 s10, $0x1;
	s10 =	sld [smem:$0x3FBA]  }
0x3d: {  	_ =	shalt  }
0x3e: {  	_ =	shalt  }
0x3f: {  	_ =	shalt  }
0x40: {  	_ =	shalt  }
0x41: {  	_ =	shalt  }
0x42: {  	_ =	shalt  }
0x43: {  	_ =	shalt  }
0x44: {  	_ =	shalt  }
0x45: {  	_ =	shalt  }
0x46: {  	_ =	shalt  }
0x47: {  	_ =	shalt  }
0x48: {  	_ =	shalt  }
0x49: {  	_ =	shalt  }
0x4a: {  	_ =	shalt  }
0x4b: {  	_ =	shalt  }
0x4c: {  	_ =	shalt  }
0x4d: {  	_ =	shalt  }
0x4e: {  	_ =	shalt  }
0x4f: {  	_ =	shalt  }
0x50: {  	_ =	shalt  }
0x51: {  	_ =	shalt  }
0x52: {  	_ =	shalt  }
0x53: {  	_ =	shalt  }
0x54: {  	_ =	shalt  }
0x55: {  	_ =	shalt  }
0x56: {  	_ =	shalt  }
0x57: {  	_ =	shalt  }
0x58: {  	_ =	shalt  }
0x59: {  	_ =	shalt  }
0x5a: {  	_ =	shalt  }
0x5b: {  	_ =	shalt  }
0x5c: {  	_ =	shalt  }
0x5d: {  	_ =	shalt  }
0x5e: {  	_ =	shalt  }
0x5f: {  	_ =	shalt  }
0x60: {  	_ =	shalt  }
0x61: {  	_ =	shalt  }
0x62: {  	_ =	shalt  }
0x63: {  	_ =	shalt  }
0x64: {  	_ =	shalt  }
0x65: {  	_ =	shalt  }
0x66: {  	_ =	shalt  }
0x67: {  	_ =	shalt  }
0x68: {  	_ =	shalt  }
0x69: {  	_ =	shalt  }
0x6a: {  	_ =	shalt  }
0x6b: {  	_ =	shalt  }
0x6c: {  	_ =	shalt  }
0x6d: {  	_ =	shalt  }
0x6e: {  	_ =	shalt  }
0x6f: {  	_ =	shalt  }
0x70: {  	_ =	shalt  }
0x71: {  	_ =	shalt  }
0x72: {  	_ =	shalt  }
0x73: {  	_ =	shalt  }
0x74: {  	_ =	shalt  }
0x75: {  	_ =	shalt  }
0x76: {  	_ =	shalt  }
0x77: {  	_ =	shalt  }
0x78: {  	_ =	shalt  }
0x79: {  	_ =	shalt  }
0x7a: {  	_ =	shalt  }
0x7b: {  	_ =	shalt  }
0x7c: {  	_ =	shalt  }
0x7d: {  	_ =	shalt  }
0x7e: {  	_ =	shalt  }
0x7f: {  	_ =	shalt  }
0x80: {  	_ =	shalt  }
0x81: {  	_ =	shalt  }
0x82: {  	_ =	shalt  }
0x83: {  	_ =	shalt  }
0x84: {  	_ =	shalt  }
0x85: {  	_ =	shalt  }
0x86: {  	_ =	shalt  }
0x87: {  	_ =	shalt  }
.Lfunc_end0:
.L_simem_size_0:
called_computation.1_lowered:
.L_overlay_start_0:
0x88: {  	s2 =	sld [smem:$0x3FD9]  }
0x89: {  	s3 =	sld [smem:$0x3FFE];
	_ =	sdelay $0x1  }
0x8a: {  	s1 =	srdreg.scid  }
0x8b: {  	s0 =	sand.u32 $0x1, s1  }
0x8c: {  	s18 =	sshll.u32 s0, $0xA;
	s2 =	sadd.s32 s3, s2  }
0x8d: {  	s2 =	sadd.s32 s2, s18  }
0x8e: {  	[smem:$0x3FC6] =	sst s2  }
0x8f: {  	_ = 	snop  }
0x90: {  	s2 =	sld [smem:$0x3FC9]  }
0x91: {  	s19 =	sld [smem:$0x3FC8]  }
0x92: {  	s4 =	sld [smem:$0x3FD0];
	(tm) =	ssettm $0x1  }
0x93: {  	s5 =	sld [smem:$0x3FFB];
	_ =	sdelay $0x3  }
0x94: {  	_ =	strace s5  }
0x95: {  	s5 =	sld [smem:$0x3FFC];
	_ =	sdelay $0x3  }
0x96: {  	_ =	strace s5  }
0x97: {  	s5 =	sld [smem:$0x3FFD];
	_ =	sdelay $0x3  }
0x98: {  	_ =	strace s5  }
0x99: {  	_ =	strace $0x8FFFFFFF  }
0x9a: {  	s20 =	sld [smem:$0x3FDB];
	_ =	sdelay $0x1  }
0x9b: {  	s6 =	simm.s32 $_scs_section_size  }
0x9c: {  	s7 =	simm.s32 $_size__tile_overlayer_lowered;
	s8 =	simm.s32 $_tile_overlayer_lowered  }
0x9d: {  	s23 =	simm.s32 $0x1BFF;
	s22 =	sshll.u32 s8, $0x1;
	s5 =	sadd.s32 s6, s20  }
0x9e: {  	s9 =	simm.s32 $0x0;
	s21 =	sshll.u32 s7, $0x1;
	s7 =	sadd.s32 s22, s5  }
0x9f: {  	[timem:s9], [sflag:s23] =	dma.local [hbm:s7], s21  }
0xa0: {  	_ =	swait.ge [sflag:s23], s21  }
0xa1: {  	s6 =	ssub.s32 $0x0, s21;
	[sflag:s23] =	ssyncset.done $0x0  }
0xa2: {  	[sflag:s23] =	ssyncadd.s32 s6;
	_ =	sdelay $0x1  }
0xa3: {  	s24 =	simm.s32 $0x1B8B  }
0xa4: {  	_ =	swait.ge [sflag:s24], $0x1  }
0xa5: {  	[sflag:s24] =	ssyncset.done $0x0  }
0xa6: {  	s25 =	simm.s32 $0x1B8E;
	[sflag:s24] =	ssyncadd.s32 $0xFFFFFFFF  }
0xa7: {  	s26 =	simm.s32 $execute0_lowered;
	[smem:$0x3FD2] =	sst s25  }
0xa8: {  	s6 =	sshll.u32 s26, $0x1;
	_ =	strace $0x80000046;
	[dreg:$0x1] =	wrdreg $0xFFFFFFFF  }
0xa9: {  	s28 =	simm.s32 $_size_execute0_lowered;
	s5 =	sadd.s32 s5, s6;
	[dreg:$0x0] =	wrdreg $0x0  }
0xaa: {  	s6 =	sshll.u32 s28, $0x1;
	[dreg:$0x2] =	wrdreg s5  }
0xab: {  	[dreg:$0x3] =	wrdreg s6  }
0xac: {  	[dreg:$0x4] =	wrdreg $0xC0  }
0xad: {  	_ =	task [dreg:s9], $0x5FFFF  }
0xae: {  	[dreg:$0x1] =	wrdreg $0xFFFFFFFF  }
0xaf: {  	[dreg:$0x0] =	wrdreg $0x60  }
0xb0: {  	[dreg:$0x2] =	wrdreg s19  }
0xb1: {  	[dreg:$0x3] =	wrdreg s2  }
0xb2: {  	[dreg:$0x4] =	wrdreg s4  }
0xb3: {  	[dreg:$0x5] =	wrdreg $0x9  }
0xb4: {  	_ =	task.clear_ibuf [dreg:s9], $0x6FFFF;
	_ =	strace $0x90000046  }
0xb5: {  	s29 =	simm.s32 $0x9;
	_ =	strace $0x80000048  }
0xb6: {  	_ =	swait.ge [sflag:s29], $0x1  }
0xb7: {  	[sflag:s29] =	ssyncadd.s32 $0xFFFFFFFF  }
0xb8: {  	_ =	strace $0x90000048  }
0xb9: {  	_ =	sfence  }
0xba: {  	s30 =	sld [smem:$0x0];
	_ =	sdelay $0x2  }
0xbb: {  	s31 =	sshll.u32 s1, $0xD;
	s1 =	sshrl.u32 s1, $0x2  }
0xbc: {  	s3 =	sand.u32 $0x4000, s31;
	s1 =	sadd.s32 s1, s30  }
0xbd: {  	s0 =	sor.u32 s3, s0;
	s1 =	sshll.u32 s1, $0x11  }
0xbe: {  	s0 =	sor.u32 s1, s0  }
0xbf: {  	s0 =	sadd.s32 $0x8F2B, s0  }
0xc0: {  	[sflag:s0] =	ssyncadd.remote.s32 $0x1  }
0xc1: {  	_ =	sfence.sel $0xFFFF  }
0xc2: {  	[dreg:$0x0] =	wrdreg $0xFFFFFFFF;
	(pc) =	sbr.abs _section_cstart, $3  }
0xc3: {  	[dreg:$0x1] =	wrdreg $0xFFFFFFFF  }
0xc4: {  	_ =	task.clear_ibuf [dreg:s9], $0x2FFFF;
	_ =	strace $0x9FFFFFFF  }
0xc5: {  	(tm) =	ssettm $0x7FFFFFFF  }
tec
execute0_lowered:
.L_overlay_start_1:
0x0: {  	(tag) =	ssettag $0x1  }
0x1: {  	s0 =	rddreg [dreg:$0x0];
	s31 =	srdreg.scid  }
0x2: {  	s2 =	stileid.u32;
	[dreg:$0x4] =	wrdreg s0;
	s0 =	sand.u32 $0x1, s31  }
0x3: {  	s5 =	sshll.u32 s2, $0x1;
	s6 =	ssub.s32 $0x0, s0  }
0x4: {  	p0 =	sne.s32 s5, s6  }
.Ltmp0:
0x5: {  	_ = 	snop;
	(pc) =	sbr.rel @p0 .LBB2_3-.Ltmp0, $4  }
0x6: {  	_ = 	snop  }
0x7: {  	s4 =	simm.s32 $0x0  }
0x8: {  	[smem:$0x7FF] =	sst s4  }
0x9: {  	s1 =	rddreg [dreg:$0x1];
	_ =	strace $0x80000047  }
0xa: {  	s2 =	rddreg [dreg:$0x2];
	s12 =	simm.s32 $0xA80  }
0xb: {  	s13 =	simm.s32 $0x1280;
	[dreg:$0x7] =	wrdreg s12  }
0xc: {  	s14 =	simm.s32 $0x1A80;
	[dreg:$0x8] =	wrdreg s13  }
0xd: {  	s15 =	simm.s32 $0x2280;
	[dreg:$0x9] =	wrdreg s14  }
0xe: {  	s16 =	simm.s32 $0x2A80;
	s17 =	simm.s32 $0x3280;
	[dreg:$0xa] =	wrdreg s15  }
0xf: {  	s18 =	simm.s32 $0x3A80;
	s19 =	simm.s32 $0x4280;
	[dreg:$0xb] =	wrdreg s16  }
0x10: {  	s0 =	ssub.s32 $0x2, s0;
	s20 =	simm.s32 $0x4A80;
	[dreg:$0xc] =	wrdreg s17  }
0x11: {  	s21 =	simm.s32 $0x5280;
	s22 =	simm.s32 $0x5A80;
	[dreg:$0xd] =	wrdreg s18  }
0x12: {  	s23 =	simm.s32 $0x6280;
	s24 =	simm.s32 $0x6A80;
	[dreg:$0xe] =	wrdreg s19  }
0x13: {  	s7 =	simm.s32 $0x80;
	s25 =	simm.s32 $0x7280;
	[dreg:$0xf] =	wrdreg s20  }
0x14: {  	v23 =	vlaneseq.u32;
	s8 =	simm.s32 $0x280;
	s26 =	simm.s32 $0x7A80;
	[dreg:$0x10] =	wrdreg s21  }
0x15: {  	v0 =	vimm.s32 $0x0;
	vm0 =	vmmov $0xffff;
	v2 =	vimm.s32 $0x1;
	s9 =	simm.s32 $0x8280;
	s10 =	simm.s32 $0x8A80;
	[dreg:$0x11] =	wrdreg s22  }
0x16: {  	vm1 =	vcmask $0xF00;
	v7 =	vimm.s32 $0x2;
	vm2 =	vcmask $0x1F10;
	s28 =	simm.s32 $0x11280;
	s29 =	simm.s32 $0x11A80;
	[dreg:$0x12] =	wrdreg s23  }
0x17: {  	vm3 =	vcmask $0x2F20;
	s30 =	simm.s32 $0x12280;
	s31 =	simm.s32 $0x12A80;
	v1 =	vshrl.u32 v23, $0x2;
	[dreg:$0x13] =	wrdreg s24;
	v8 =	vsel vm1, $0x18, v7  }
0x18: {  	s5 =	sadd.s32 $0x1000, s2;
	s11 =	sadd.s32 $0x2000, s2;
	[dreg:$0x14] =	wrdreg s25;
	v12 =	vsel vm1, $0x17, v2;
	v19 =	vsel vm1, $0x16, v0;
	v22 =	vshrl.u32 v23, $0x3  }
0x19: {  	s6 =	sshrl.u32 s0, $0x1;
	[dreg:$0x15] =	wrdreg s26;
	s12 =	simm.s32 $0x9A80;
	v21 =	vand.u32 $0x7, v23;
	v23 =	vor.u32 $0x8, v23;
	v3 =	vor.u32 $0x4, v1  }
0x1a: {  	s13 =	simm.s32 $0xA280;
	s14 =	simm.s32 $0xAA80;
	s15 =	simm.s32 $0xB280;
	v4 =	vor.u32 $0x8, v1;
	v5 =	vor.u32 $0xC, v1;
	v6 =	vor.u32 $0x10, v1  }
0x1b: {  	s16 =	simm.s32 $0xBA80;
	s17 =	simm.s32 $0xC280;
	s18 =	simm.s32 $0xCA80;
	v7 =	vor.u32 $0x14, v1;
	v8 =	vsel vm2, $0x0, v8;
	v9 =	vadd.s32 $0x3, v1  }
0x1c: {  	s19 =	simm.s32 $0xD280;
	s20 =	simm.s32 $0xDA80;
	s21 =	simm.s32 $0xE280;
	v10 =	vadd.s32 $0x7, v1;
	v11 =	vadd.s32 $0xB, v1;
	v14 =	vsel vm2, $0x18, v12  }
0x1d: {  	s22 =	simm.s32 $0xEA80;
	s23 =	simm.s32 $0xF280;
	s24 =	simm.s32 $0xFA80;
	v12 =	vadd.s32 $0xF, v1;
	v13 =	vadd.s32 $0x13, v1;
	v15 =	vadd.s32 $0x2, v1  }
0x1e: {  	s25 =	simm.s32 $0x10280;
	s26 =	simm.s32 $0x10A80;
	[dreg:$0x5] =	wrdreg s5;
	v16 =	vadd.s32 $0x6, v1;
	v17 =	vadd.s32 $0xA, v1;
	v18 =	vadd.s32 $0xE, v1  }
0x1f: {  	[dreg:$0x6] =	wrdreg s11;
	s0 =	ssub.s32 s0, s6;
	s6 =	simm.s32 $0x2;
	v20 =	vsel vm2, $0x17, v19;
	v19 =	vadd.s32 $0x12, v1;
	v22 =	vmul.u32 $0x8, v22  }
0x20: {  	s11 =	simm.s32 $0x9280;
	s5 =	smax.u32 s0, $0x1;
	v8 =	vsel vm3, $0x1, v8;
	v14 =	vsel vm3, $0x0, v14;
	v20 =	vsel vm3, $0x18, v20;
	s0 =	simm.s32 $0x1  }
.LBB2_2:
0x21: {  	s2 =	rddreg [dreg:$0x4]  }
0x22: {  	[tilespmem:s4], [sflag:$0x2] =	stream.linear.gather [hbm4b:s2+s4], $0x80, $0x38;
	[tilespmem:$0x13280] =	vst v63  }
0x23: {  	_ =	swait.ge [sflag:s6], $0x80  }
0x24: {  	[sflag:s6] =	ssyncset.done $0x0  }
0x25: {  	[sflag:s6] =	ssyncadd.s32 $0xFFFFFF80  }
0x26: {  	v24 =	vld [tilespmem:$0x0];
	_ =	sdelay $0x5  }
0x27: {  	[tilespmem:$0x80] =	vst v0  }
0x28: {  	[tilespmem:$0x90] =	vst v0  }
0x29: {  	[tilespmem:v24+s7+$0x0] =	vst.idx.add.s32.msk $0xffff, v2  }
0x2a: {  	v24 =	vld [tilespmem:$0x10];
	_ =	sdelay $0x7  }
0x2b: {  	[tilespmem:v24+s7+$0x0] =	vst.idx.add.s32.msk $0xffff, v2  }
0x2c: {  	v24 =	vld [tilespmem:$0x20];
	_ =	sdelay $0x7  }
0x2d: {  	[tilespmem:v24+s7+$0x0] =	vst.idx.add.s32.msk $0xffff, v2  }
0x2e: {  	v24 =	vld [tilespmem:$0x80]  }
0x2f: {  	v25 =	vld [tilespmem:$0x90];
	_ =	sdelay $0x3  }
0x30: {  	vm1 =	vlt.s32 v24, $0x8  }
0x31: {  	v24 =	vnsel vm1, $0x8, v24;
	vm1 =	vlt.s32 v25, $0x8  }
0x32: {  	v24 =	vadd.s32 $0xFFFFFFFF, v24;
	v25 =	vnsel vm1, $0x8, v25  }
0x33: {  	vm1 =	vgt.s32 v24, $0x0;
	v25 =	vadd.s32 $0xFFFFFFFF, v25  }
0x34: {  	v24 =	vnsel vm1, $0x0, v24;
	vm1 =	vgt.s32 v25, $0x0  }
0x35: {  	[tilespmem:$0x80] =	vst v24;
	v42 =	vnsel vm1, $0x0, v25  }
0x36: {  	[tilespmem:$0x90] =	vst v42  }
0x37: {  	v24 =	vld.idx.msk [tilespmem:v1+s7+$0x0], $0xffff;
	_ =	sdelay $0x4  }
0x38: {  	[tilespmem:$0x100] =	vst v24  }
0x39: {  	v24 =	vld.idx.msk [tilespmem:v3+s7+$0x0], $0xffff;
	_ =	sdelay $0x4  }
0x3a: {  	[tilespmem:$0x110] =	vst v24  }
0x3b: {  	v24 =	vld.idx.msk [tilespmem:v4+s7+$0x0], $0xffff;
	_ =	sdelay $0x4  }
0x3c: {  	[tilespmem:$0x120] =	vst v24  }
0x3d: {  	v24 =	vld.idx.msk [tilespmem:v5+s7+$0x0], $0xffff;
	_ =	sdelay $0x4  }
0x3e: {  	[tilespmem:$0x130] =	vst v24  }
0x3f: {  	v24 =	vld.idx.msk [tilespmem:v6+s7+$0x0], $0xffff;
	_ =	sdelay $0x4  }
0x40: {  	[tilespmem:$0x140] =	vst v24  }
0x41: {  	v24 =	vld.idx.msk [tilespmem:v7+s7+$0x0], $0xffff;
	_ =	sdelay $0x4  }
0x42: {  	[tilespmem:$0x150] =	vst v24  }
0x43: {  	v24 =	vld.idx.msk [tilespmem:v8+s7+$0x0], $0xffff;
	_ =	sdelay $0x4  }
0x44: {  	[tilespmem:$0x160] =	vst v24  }
0x45: {  	v24 =	vld.idx.msk [tilespmem:v9+s7+$0x0], $0xffff;
	_ =	sdelay $0x4  }
0x46: {  	[tilespmem:$0x170] =	vst v24  }
0x47: {  	v24 =	vld.idx.msk [tilespmem:v10+s7+$0x0], $0xffff;
	_ =	sdelay $0x4  }
0x48: {  	[tilespmem:$0x180] =	vst v24  }
0x49: {  	v24 =	vld.idx.msk [tilespmem:v11+s7+$0x0], $0xffff;
	_ =	sdelay $0x4  }
0x4a: {  	[tilespmem:$0x190] =	vst v24  }
0x4b: {  	v24 =	vld.idx.msk [tilespmem:v12+s7+$0x0], $0xffff;
	_ =	sdelay $0x4  }
0x4c: {  	[tilespmem:$0x1A0] =	vst v24  }
0x4d: {  	v24 =	vld.idx.msk [tilespmem:v13+s7+$0x0], $0xffff;
	_ =	sdelay $0x4  }
0x4e: {  	[tilespmem:$0x1B0] =	vst v24  }
0x4f: {  	v24 =	vld.idx.msk [tilespmem:v14+s7+$0x0], $0xffff;
	_ =	sdelay $0x4  }
0x50: {  	[tilespmem:$0x1C0] =	vst v24  }
0x51: {  	v24 =	vld.idx.msk [tilespmem:v15+s7+$0x0], $0xffff;
	_ =	sdelay $0x4  }
0x52: {  	[tilespmem:$0x1D0] =	vst v24  }
0x53: {  	v24 =	vld.idx.msk [tilespmem:v16+s7+$0x0], $0xffff;
	_ =	sdelay $0x4  }
0x54: {  	[tilespmem:$0x1E0] =	vst v24  }
0x55: {  	v24 =	vld.idx.msk [tilespmem:v17+s7+$0x0], $0xffff;
	_ =	sdelay $0x4  }
0x56: {  	[tilespmem:$0x1F0] =	vst v24  }
0x57: {  	v24 =	vld.idx.msk [tilespmem:v18+s7+$0x0], $0xffff;
	_ =	sdelay $0x2  }
0x58: {  	v43 =	vld [tilespmem:$0x100];
	_ =	sdelay $0x1  }
0x59: {  	[tilespmem:$0x200] =	vst v24  }
0x5a: {  	v24 =	vld.idx.msk [tilespmem:v19+s7+$0x0], $0xffff;
	_ =	sdelay $0x1  }
0x5b: {  	v26 =	vshll.u32 v43, $0x1  }
0x5c: {  	v25 =	vand.u32 $0x7, v43;
	v26 =	vand.u32 $0xFFFFFFF0, v26  }
0x5d: {  	v25 =	vor.u32 v25, v26  }
0x5e: {  	v44 =	vperm.xlane v25, v21;
	[tilespmem:$0x210] =	vst v24  }
0x5f: {  	v45 =	vld.idx.msk [tilespmem:v20+s7+$0x0], $0xffff  }
0x60: {  	v25 =	vperm.xlane v25, v23;
	v24 =	vadd.s32 v22, v44;
	_ =	sdelay $0x1  }
0x61: {  	v25 =	vadd.s32 v22, v25;
	_ =	sdelay $0x1  }
0x62: {  	[tilespmem:$0x220] =	vst v45  }
0x63: {  	[tilespmem:s8], [sflag:$0x1] =	stream.indirect_vreg.gather [hbm4b:s1+s4], $0x80, v24, vm0, $0xb8;
	[tilespmem:$0x13280] =	vst v63  }
0x64: {  	s3 =	rddreg [dreg:$0x7]  }
0x65: {  	[tilespmem:s3], [sflag:$0x1] =	stream.indirect_vreg.gather [hbm4b:s1+s4], $0x80, v25, vm0, $0xb8;
	[tilespmem:$0x13280] =	vst v63  }
0x66: {  	v24 =	vld [tilespmem:$0x110];
	_ =	sdelay $0x4  }
0x67: {  	v46 =	vshll.u32 v24, $0x1  }
0x68: {  	v24 =	vand.u32 $0x7, v24;
	v25 =	vand.u32 $0xFFFFFFF0, v46  }
0x69: {  	v24 =	vor.u32 v24, v25  }
0x6a: {  	v25 =	vperm.xlane v24, v21;
	_ =	sdelay $0x1  }
0x6b: {  	v24 =	vperm.xlane v24, v23;
	v25 =	vadd.s32 v22, v25;
	_ =	sdelay $0x1  }
0x6c: {  	v24 =	vadd.s32 v22, v24;
	_ =	sdelay $0x1  }
0x6d: {  	s2 =	rddreg [dreg:$0x8]  }
0x6e: {  	[tilespmem:s2], [sflag:$0x1] =	stream.indirect_vreg.gather [hbm4b:s1+s4], $0x80, v25, vm0, $0xb8;
	[tilespmem:$0x13280] =	vst v63  }
0x6f: {  	s3 =	rddreg [dreg:$0x9]  }
0x70: {  	[tilespmem:s3], [sflag:$0x1] =	stream.indirect_vreg.gather [hbm4b:s1+s4], $0x80, v24, vm0, $0xb8;
	[tilespmem:$0x13280] =	vst v63  }
0x71: {  	v24 =	vld [tilespmem:$0x120];
	_ =	sdelay $0x4  }
0x72: {  	v47 =	vshll.u32 v24, $0x1  }
0x73: {  	v24 =	vand.u32 $0x7, v24;
	v25 =	vand.u32 $0xFFFFFFF0, v47  }
0x74: {  	v24 =	vor.u32 v24, v25  }
0x75: {  	v25 =	vperm.xlane v24, v21;
	_ =	sdelay $0x1  }
0x76: {  	v24 =	vperm.xlane v24, v23;
	v25 =	vadd.s32 v22, v25;
	_ =	sdelay $0x1  }
0x77: {  	v24 =	vadd.s32 v22, v24;
	_ =	sdelay $0x1  }
0x78: {  	s2 =	rddreg [dreg:$0xa]  }
0x79: {  	[tilespmem:s2], [sflag:$0x1] =	stream.indirect_vreg.gather [hbm4b:s1+s4], $0x80, v25, vm0, $0xb8;
	[tilespmem:$0x13280] =	vst v63  }
0x7a: {  	s3 =	rddreg [dreg:$0xb]  }
0x7b: {  	[tilespmem:s3], [sflag:$0x1] =	stream.indirect_vreg.gather [hbm4b:s1+s4], $0x80, v24, vm0, $0xb8;
	[tilespmem:$0x13280] =	vst v63  }
0x7c: {  	v24 =	vld [tilespmem:$0x130];
	_ =	sdelay $0x4  }
0x7d: {  	v48 =	vshll.u32 v24, $0x1  }
0x7e: {  	v24 =	vand.u32 $0x7, v24;
	v25 =	vand.u32 $0xFFFFFFF0, v48  }
0x7f: {  	v24 =	vor.u32 v24, v25  }
0x80: {  	v25 =	vperm.xlane v24, v21;
	_ =	sdelay $0x1  }
0x81: {  	v24 =	vperm.xlane v24, v23;
	v25 =	vadd.s32 v22, v25;
	_ =	sdelay $0x1  }
0x82: {  	v24 =	vadd.s32 v22, v24;
	_ =	sdelay $0x1  }
0x83: {  	s2 =	rddreg [dreg:$0xc]  }
0x84: {  	[tilespmem:s2], [sflag:$0x1] =	stream.indirect_vreg.gather [hbm4b:s1+s4], $0x80, v25, vm0, $0xb8;
	[tilespmem:$0x13280] =	vst v63  }
0x85: {  	s3 =	rddreg [dreg:$0xd]  }
0x86: {  	[tilespmem:s3], [sflag:$0x1] =	stream.indirect_vreg.gather [hbm4b:s1+s4], $0x80, v24, vm0, $0xb8;
	[tilespmem:$0x13280] =	vst v63  }
0x87: {  	v24 =	vld [tilespmem:$0x140];
	_ =	sdelay $0x4  }
0x88: {  	v49 =	vshll.u32 v24, $0x1  }
0x89: {  	v24 =	vand.u32 $0x7, v24;
	v25 =	vand.u32 $0xFFFFFFF0, v49  }
0x8a: {  	v24 =	vor.u32 v24, v25  }
0x8b: {  	v25 =	vperm.xlane v24, v21;
	_ =	sdelay $0x1  }
0x8c: {  	v24 =	vperm.xlane v24, v23;
	v25 =	vadd.s32 v22, v25;
	_ =	sdelay $0x1  }
0x8d: {  	v24 =	vadd.s32 v22, v24;
	_ =	sdelay $0x1  }
0x8e: {  	s2 =	rddreg [dreg:$0xe]  }
0x8f: {  	[tilespmem:s2], [sflag:$0x1] =	stream.indirect_vreg.gather [hbm4b:s1+s4], $0x80, v25, vm0, $0xb8;
	[tilespmem:$0x13280] =	vst v63  }
0x90: {  	s3 =	rddreg [dreg:$0xf]  }
0x91: {  	[tilespmem:s3], [sflag:$0x1] =	stream.indirect_vreg.gather [hbm4b:s1+s4], $0x80, v24, vm0, $0xb8;
	[tilespmem:$0x13280] =	vst v63  }
0x92: {  	v24 =	vld [tilespmem:$0x150];
	_ =	sdelay $0x4  }
0x93: {  	v50 =	vshll.u32 v24, $0x1  }
0x94: {  	v24 =	vand.u32 $0x7, v24;
	v25 =	vand.u32 $0xFFFFFFF0, v50  }
0x95: {  	v24 =	vor.u32 v24, v25  }
0x96: {  	v25 =	vperm.xlane v24, v21;
	_ =	sdelay $0x1  }
0x97: {  	v24 =	vperm.xlane v24, v23;
	v25 =	vadd.s32 v22, v25;
	_ =	sdelay $0x1  }
0x98: {  	v24 =	vadd.s32 v22, v24;
	_ =	sdelay $0x1  }
0x99: {  	s2 =	rddreg [dreg:$0x10]  }
0x9a: {  	[tilespmem:s2], [sflag:$0x1] =	stream.indirect_vreg.gather [hbm4b:s1+s4], $0x80, v25, vm0, $0xb8;
	[tilespmem:$0x13280] =	vst v63  }
0x9b: {  	s3 =	rddreg [dreg:$0x11]  }
0x9c: {  	[tilespmem:s3], [sflag:$0x1] =	stream.indirect_vreg.gather [hbm4b:s1+s4], $0x80, v24, vm0, $0xb8;
	[tilespmem:$0x13280] =	vst v63  }
0x9d: {  	v24 =	vld [tilespmem:$0x160];
	_ =	sdelay $0x4  }
0x9e: {  	v51 =	vshll.u32 v24, $0x1  }
0x9f: {  	v24 =	vand.u32 $0x7, v24;
	v25 =	vand.u32 $0xFFFFFFF0, v51  }
0xa0: {  	v24 =	vor.u32 v24, v25  }
0xa1: {  	v25 =	vperm.xlane v24, v21;
	_ =	sdelay $0x1  }
0xa2: {  	v24 =	vperm.xlane v24, v23;
	v25 =	vadd.s32 v22, v25;
	_ =	sdelay $0x1  }
0xa3: {  	v24 =	vadd.s32 v22, v24;
	_ =	sdelay $0x1  }
0xa4: {  	s2 =	rddreg [dreg:$0x12]  }
0xa5: {  	[tilespmem:s2], [sflag:$0x1] =	stream.indirect_vreg.gather [hbm4b:s1+s4], $0x80, v25, vm0, $0xb8;
	[tilespmem:$0x13280] =	vst v63  }
0xa6: {  	s3 =	rddreg [dreg:$0x13]  }
0xa7: {  	[tilespmem:s3], [sflag:$0x1] =	stream.indirect_vreg.gather [hbm4b:s1+s4], $0x80, v24, vm0, $0xb8;
	[tilespmem:$0x13280] =	vst v63  }
0xa8: {  	v24 =	vld [tilespmem:$0x170];
	_ =	sdelay $0x4  }
0xa9: {  	v52 =	vshll.u32 v24, $0x1  }
0xaa: {  	v24 =	vand.u32 $0x7, v24;
	v25 =	vand.u32 $0xFFFFFFF0, v52  }
0xab: {  	v24 =	vor.u32 v24, v25  }
0xac: {  	v25 =	vperm.xlane v24, v21;
	_ =	sdelay $0x1  }
0xad: {  	v24 =	vperm.xlane v24, v23;
	v25 =	vadd.s32 v22, v25;
	_ =	sdelay $0x1  }
0xae: {  	v24 =	vadd.s32 v22, v24;
	_ =	sdelay $0x1  }
0xaf: {  	s2 =	rddreg [dreg:$0x14]  }
0xb0: {  	[tilespmem:s2], [sflag:$0x1] =	stream.indirect_vreg.gather [hbm4b:s1+s4], $0x80, v25, vm0, $0xb8;
	[tilespmem:$0x13280] =	vst v63  }
0xb1: {  	s3 =	rddreg [dreg:$0x15]  }
0xb2: {  	[tilespmem:s3], [sflag:$0x1] =	stream.indirect_vreg.gather [hbm4b:s1+s4], $0x80, v24, vm0, $0xb8;
	[tilespmem:$0x13280] =	vst v63  }
0xb3: {  	v24 =	vld [tilespmem:$0x180];
	_ =	sdelay $0x4  }
0xb4: {  	v53 =	vshll.u32 v24, $0x1  }
0xb5: {  	v24 =	vand.u32 $0x7, v24;
	v25 =	vand.u32 $0xFFFFFFF0, v53  }
0xb6: {  	v24 =	vor.u32 v24, v25  }
0xb7: {  	v25 =	vperm.xlane v24, v21;
	_ =	sdelay $0x1  }
0xb8: {  	v24 =	vperm.xlane v24, v23;
	v25 =	vadd.s32 v22, v25;
	_ =	sdelay $0x1  }
0xb9: {  	v24 =	vadd.s32 v22, v24;
	_ =	sdelay $0x2  }
0xba: {  	[tilespmem:s9], [sflag:$0x1] =	stream.indirect_vreg.gather [hbm4b:s1+s4], $0x80, v25, vm0, $0xb8;
	[tilespmem:$0x13280] =	vst v63  }
0xbb: {  	_ = 	snop  }
0xbc: {  	[tilespmem:s10], [sflag:$0x1] =	stream.indirect_vreg.gather [hbm4b:s1+s4], $0x80, v24, vm0, $0xb8;
	[tilespmem:$0x13280] =	vst v63  }
0xbd: {  	v24 =	vld [tilespmem:$0x190];
	_ =	sdelay $0x4  }
0xbe: {  	v54 =	vshll.u32 v24, $0x1  }
0xbf: {  	v24 =	vand.u32 $0x7, v24;
	v25 =	vand.u32 $0xFFFFFFF0, v54  }
0xc0: {  	v24 =	vor.u32 v24, v25  }
0xc1: {  	v25 =	vperm.xlane v24, v21;
	_ =	sdelay $0x1  }
0xc2: {  	v24 =	vperm.xlane v24, v23;
	v25 =	vadd.s32 v22, v25;
	_ =	sdelay $0x1  }
0xc3: {  	v24 =	vadd.s32 v22, v24;
	_ =	sdelay $0x2  }
0xc4: {  	[tilespmem:s11], [sflag:$0x1] =	stream.indirect_vreg.gather [hbm4b:s1+s4], $0x80, v25, vm0, $0xb8;
	[tilespmem:$0x13280] =	vst v63  }
0xc5: {  	_ = 	snop  }
0xc6: {  	[tilespmem:s12], [sflag:$0x1] =	stream.indirect_vreg.gather [hbm4b:s1+s4], $0x80, v24, vm0, $0xb8;
	[tilespmem:$0x13280] =	vst v63  }
0xc7: {  	v24 =	vld [tilespmem:$0x1A0];
	_ =	sdelay $0x4  }
0xc8: {  	v55 =	vshll.u32 v24, $0x1  }
0xc9: {  	v24 =	vand.u32 $0x7, v24;
	v25 =	vand.u32 $0xFFFFFFF0, v55  }
0xca: {  	v24 =	vor.u32 v24, v25  }
0xcb: {  	v25 =	vperm.xlane v24, v21;
	_ =	sdelay $0x1  }
0xcc: {  	v24 =	vperm.xlane v24, v23;
	v25 =	vadd.s32 v22, v25;
	_ =	sdelay $0x1  }
0xcd: {  	v24 =	vadd.s32 v22, v24;
	_ =	sdelay $0x2  }
0xce: {  	[tilespmem:s13], [sflag:$0x1] =	stream.indirect_vreg.gather [hbm4b:s1+s4], $0x80, v25, vm0, $0xb8;
	[tilespmem:$0x13280] =	vst v63  }
0xcf: {  	_ = 	snop  }
0xd0: {  	[tilespmem:s14], [sflag:$0x1] =	stream.indirect_vreg.gather [hbm4b:s1+s4], $0x80, v24, vm0, $0xb8;
	[tilespmem:$0x13280] =	vst v63  }
0xd1: {  	v24 =	vld [tilespmem:$0x1B0];
	_ =	sdelay $0x4  }
0xd2: {  	v56 =	vshll.u32 v24, $0x1  }
0xd3: {  	v24 =	vand.u32 $0x7, v24;
	v25 =	vand.u32 $0xFFFFFFF0, v56  }
0xd4: {  	v24 =	vor.u32 v24, v25  }
0xd5: {  	v25 =	vperm.xlane v24, v21;
	_ =	sdelay $0x1  }
0xd6: {  	v24 =	vperm.xlane v24, v23;
	v25 =	vadd.s32 v22, v25;
	_ =	sdelay $0x1  }
0xd7: {  	v24 =	vadd.s32 v22, v24;
	_ =	sdelay $0x2  }
0xd8: {  	[tilespmem:s15], [sflag:$0x1] =	stream.indirect_vreg.gather [hbm4b:s1+s4], $0x80, v25, vm0, $0xb8;
	[tilespmem:$0x13280] =	vst v63  }
0xd9: {  	_ = 	snop  }
0xda: {  	[tilespmem:s16], [sflag:$0x1] =	stream.indirect_vreg.gather [hbm4b:s1+s4], $0x80, v24, vm0, $0xb8;
	[tilespmem:$0x13280] =	vst v63  }
0xdb: {  	v24 =	vld [tilespmem:$0x1C0];
	_ =	sdelay $0x4  }
0xdc: {  	v57 =	vshll.u32 v24, $0x1  }
0xdd: {  	v24 =	vand.u32 $0x7, v24;
	v25 =	vand.u32 $0xFFFFFFF0, v57  }
0xde: {  	v24 =	vor.u32 v24, v25  }
0xdf: {  	v25 =	vperm.xlane v24, v21;
	_ =	sdelay $0x1  }
0xe0: {  	v24 =	vperm.xlane v24, v23;
	v25 =	vadd.s32 v22, v25;
	_ =	sdelay $0x1  }
0xe1: {  	v24 =	vadd.s32 v22, v24;
	_ =	sdelay $0x2  }
0xe2: {  	[tilespmem:s17], [sflag:$0x1] =	stream.indirect_vreg.gather [hbm4b:s1+s4], $0x80, v25, vm0, $0xb8;
	[tilespmem:$0x13280] =	vst v63  }
0xe3: {  	_ = 	snop  }
0xe4: {  	[tilespmem:s18], [sflag:$0x1] =	stream.indirect_vreg.gather [hbm4b:s1+s4], $0x80, v24, vm0, $0xb8;
	[tilespmem:$0x13280] =	vst v63  }
0xe5: {  	v24 =	vld [tilespmem:$0x1D0];
	_ =	sdelay $0x4  }
0xe6: {  	v58 =	vshll.u32 v24, $0x1  }
0xe7: {  	v24 =	vand.u32 $0x7, v24;
	v25 =	vand.u32 $0xFFFFFFF0, v58  }
0xe8: {  	v24 =	vor.u32 v24, v25  }
0xe9: {  	v25 =	vperm.xlane v24, v21;
	_ =	sdelay $0x1  }
0xea: {  	v24 =	vperm.xlane v24, v23;
	v25 =	vadd.s32 v22, v25;
	_ =	sdelay $0x1  }
0xeb: {  	v24 =	vadd.s32 v22, v24;
	_ =	sdelay $0x2  }
0xec: {  	[tilespmem:s19], [sflag:$0x1] =	stream.indirect_vreg.gather [hbm4b:s1+s4], $0x80, v25, vm0, $0xb8;
	[tilespmem:$0x13280] =	vst v63  }
0xed: {  	_ = 	snop  }
0xee: {  	[tilespmem:s20], [sflag:$0x1] =	stream.indirect_vreg.gather [hbm4b:s1+s4], $0x80, v24, vm0, $0xb8;
	[tilespmem:$0x13280] =	vst v63  }
0xef: {  	v24 =	vld [tilespmem:$0x1E0];
	_ =	sdelay $0x4  }
0xf0: {  	v59 =	vshll.u32 v24, $0x1  }
0xf1: {  	v24 =	vand.u32 $0x7, v24;
	v25 =	vand.u32 $0xFFFFFFF0, v59  }
0xf2: {  	v24 =	vor.u32 v24, v25  }
0xf3: {  	v25 =	vperm.xlane v24, v21;
	_ =	sdelay $0x1  }
0xf4: {  	v24 =	vperm.xlane v24, v23;
	v25 =	vadd.s32 v22, v25;
	_ =	sdelay $0x1  }
0xf5: {  	v24 =	vadd.s32 v22, v24;
	_ =	sdelay $0x2  }
0xf6: {  	[tilespmem:s21], [sflag:$0x1] =	stream.indirect_vreg.gather [hbm4b:s1+s4], $0x80, v25, vm0, $0xb8;
	[tilespmem:$0x13280] =	vst v63  }
0xf7: {  	_ = 	snop  }
0xf8: {  	[tilespmem:s22], [sflag:$0x1] =	stream.indirect_vreg.gather [hbm4b:s1+s4], $0x80, v24, vm0, $0xb8;
	[tilespmem:$0x13280] =	vst v63  }
0xf9: {  	v24 =	vld [tilespmem:$0x1F0];
	_ =	sdelay $0x4  }
0xfa: {  	v60 =	vshll.u32 v24, $0x1  }
0xfb: {  	v24 =	vand.u32 $0x7, v24;
	v25 =	vand.u32 $0xFFFFFFF0, v60  }
0xfc: {  	v24 =	vor.u32 v24, v25  }
0xfd: {  	v25 =	vperm.xlane v24, v21;
	_ =	sdelay $0x1  }
0xfe: {  	v24 =	vperm.xlane v24, v23;
	v25 =	vadd.s32 v22, v25;
	_ =	sdelay $0x1  }
0xff: {  	v24 =	vadd.s32 v22, v24;
	_ =	sdelay $0x2  }
0x100: {  	[tilespmem:s23], [sflag:$0x1] =	stream.indirect_vreg.gather [hbm4b:s1+s4], $0x80, v25, vm0, $0xb8;
	[tilespmem:$0x13280] =	vst v63  }
0x101: {  	_ = 	snop  }
0x102: {  	[tilespmem:s24], [sflag:$0x1] =	stream.indirect_vreg.gather [hbm4b:s1+s4], $0x80, v24, vm0, $0xb8;
	[tilespmem:$0x13280] =	vst v63  }
0x103: {  	v24 =	vld [tilespmem:$0x200];
	_ =	sdelay $0x4  }
0x104: {  	v61 =	vshll.u32 v24, $0x1  }
0x105: {  	v24 =	vand.u32 $0x7, v24;
	v25 =	vand.u32 $0xFFFFFFF0, v61  }
0x106: {  	v24 =	vor.u32 v24, v25  }
0x107: {  	v25 =	vperm.xlane v24, v21;
	_ =	sdelay $0x1  }
0x108: {  	v24 =	vperm.xlane v24, v23;
	v25 =	vadd.s32 v22, v25;
	_ =	sdelay $0x1  }
0x109: {  	v24 =	vadd.s32 v22, v24;
	_ =	sdelay $0x2  }
0x10a: {  	[tilespmem:s25], [sflag:$0x1] =	stream.indirect_vreg.gather [hbm4b:s1+s4], $0x80, v25, vm0, $0xb8;
	[tilespmem:$0x13280] =	vst v63  }
0x10b: {  	_ = 	snop  }
0x10c: {  	[tilespmem:s26], [sflag:$0x1] =	stream.indirect_vreg.gather [hbm4b:s1+s4], $0x80, v24, vm0, $0xb8;
	[tilespmem:$0x13280] =	vst v63  }
0x10d: {  	v24 =	vld [tilespmem:$0x210];
	_ =	sdelay $0x4  }
0x10e: {  	v62 =	vshll.u32 v24, $0x1  }
0x10f: {  	v24 =	vand.u32 $0x7, v24;
	v25 =	vand.u32 $0xFFFFFFF0, v62  }
0x110: {  	v24 =	vor.u32 v24, v25  }
0x111: {  	v25 =	vperm.xlane v24, v21;
	_ =	sdelay $0x1  }
0x112: {  	v24 =	vperm.xlane v24, v23;
	v25 =	vadd.s32 v22, v25;
	_ =	sdelay $0x1  }
0x113: {  	v24 =	vadd.s32 v22, v24;
	_ =	sdelay $0x2  }
0x114: {  	[tilespmem:s28], [sflag:$0x1] =	stream.indirect_vreg.gather [hbm4b:s1+s4], $0x80, v25, vm0, $0xb8;
	[tilespmem:$0x13280] =	vst v63  }
0x115: {  	_ = 	snop  }
0x116: {  	[tilespmem:s29], [sflag:$0x1] =	stream.indirect_vreg.gather [hbm4b:s1+s4], $0x80, v24, vm0, $0xb8;
	[tilespmem:$0x13280] =	vst v63  }
0x117: {  	v24 =	vld [tilespmem:$0x220];
	_ =	sdelay $0x4  }
0x118: {  	v63 =	vshll.u32 v24, $0x1  }
0x119: {  	v24 =	vand.u32 $0x7, v24;
	v25 =	vand.u32 $0xFFFFFFF0, v63  }
0x11a: {  	v24 =	vor.u32 v24, v25  }
0x11b: {  	v25 =	vperm.xlane v24, v21;
	_ =	sdelay $0x1  }
0x11c: {  	v24 =	vperm.xlane v24, v23;
	v25 =	vadd.s32 v22, v25;
	_ =	sdelay $0x1  }
0x11d: {  	v24 =	vadd.s32 v22, v24;
	_ =	sdelay $0x2  }
0x11e: {  	[tilespmem:s30], [sflag:$0x1] =	stream.indirect_vreg.gather [hbm4b:s1+s4], $0x80, v25, vm0, $0xb8;
	[tilespmem:$0x13280] =	vst v63  }
0x11f: {  	_ = 	snop  }
0x120: {  	[tilespmem:s31], [sflag:$0x1] =	stream.indirect_vreg.gather [hbm4b:s1+s4], $0x80, v24, vm0, $0xb8;
	[tilespmem:$0x13280] =	vst v63  }
0x121: {  	_ =	swait.ge [sflag:s0], $0x8000  }
0x122: {  	[sflag:s0] =	ssyncset.done $0x0  }
0x123: {  	[sflag:s0] =	ssyncadd.s32 $0xFFFF8000  }
0x124: {  	_ =	swait.ge [sflag:s0], $0x8000  }
0x125: {  	[sflag:s0] =	ssyncset.done $0x0  }
0x126: {  	[sflag:s0] =	ssyncadd.s32 $0xFFFF8000  }
0x127: {  	_ =	swait.ge [sflag:s0], $0x3000  }
0x128: {  	[sflag:s0] =	ssyncset.done $0x0  }
0x129: {  	[sflag:s0] =	ssyncadd.s32 $0xFFFFD000  }
0x12a: {  	s3 =	rddreg [dreg:$0x2]  }
0x12b: {  	[hbm4b:s3+s4] =	stream.linear.scatter [tilespmem:s8], [sflag:$0x2], $0x8000, $0x38;
	[tilespmem:$0x13280] =	vst v63  }
0x12c: {  	_ =	swait.ge [sflag:s6], $0x8000  }
0x12d: {  	[sflag:s6] =	ssyncset.done $0x0  }
0x12e: {  	s3 =	rddreg [dreg:$0x5];
	[sflag:s6] =	ssyncadd.s32 $0xFFFF8000  }
0x12f: {  	[hbm4b:s3+s4] =	stream.linear.scatter [tilespmem:s9], [sflag:$0x2], $0x8000, $0x38;
	[tilespmem:$0x13280] =	vst v63  }
0x130: {  	_ =	swait.ge [sflag:s6], $0x8000  }
0x131: {  	p0 =	sne.s32 s5, $0x1;
	[sflag:s6] =	ssyncset.done $0x0  }
.Ltmp1:
0x132: {  	s3 =	rddreg [dreg:$0x6];
	[sflag:s6] =	ssyncadd.s32 $0xFFFF8000;
	(pc) =	sbr.rel @p0 .LBB2_2-.Ltmp1, $4  }
0x133: {  	[hbm4b:s3+s4] =	stream.linear.scatter [tilespmem:s25], [sflag:$0x2], $0x3000, $0x38;
	[tilespmem:$0x13280] =	vst v63  }
0x134: {  	_ =	swait.ge [sflag:s6], $0x3000  }
0x135: {  	[sflag:s6] =	ssyncset.done $0x0  }
0x136: {  	s5 =	sadd.s32 $0xFFFFFFFF, s5;
	[sflag:s6] =	ssyncadd.s32 $0xFFFFD000  }
.LBB2_3:
0x137: {  	_ =	sfence.sel $0x180000  }
0x138: {  	[bflag:$0x0] =	sbarrier.arrive $0xFFFF  }
0x139: {  	_ =	strace $0x90000047  }
0x13a: {  	s0 =	stileid.u32;
	[bflag:$0x2] =	sbarrier.arrive $0xFFFF  }
0x13b: {  	p0 =	sne.s32 s0, $0x0;
	s0 =	rddreg [dreg:$0x3]  }
0x13c: {  	s0 =	sadd.s32 @!p0 $0x100000, s0  }
0x13d: {  	[sflag:s0] =	ssyncadd.tile.s32 @!p0 $0x1;
	_ =	shalt  }
.Lfunc_end2:
_tile_overlayer_lowered:
.L_overlay_start_2:
0x13e: {  	(tag) =	ssettag $0x2  }
0x13f: {  	s0 =	rddreg [dreg:$0x0];
	s2 =	stileid.u32  }
0x140: {  	s1 =	rddreg [dreg:$0x1];
	p0 =	sne.s32 s2, $0x0  }
0x141: {  	s3 =	rddreg [dreg:$0x2];
	[bflag:$0x3] =	sbarrier.arrive $0xFFFF;
	s2 =	simm.s32 @!p0 $0x1C02  }
0x142: {  	[timem:s3], [sflag:s2] =	dma.local @!p0 [hbm:s0], s1  }
0x143: {  	s0 =	simm.s32 @!p0 $0x2  }
0x144: {  	_ =	swait.ge @!p0 [sflag:s0], s1  }
0x145: {  	s1 =	ssub.s32 @!p0 $0x0, s1;
	[sflag:s0] =	ssyncset.done @!p0 $0x0  }
0x146: {  	[sflag:s0] =	ssyncadd.s32 @!p0 s1  }
0x147: {  	[bflag:$0x3] =	sbarrier.arrive $0xFFFF  }
0x148: {  	_ =	shalt  }

// kernel: sparse-core-data-format-call.cloned.1.call-start
scs
called_computation_lowered:
.L_overlay_start_0:
0x0: {  	s2 =	sld [smem:$0x3FD9]  }
0x1: {  	s3 =	sld [smem:$0x3FFE];
	_ =	sdelay $0x1  }
0x2: {  	s1 =	srdreg.scid  }
0x3: {  	s0 =	sand.u32 $0x1, s1  }
0x4: {  	s18 =	sshll.u32 s0, $0xA;
	s2 =	sadd.s32 s3, s2  }
0x5: {  	s2 =	sadd.s32 s2, s18  }
0x6: {  	[smem:$0x3FC6] =	sst s2  }
0x7: {  	_ = 	snop  }
0x8: {  	s2 =	sld [smem:$0x3FD0];
	(tm) =	ssettm $0x1  }
0x9: {  	s19 =	sld [smem:$0x3FFB];
	_ =	sdelay $0x3  }
0xa: {  	_ =	strace s19  }
0xb: {  	s3 =	sld [smem:$0x3FFC];
	_ =	sdelay $0x3  }
0xc: {  	_ =	strace s3  }
0xd: {  	s3 =	sld [smem:$0x3FFD];
	_ =	sdelay $0x3  }
0xe: {  	_ =	strace s3  }
0xf: {  	_ =	strace $0x8FFFFFFF  }
0x10: {  	s20 =	sld [smem:$0x3FDB];
	_ =	sdelay $0x1  }
0x11: {  	s4 =	simm.s32 $_scs_section_size  }
0x12: {  	s5 =	simm.s32 $_size__tile_overlayer_lowered;
	s6 =	simm.s32 $_tile_overlayer_lowered  }
0x13: {  	s23 =	simm.s32 $0x1BFF;
	s22 =	sshll.u32 s6, $0x1;
	s3 =	sadd.s32 s4, s20  }
0x14: {  	s7 =	simm.s32 $0x0;
	s21 =	sshll.u32 s5, $0x1;
	s5 =	sadd.s32 s22, s3  }
0x15: {  	[timem:s7], [sflag:s23] =	dma.local [hbm:s5], s21  }
0x16: {  	_ =	swait.ge [sflag:s23], s21  }
0x17: {  	s4 =	ssub.s32 $0x0, s21;
	[sflag:s23] =	ssyncset.done $0x0  }
0x18: {  	[sflag:s23] =	ssyncadd.s32 s4;
	_ =	sdelay $0x1  }
0x19: {  	s24 =	simm.s32 $0x1B8B  }
0x1a: {  	_ =	swait.ge [sflag:s24], $0x1  }
0x1b: {  	[sflag:s24] =	ssyncset.done $0x0  }
0x1c: {  	s26 =	simm.s32 $0x1B8E;
	s25 =	sld [smem:$0x3FFE];
	[sflag:s24] =	ssyncadd.s32 $0xFFFFFFFF  }
0x1d: {  	s27 =	simm.s32 $execute0_lowered;
	[smem:$0x3FD2] =	sst s26  }
0x1e: {  	s5 =	sshll.u32 s27, $0x1;
	_ =	strace $0x80000049;
	[dreg:$0x1] =	wrdreg $0xFFFFFFFF  }
0x1f: {  	s28 =	simm.s32 $_size_execute0_lowered;
	s3 =	sadd.s32 s3, s5;
	[dreg:$0x0] =	wrdreg $0x0  }
0x20: {  	s5 =	sshll.u32 s28, $0x1;
	[dreg:$0x2] =	wrdreg s3  }
0x21: {  	[dreg:$0x3] =	wrdreg s5  }
0x22: {  	[dreg:$0x4] =	wrdreg $0xC0  }
0x23: {  	_ =	task [dreg:s7], $0x5FFFF  }
0x24: {  	[dreg:$0x1] =	wrdreg $0xFFFFFFFF  }
0x25: {  	[dreg:$0x0] =	wrdreg $0x60  }
0x26: {  	[dreg:$0x2] =	wrdreg s25  }
0x27: {  	[dreg:$0x3] =	wrdreg s2  }
0x28: {  	[dreg:$0x4] =	wrdreg $0x9  }
0x29: {  	_ =	task.clear_ibuf [dreg:s7], $0x5FFFF;
	_ =	strace $0x90000049  }
0x2a: {  	s29 =	simm.s32 $0x9;
	_ =	strace $0x8000004B  }
0x2b: {  	_ =	swait.ge [sflag:s29], $0x1  }
0x2c: {  	[sflag:s29] =	ssyncadd.s32 $0xFFFFFFFF  }
0x2d: {  	_ =	strace $0x9000004B  }
0x2e: {  	_ =	sfence  }
0x2f: {  	s30 =	sld [smem:$0x0];
	_ =	sdelay $0x2  }
0x30: {  	s31 =	sshll.u32 s1, $0xD;
	s1 =	sshrl.u32 s1, $0x2  }
0x31: {  	s3 =	sand.u32 $0x4000, s31;
	s1 =	sadd.s32 s1, s30  }
0x32: {  	s0 =	sor.u32 s3, s0;
	s1 =	sshll.u32 s1, $0x11  }
0x33: {  	s0 =	sor.u32 s1, s0  }
0x34: {  	s0 =	sadd.s32 $0x8F2B, s0  }
0x35: {  	[sflag:s0] =	ssyncadd.remote.s32 $0x1  }
0x36: {  	_ =	sfence.sel $0xFFFF  }
0x37: {  	[dreg:$0x0] =	wrdreg $0xFFFFFFFF;
	(pc) =	sbr.abs _section_cstart, $3  }
0x38: {  	[dreg:$0x1] =	wrdreg $0xFFFFFFFF  }
0x39: {  	_ =	task.clear_ibuf [dreg:s7], $0x2FFFF;
	_ =	strace $0x9FFFFFFF  }
0x3a: {  	(tm) =	ssettm $0x7FFFFFFF  }
0x3b: {  	_ =	shalt  }
tec
execute0_lowered:
.L_overlay_start_1:
0x0: {  	(tag) =	ssettag $0x1  }
0x1: {  	s0 =	srdreg.scid  }
0x2: {  	s30 =	rddreg [dreg:$0x0];
	_ =	strace $0x8000004A;
	s4 =	simm.s32 $0x1  }
0x3: {  	s31 =	simm.s32 $0x2;
	s24 =	stileid.u32;
	s19 =	simm.s32 $0x0  }
0x4: {  	s9 =	simm.s32 $0x0;
	s21 =	simm.s32 $0x0;
	s0 =	sshll.u32 s0, $0x3  }
0x5: {  	s20 =	simm.s32 $0x0;
	s22 =	simm.s32 $0x0;
	s1 =	sand.u32 $0x8, s0  }
0x6: {  	s10 =	simm.s32 $0x0;
	s11 =	simm.s32 $0x0;
	s2 =	ssub.s32 $0x20, s1  }
0x7: {  	s12 =	simm.s32 $0x0;
	s13 =	simm.s32 $0x0;
	s3 =	sshrl.u32 s2, $0x3  }
.Ltmp0:
0x8: {  	s2 =	sshrl.u32 s2, $0x4;
	s3 =	sand.u32 $0x1, s3;
	(pc) =	sbr.rel .LBB1_1-.Ltmp0, $4  }
0x9: {  	s14 =	simm.s32 $0x0;
	s15 =	simm.s32 $0x0;
	s2 =	sadd.s32 s2, s3  }
0xa: {  	s17 =	stileid.u32;
	s18 =	simm.s32 $0x0;
	s5 =	smul.u32 $0x28, s2  }
0xb: {  	s28 =	simm.s32 $0x0;
	[sflag:s4] =	ssyncpa.u1 $0x0;
	s6 =	sadd.s32 $0x800, s30  }
0xc: {  	[sflag:s31] =	ssyncpa.u1 $0x0;
	s16 =	smov.u32 s1;
	s7 =	sor.u32 $0x1, s5  }
.LBB1_7:
0xd: {  	p0 =	slt.u32 s18, $0x2;
	s0 =	smov.u32 s22  }
0xe: {  	s23 =	smov.u32 s15;
	s9 =	sadd.s32 $0x4000, s9;
	p1 =	sgt.s32 @!p0 s22, $0xF  }
0xf: {  	s2 =	sshra.s32 @!p0 s22, $0x1F;
	p2 =	sgt.s32 @!p0 s21, $0x7;
	p1 =	por !p1, p0  }
0x10: {  	s3 =	sshra.s32 @!p0 s21, $0x1F;
	s2 =	sand.u32 @!p0 s2, s22;
	s0 =	simm.s32 @p1 $0xF  }
0x11: {  	s4 =	sshra.s32 @!p0 s20, $0x1F;
	p2 =	por !p2, p0;
	s0 =	ssub.s32 @!p0 s0, s2  }
0x12: {  	s3 =	sand.u32 @!p0 s3, s21;
	s4 =	sand.u32 @!p0 s4, s20;
	s2 =	sadd.s32 @!p0 $0xFFFFFFF1, s0  }
0x13: {  	s22 =	smov.u32 s13;
	p1 =	sgt.s32 @!p0 s2, $0x0;
	s2 =	smov.u32 s21  }
0x14: {  	s13 =	smov.u32 s17;
	s0 =	ssub.s32 @!p0 $0x10, s0;
	s2 =	simm.s32 @p2 $0x7  }
0x15: {  	p1 =	por !p1, p0;
	p2 =	sgt.s32 @!p0 s20, $0x18;
	s2 =	ssub.s32 @!p0 s2, s3  }
0x16: {  	p2 =	por !p2, p0;
	s3 =	smov.u32 s20;
	s0 =	simm.s32 @!p1 $0x0  }
0x17: {  	p1 =	sgt.s32 @!p0 s19, $0x1300;
	s3 =	simm.s32 @p2 $0x18;
	s8 =	sadd.s32 @!p0 $0xFFFFFFF9, s2  }
0x18: {  	p1 =	por !p1, p0;
	s2 =	ssub.s32 @!p0 $0xF, s2;
	s3 =	ssub.s32 @!p0 s3, s4  }
0x19: {  	p2 =	sgt.s32 @!p0 s8, $0x7;
	s8 =	smov.u32 s19;
	s4 =	sadd.s32 @!p0 $0xFFFFFFE8, s3  }
0x1a: {  	s8 =	simm.s32 @p1 $0x1300;
	p1 =	sgt.s32 @!p0 s4, $0x7;
	s4 =	sshra.s32 @!p0 s19, $0x1F  }
0x1b: {  	s3 =	ssub.s32 @!p0 $0x20, s3;
	s4 =	sand.u32 @!p0 s4, s19;
	p1 =	por !p1, p0  }
0x1c: {  	p2 =	por !p2, p0;
	s4 =	ssub.s32 @!p0 s8, s4;
	s3 =	simm.s32 @!p1 $0x0  }
0x1d: {  	s2 =	simm.s32 @!p2 $0x0;
	s8 =	sadd.s32 @!p0 $0xFFFFED00, s4;
	s0 =	smul.u32 @!p0 s0, s3  }
0x1e: {  	s3 =	sadd.s32 $0x100, s14;
	s4 =	ssub.s32 @!p0 $0x1400, s4;
	p1 =	sgt.s32 @!p0 s8, $0xFF  }
0x1f: {  	p2 =	sgt.s32 s3, $0x13FF;
	s8 =	sadd.s32 $0x8, s15;
	p1 =	por !p1, p0  }
0x20: {  	s0 =	smul.u32 @!p0 s2, s0;
	s23 =	smov.u32 @p2 s8;
	s2 =	sadd.s32 $0x10, s16  }
0x21: {  	s8 =	smov.u32 s16;
	s4 =	simm.s32 @!p1 $0x0;
	p1 =	sgt.s32 s23, $0xE  }
0x22: {  	s3 =	simm.s32 @p2 $0x0;
	s0 =	smul.u32 @!p0 s4, s0;
	s8 =	smov.u32 @p1 s2  }
0x23: {  	s2 =	sadd.s32 $0x10, s17;
	s4 =	smov.u32 s17;
	p2 =	sgt.s32 s8, $0x1F  }
0x24: {  	s21 =	smov.u32 s11;
	s11 =	smov.u32 s15;
	s4 =	smov.u32 @p2 s2  }
0x25: {  	s20 =	smov.u32 s12;
	s23 =	simm.s32 @p1 $0x0;
	p1 =	sgt.s32 s4, $0xF  }
0x26: {  	s12 =	smov.u32 s16;
	s4 =	smov.u32 @p1 s24;
	p1 =	sne.s32 s18, s7  }
.Ltmp1:
0x27: {  	s19 =	smov.u32 s10;
	s10 =	smov.u32 s14;
	(pc) =	sbr.rel @!p1 .LBB1_8-.Ltmp1, $4  }
0x28: {  	s14 =	smov.u32 s3;
	s0 =	sand.u32 @!p0 $0x3FFFFFFF, s0;
	s2 =	simm.s32 @!p0 $0x2  }
0x29: {  	s15 =	smov.u32 s23;
	s8 =	smov.u32 @p2 s1;
	_ =	swait.ge @!p0 [sflag:s2], s0  }
0x2a: {  	s0 =	ssub.s32 @!p0 $0x0, s0;
	s16 =	smov.u32 s8;
	[sflag:s2] =	ssyncset.done @!p0 $0x0  }
0x2b: {  	s18 =	sadd.s32 $0x1, s18;
	[sflag:s2] =	ssyncadd.s32 @!p0 s0;
	s17 =	smov.u32 s4  }
.LBB1_1:
0x2c: {  	p0 =	sge.u32 s18, s5  }
0x2d: {  	s0 =	sshrl.u32 @!p0 s15, $0x3  }
0x2e: {  	s2 =	sshll.u32 @!p0 s14, $0x3;
	s3 =	sshll.u32 @!p0 s15, $0x7;
	s0 =	smul.u32 @!p0 $0xA000, s0  }
0x2f: {  	s4 =	sand.u32 @!p0 $0x7F, s14;
	s2 =	sand.u32 @!p0 $0xFFFFFC00, s2;
	s3 =	sand.u32 @!p0 $0x380, s3  }
0x30: {  	s0 =	sadd.s32 @!p0 s0, s2;
	s2 =	sor.u32 @!p0 s4, s3  }
0x31: {  	s2 =	sor.u32 @!p0 s0, s2  }
0x32: {  	s3 =	smulhi.u32 @!p0 $0xCCCCCCCD, s2  }
0x33: {  	s0 =	smulhi.u32 @!p0 $0xCCCCCCCD, s0  }
0x34: {  	s31 =	sadd.s32 $0xFFFFFFFF, s18;
	s8 =	smul.u32 @!p0 $0x50000, s17;
	s3 =	sshrl.u32 @!p0 s3, $0xC  }
0x35: {  	s4 =	sxor.u32 @!p0 $0xFFFFFFFF, s18;
	s0 =	sshrl.u32 @!p0 s0, $0xC;
	s3 =	smul.u32 @!p0 $0x1400, s3  }
0x36: {  	s23 =	smul.u32 @!p0 $0x2800, s16;
	s4 =	sshll.u32 @!p0 s4, $0xE;
	s0 =	sand.u32 @!p0 $0xF, s0  }
0x37: {  	s0 =	smul.u32 @!p0 $0x280, s0;
	s2 =	ssub.s32 @!p0 s2, s3;
	s3 =	sadd.s32 @!p0 s6, s8  }
0x38: {  	s4 =	sand.u32 @!p0 $0x4000, s4;
	s3 =	sadd.s32 @!p0 s23, s3;
	s8 =	sand.u32 @!p0 $0x7, s2  }
0x39: {  	s2 =	sshrl.u32 @!p0 s2, $0x3;
	s0 =	sadd.s32 @!p0 s0, s3;
	s3 =	sshll.u32 @!p0 s8, $0x12  }
0x3a: {  	s0 =	sadd.s32 @!p0 s2, s0;
	s2 =	sor.u32 @!p0 $0x800, s3;
	s3 =	simm.s32 @!p0 $0x14000  }
0x3b: {  	[tilespmem:s4], [sflag:$0x1] =	stream.strided.gather @!p0 [hbm4b:s0+s2], $0x4000, s3, s2, $0x38;
	[tilespmem:$0x10000] =	vst v63  }
0x3c: {  	p0 =	sge.u32 s31, s5  }
.Ltmp2:
0x3d: {  	_ = 	snop;
	(pc) =	sbr.rel @p0 .LBB1_7-.Ltmp2, $1  }
0x3e: {  	_ =	sdelay $0x3  }
0x3f: {  	s0 =	sshll.u32 s9, $0x2  }
0x40: {  	s4 =	simm.s32 $0x1;
	s3 =	sshll.u32 s18, $0xE;
	p0 =	por $0x0, $0x0  }
0x41: {  	s29 =	simm.s32 $0x0;
	s30 =	simm.s32 $0x0;
	s0 =	sand.u32 $0x10000, s0  }
0x42: {  	_ =	swait.ge [sflag:s4], $0x4000;
	s26 =	sand.u32 $0x4000, s3;
	s0 =	sshrl.u32 s0, $0x2  }
0x43: {  	[sflag:s4] =	ssyncset.done $0x0;
	s23 =	sor.u32 $0x8000, s26;
	s24 =	sor.u32 $0x40, s0  }
0x44: {  	s2 =	sor.u32 $0x8410, s0;
	[sflag:s4] =	ssyncadd.s32 $0xFFFFC000;
	s27 =	sadd.s32 $0x8400, s0  }
.LBB1_3:
0x45: {  	v1 =	vld [tilespmem:s24+$0xFFFFFFD0]  }
0x46: {  	v2 =	vld [tilespmem:s24+$0x430]  }
0x47: {  	s0 =	sshll.u32 s30, $0xB;
	v4 =	vld [tilespmem:s24+$0xFFFFFFE0]  }
0x48: {  	v7 =	vld [tilespmem:s24+$0xFFFFFFF0];
	v0 =	vmov s0  }
0x49: {  	v8 =	vld [tilespmem:s24+$0x0]  }
0x4a: {  	s8 =	sand.u32 $0x300, s28;
	v9 =	vld [tilespmem:s24+$0x10]  }
0x4b: {  	s3 =	sand.u32 $0x80, s28;
	v10 =	vld [tilespmem:s24+$0x20];
	s0 =	sadd.s32 s8, s26  }
0x4c: {  	v11 =	vld [tilespmem:s24+$0x30];
	s0 =	sadd.s32 s3, s0;
	s3 =	simm.s32 $0x1;
	[tilespmem:s2+$0x60] =	vst v2  }
0x4d: {  	s25 =	sshll.u32 s29, $0x2;
	s3 =	simm.s32 @!p0 $0x0;
	[tilespmem:s2+$0xFFFFFC00] =	vst v1;
	v3 =	vld.idx.msk [tilespmem:v0+s0+$0x400 ss:$0x1], $0xffff  }
0x4e: {  	v6 =	vld [tilespmem:s24+$0x3D0];
	s3 =	sshll.u32 s3, $0x9;
	[tilespmem:s2+$0xFFFFFC10] =	vst v4;
	s0 =	sand.u32 $0xFFFFFC00, s25  }
0x4f: {  	v5 =	vld [tilespmem:s24+$0x3E0];
	[tilespmem:s2+$0xFFFFFC20] =	vst v7;
	s0 =	sor.u32 s3, s0  }
0x50: {  	[tilespmem:s2+$0xFFFFFC30] =	vst v8;
	v4 =	vld [tilespmem:s24+$0x400];
	s0 =	sshrl.u32 s0, $0x2  }
0x51: {  	[tilespmem:s2+$0xFFFFFC40] =	vst v9;
	v1 =	vld [tilespmem:s24+$0x410];
	s31 =	sadd.s32 s0, s27  }
0x52: {  	[tilespmem:s31+$0x0] =	vst v3;
	v3 =	vld [tilespmem:s24+$0x3F0]  }
0x53: {  	s8 =	simm.s32 $0x100;
	[tilespmem:s2+$0xFFFFFC50] =	vst v10;
	v2 =	vld [tilespmem:s24+$0x420];
	s3 =	simm.s32 $0x80  }
0x54: {  	v7 =	vld [tilespmem:s24+$0xFFFFFFC0];
	[tilespmem:s2+$0xFFFFFC60] =	vst v11;
	s25 =	smov.u32 s2;
	s4 =	sand.u32 $0x300, s3;
	s0 =	sadd.s32 $0x80, s24  }
.LBB1_4:
0x55: {  	p1 =	sne.s32 s8, $0x380;
	v8 =	vld [tilespmem:s0+$0xFFFFFFD0];
	s3 =	sand.u32 $0x80, s3;
	s4 =	sadd.s32 s4, s26;
	[tilespmem:s25+$0x0] =	vst v6  }
0x56: {  	s4 =	sadd.s32 s3, s4;
	v6 =	vld [tilespmem:s0+$0x430];
	[tilespmem:s25+$0x10] =	vst v5;
	s3 =	smov.u32 s8  }
0x57: {  	v5 =	vld.idx.msk [tilespmem:v0+s4+$0x400 ss:$0x1], $0xffff;
	[tilespmem:s25+$0x20] =	vst v3  }
0x58: {  	v3 =	vld [tilespmem:s0+$0xFFFFFFE0];
	[tilespmem:s25+$0x30] =	vst v4  }
0x59: {  	v4 =	vld [tilespmem:s0+$0xFFFFFFF0];
	[tilespmem:s25+$0xFFFFFBF0] =	vst v7  }
0x5a: {  	v7 =	vld [tilespmem:s0+$0x0];
	[tilespmem:s25+$0x40] =	vst v1  }
0x5b: {  	v1 =	vld [tilespmem:s0+$0x10];
	[tilespmem:s25+$0x50] =	vst v2;
	s25 =	sadd.s32 $0x800, s25  }
0x5c: {  	s31 =	sadd.s32 $0x800, s31;
	v2 =	vld [tilespmem:s0+$0x20];
	[tilespmem:s25+$0x60] =	vst v6  }
0x5d: {  	v9 =	vld [tilespmem:s0+$0x30];
	[tilespmem:s31+$0x0] =	vst v5  }
0x5e: {  	[tilespmem:s25+$0xFFFFFC00] =	vst v8;
	v6 =	vld [tilespmem:s0+$0x3D0]  }
0x5f: {  	[tilespmem:s25+$0xFFFFFC10] =	vst v3;
	v5 =	vld [tilespmem:s0+$0x3E0]  }
.Ltmp3:
0x60: {  	[tilespmem:s25+$0xFFFFFC20] =	vst v4;
	v3 =	vld [tilespmem:s0+$0x3F0];
	(pc) =	sbr.rel @p1 .LBB1_4-.Ltmp3, $4  }
0x61: {  	[tilespmem:s25+$0xFFFFFC30] =	vst v7;
	v4 =	vld [tilespmem:s0+$0x400]  }
0x62: {  	[tilespmem:s25+$0xFFFFFC40] =	vst v1;
	v1 =	vld [tilespmem:s0+$0x410]  }
0x63: {  	[tilespmem:s25+$0xFFFFFC50] =	vst v2;
	v2 =	vld [tilespmem:s0+$0x420]  }
0x64: {  	s8 =	sadd.s32 $0x80, s8;
	s4 =	sand.u32 $0x300, s3;
	v7 =	vld [tilespmem:s0+$0xFFFFFFC0];
	[tilespmem:s25+$0xFFFFFC60] =	vst v9;
	s0 =	sadd.s32 $0x80, s0  }
0x65: {  	[tilespmem:s25+$0x0] =	vst v6  }
0x66: {  	[tilespmem:s25+$0x10] =	vst v5  }
0x67: {  	v49 =	vld [tilespmem:s0+$0x430];
	[tilespmem:s25+$0x20] =	vst v3  }
0x68: {  	v50 =	vld [tilespmem:s0+$0xFFFFFFD0];
	[tilespmem:s25+$0x30] =	vst v4  }
0x69: {  	v51 =	vld [tilespmem:s0+$0xFFFFFFE0];
	[tilespmem:s25+$0x40] =	vst v1  }
0x6a: {  	v52 =	vld [tilespmem:s0+$0xFFFFFFF0];
	[tilespmem:s25+$0x50] =	vst v2  }
0x6b: {  	v53 =	vld [tilespmem:s0+$0x0];
	[tilespmem:s25+$0xFFFFFBF0] =	vst v7;
	s25 =	sadd.s32 $0x800, s25  }
0x6c: {  	v54 =	vld [tilespmem:s0+$0x10];
	[tilespmem:s25+$0x60] =	vst v49  }
0x6d: {  	v55 =	vld [tilespmem:s0+$0x20];
	[tilespmem:s25+$0xFFFFFC00] =	vst v50  }
0x6e: {  	v56 =	vld [tilespmem:s0+$0x30];
	[tilespmem:s25+$0xFFFFFC10] =	vst v51  }
0x6f: {  	v57 =	vld [tilespmem:s0+$0x3D0];
	[tilespmem:s25+$0xFFFFFC20] =	vst v52  }
0x70: {  	v58 =	vld [tilespmem:s0+$0x3E0];
	[tilespmem:s25+$0xFFFFFC30] =	vst v53  }
0x71: {  	v59 =	vld [tilespmem:s0+$0x3F0];
	[tilespmem:s25+$0xFFFFFC40] =	vst v54  }
0x72: {  	v60 =	vld [tilespmem:s0+$0x400];
	[tilespmem:s25+$0xFFFFFC50] =	vst v55  }
0x73: {  	v61 =	vld [tilespmem:s0+$0xFFFFFFC0];
	[tilespmem:s25+$0xFFFFFC60] =	vst v56  }
0x74: {  	s3 =	sand.u32 $0x80, s3;
	s4 =	sadd.s32 s4, s26;
	v62 =	vld [tilespmem:s0+$0x410];
	[tilespmem:s25+$0x0] =	vst v57  }
0x75: {  	v63 =	vld [tilespmem:s0+$0x420];
	s30 =	sadd.s32 $0x1, s30;
	s3 =	sadd.s32 s3, s4;
	[tilespmem:s25+$0x10] =	vst v58  }
0x76: {  	p1 =	sne.s32 s30, $0x8;
	v0 =	vld.idx.msk [tilespmem:v0+s3+$0x400 ss:$0x1], $0xffff;
	[tilespmem:s25+$0x20] =	vst v59  }
.Ltmp4:
0x77: {  	[tilespmem:s25+$0x30] =	vst v60;
	(pc) =	sbr.rel @p1 .LBB1_3-.Ltmp4, $4  }
0x78: {  	[tilespmem:s25+$0xFFFFFBF0] =	vst v61  }
0x79: {  	[tilespmem:s25+$0x40] =	vst v62  }
0x7a: {  	s31 =	sadd.s32 $0x800, s31;
	s24 =	sadd.s32 $0x800, s24;
	[tilespmem:s25+$0x50] =	vst v63  }
0x7b: {  	s29 =	sadd.s32 $0x80, s29;
	p0 =	por !p0, !p0;
	s2 =	sadd.s32 $0x80, s2;
	[tilespmem:s31+$0x0] =	vst v0  }
0x7c: {  	s0 =	sshrl.u32 s12, $0x3  }
0x7d: {  	s2 =	sshll.u32 s10, $0x3;
	s3 =	sand.u32 $0x7F, s10;
	s4 =	sshll.u32 s12, $0x7  }
0x7e: {  	p0 =	sgt.s32 s13, $0xF;
	s8 =	smov.u32 s13;
	s24 =	sshra.s32 s13, $0x1F  }
0x7f: {  	p1 =	sgt.s32 s11, $0x7;
	s26 =	sshra.s32 s11, $0x1F;
	p2 =	sgt.s32 s12, $0x18  }
0x80: {  	s25 =	smov.u32 s12;
	s0 =	smul.u32 $0xA000, s0;
	s2 =	sand.u32 $0xFFFFFC00, s2  }
0x81: {  	s4 =	sand.u32 $0x380, s4;
	s8 =	simm.s32 @!p0 $0xF;
	s24 =	sand.u32 s24, s13  }
0x82: {  	s25 =	simm.s32 @!p2 $0x18;
	s27 =	sor.u32 s4, s3;
	s29 =	ssub.s32 s8, s24  }
0x83: {  	s4 =	smov.u32 s11;
	s24 =	sand.u32 s26, s11;
	s0 =	sadd.s32 s0, s2  }
0x84: {  	s30 =	sadd.s32 $0xFFFFFFF1, s29;
	s4 =	simm.s32 @!p1 $0x7;
	s3 =	ssub.s32 $0x10, s29  }
0x85: {  	s2 =	sor.u32 s0, s27;
	p0 =	sgt.s32 s30, $0x0;
	s0 =	smulhi.u32 $0xCCCCCCCD, s0  }
0x86: {  	s4 =	ssub.s32 s4, s24;
	s27 =	sshra.s32 s12, $0x1F;
	s31 =	smulhi.u32 $0xCCCCCCCD, s2  }
0x87: {  	s24 =	sand.u32 s27, s12;
	s3 =	simm.s32 @p0 $0x0;
	s29 =	sadd.s32 $0xFFFFFFF9, s4  }
0x88: {  	s4 =	ssub.s32 $0xF, s4;
	s24 =	ssub.s32 s25, s24;
	p0 =	sgt.s32 s29, $0x7  }
0x89: {  	s25 =	smov.u32 s10;
	s0 =	sshrl.u32 s0, $0xC;
	s29 =	smul.u32 $0x4B000, s13  }
0x8a: {  	s8 =	sshrl.u32 s31, $0xC;
	s30 =	sadd.s32 $0xFFFFFFE8, s24;
	s4 =	simm.s32 @p0 $0x0  }
0x8b: {  	s24 =	ssub.s32 $0x20, s24;
	s31 =	sshra.s32 s10, $0x1F;
	s0 =	sand.u32 $0x1F, s0  }
0x8c: {  	s8 =	smul.u32 $0x1400, s8;
	p0 =	sgt.s32 s30, $0x7;
	s26 =	sand.u32 s31, s10  }
0x8d: {  	s30 =	smul.u32 $0x5000, s11;
	s24 =	simm.s32 @p0 $0x0;
	p0 =	sgt.s32 s10, $0x1300  }
0x8e: {  	s0 =	smul.u32 $0x280, s0;
	s31 =	rddreg [dreg:$0x1];
	s25 =	simm.s32 @!p0 $0x1300  }
0x8f: {  	s3 =	smul.u32 s3, s24;
	s2 =	ssub.s32 s2, s8;
	s8 =	ssub.s32 s25, s26  }
0x90: {  	s24 =	sadd.s32 s31, s29;
	s31 =	simm.s32 $0x28000;
	s27 =	sadd.s32 $0xFFFFED00, s8  }
0x91: {  	s3 =	smul.u32 s4, s3;
	s4 =	ssub.s32 $0x1400, s8;
	p0 =	sgt.s32 s27, $0xFF  }
.Ltmp5:
0x92: {  	s26 =	sadd.s32 s30, s24;
	s4 =	simm.s32 @p0 $0x0;
	(pc) =	sbr.rel .LBB1_7-.Ltmp5, $4  }
0x93: {  	s24 =	stileid.u32;
	s27 =	sand.u32 $0x7, s2;
	s3 =	smul.u32 s4, s3  }
0x94: {  	s0 =	sadd.s32 s0, s26;
	s2 =	sshrl.u32 s2, $0x3;
	s29 =	sshll.u32 s27, $0x12  }
0x95: {  	s0 =	sadd.s32 s2, s0;
	s30 =	sor.u32 $0x800, s29;
	s3 =	sand.u32 $0x3FFFFFFF, s3  }
0x96: {  	[hbm4b:s0+s30] =	stream.strided.scatter [tilespmem:s23], [sflag:$0x2], s3, s31, s30, $0x38;
	[tilespmem:$0x10000] =	vst v63  }
.LBB1_8:
0x97: {  	_ =	sfence.sel $0x180000  }
0x98: {  	s0 =	simm.s32 $0x1;
	[bflag:$0x0] =	sbarrier.arrive $0xFFFF  }
0x99: {  	s31 =	simm.s32 $0x2;
	[sflag:s0] =	ssyncpa.u1 $0x1  }
0x9a: {  	[sflag:s31] =	ssyncpa.u1 $0x1  }
0x9b: {  	_ =	strace $0x9000004A  }
0x9c: {  	[bflag:$0x2] =	sbarrier.arrive $0xFFFF  }
0x9d: {  	p0 =	sne.s32 s24, $0x0;
	s0 =	rddreg [dreg:$0x2]  }
0x9e: {  	s0 =	sadd.s32 @!p0 $0x100000, s0  }
0x9f: {  	[sflag:s0] =	ssyncadd.tile.s32 @!p0 $0x1;
	_ =	shalt  }
.Lfunc_end1:
_tile_overlayer_lowered:
.L_overlay_start_2:
0xa0: {  	(tag) =	ssettag $0x2  }
0xa1: {  	s0 =	rddreg [dreg:$0x0];
	s2 =	stileid.u32  }
0xa2: {  	s1 =	rddreg [dreg:$0x1];
	p0 =	sne.s32 s2, $0x0  }
0xa3: {  	s3 =	rddreg [dreg:$0x2];
	[bflag:$0x3] =	sbarrier.arrive $0xFFFF;
	s2 =	simm.s32 @!p0 $0x1C01  }
0xa4: {  	[timem:s3], [sflag:s2] =	dma.local @!p0 [hbm:s0], s1  }
0xa5: {  	s0 =	simm.s32 @!p0 $0x1  }
0xa6: {  	_ =	swait.ge @!p0 [sflag:s0], s1  }
0xa7: {  	s1 =	ssub.s32 @!p0 $0x0, s1;
	[sflag:s0] =	ssyncset.done @!p0 $0x0  }
0xa8: {  	[sflag:s0] =	ssyncadd.s32 @!p0 s1  }
0xa9: {  	[bflag:$0x3] =	sbarrier.arrive $0xFFFF  }
0xaa: {  	_ =	shalt  }

</sc_bundles>
